<compile_context>
chip_gen: v7x
topology: tpu7x:2x2x1
jax: 0.10.2.dev20260603
libtpu: 0.0.44.dev20260713+nightly
codegen_flags: <defaults>
</compile_context>

<pallas_src>
import jax
import jax.numpy as jnp
from jax import lax
from jax.experimental import pallas as pl
from jax.experimental.pallas import tpu as pltpu
from jax.experimental.pallas import tpu_sc as plsc

N = 10000
D = 256
H = 256
HALF = 128
E = 160000
NTILE = 16
NCORE = 2
CHUNK = 128
NCHUNK = 80
GC = 16
EPT = NCHUNK * CHUNK
EPAD = EPT * NTILE
ROWS_PT = 632
NPAD = ROWS_PT * NTILE
BN = 2000
NBLK = N // BN

_sc_mesh = plsc.VectorSubcoreMesh(core_axis_name="c", subcore_axis_name="s")


def _deg_body(dst_hbm, ones_hbm, zeros_hbm, out_hbm, idx_v, ones_v, acc):
    c = lax.axis_index("c")
    s = lax.axis_index("s")
    pltpu.sync_copy(dst_hbm.at[s, pl.ds(c * (NCHUNK // 2), NCHUNK // 2)], idx_v)
    pltpu.sync_copy(ones_hbm, ones_v)
    pltpu.sync_copy(zeros_hbm.at[pl.ds(s * ROWS_PT, ROWS_PT)],
                    acc.at[pl.ds(s * ROWS_PT, ROWS_PT)])
    plsc.subcore_barrier()

    def body(j, carry):
        pltpu.sync_copy(ones_v, acc.at[idx_v.at[j]], add=True)
        return carry

    lax.fori_loop(0, NCHUNK // 2, body, 0)
    plsc.subcore_barrier()
    pltpu.sync_copy(acc.at[pl.ds(s * ROWS_PT, ROWS_PT)],
                    out_hbm.at[c, pl.ds(s * ROWS_PT, ROWS_PT)])


def _make_deg_kernel(interpret=False):
    return pl.kernel(
        _deg_body,
        out_type=jax.ShapeDtypeStruct((NCORE, NPAD, HALF), jnp.float32),
        mesh=_sc_mesh,
        scratch_types=[
            pltpu.VMEM((NCHUNK // 2, CHUNK), jnp.int32),
            pltpu.VMEM((CHUNK, HALF), jnp.float32),
            pltpu.VMEM_SHARED((NPAD, HALF), jnp.float32),
        ],
        interpret=interpret,
    )


_deg_kernel = _make_deg_kernel()


def _spmm_body(z_hbm, src_hbm, dst_hbm, zeros_hbm, out_hbm,
               src_v, dst_v, rows_v, acc, sem0, sem1):
    c = lax.axis_index("c")
    s = lax.axis_index("s")
    pltpu.sync_copy(zeros_hbm.at[pl.ds(s * ROWS_PT, ROWS_PT)],
                    acc.at[pl.ds(s * ROWS_PT, ROWS_PT)])
    plsc.subcore_barrier()

    def gather(j, b, sem):
        return pltpu.make_async_copy(z_hbm.at[src_v.at[j]], rows_v.at[b], sem)

    def group(g, carry):
        pltpu.sync_copy(src_hbm.at[c, s, pl.ds(g * GC, GC)], src_v)
        pltpu.sync_copy(dst_hbm.at[s, pl.ds(g * GC, GC)], dst_v)
        gather(0, 0, sem0).start()

        def body(i, inner):
            j0 = 2 * i
            gather(j0 + 1, 1, sem1).start()
            gather(j0, 0, sem0).wait()
            pltpu.sync_copy(rows_v.at[0], acc.at[dst_v.at[j0]], add=True)

            @pl.when(i < GC // 2 - 1)
            def _():
                gather(j0 + 2, 0, sem0).start()

            gather(j0 + 1, 1, sem1).wait()
            pltpu.sync_copy(rows_v.at[1], acc.at[dst_v.at[j0 + 1]], add=True)
            return inner

        lax.fori_loop(0, GC // 2, body, 0)
        return carry

    lax.fori_loop(0, NCHUNK // GC, group, 0)
    plsc.subcore_barrier()
    pltpu.sync_copy(acc.at[pl.ds(s * ROWS_PT, ROWS_PT)],
                    out_hbm.at[c, pl.ds(s * ROWS_PT, ROWS_PT)])


def _make_spmm_kernel(interpret=False):
    return pl.kernel(
        _spmm_body,
        out_type=jax.ShapeDtypeStruct((NCORE, NPAD, HALF), jnp.float32),
        mesh=_sc_mesh,
        scratch_types=[
            pltpu.VMEM((GC, CHUNK), jnp.int32),
            pltpu.VMEM((GC, CHUNK), jnp.int32),
            pltpu.VMEM((2, CHUNK, HALF), jnp.float32),
            pltpu.VMEM_SHARED((NPAD, HALF), jnp.float32),
            pltpu.SemaphoreType.DMA,
            pltpu.SemaphoreType.DMA,
        ],
        interpret=interpret,
    )


_spmm_kernel = _make_spmm_kernel()


def _dinv_from(deg_blk):
    dsum = deg_blk[0] + deg_blk[1]
    return jnp.where(dsum > 0, lax.rsqrt(dsum), 0.0)[:, :1]


def _tca_body(x_ref, w1_ref, z_ref):
    xu = x_ref[...]
    w1 = w1_ref[...]
    z_ref[0] = jnp.dot(xu, w1[:, :HALF], preferred_element_type=jnp.float32)
    z_ref[1] = jnp.dot(xu, w1[:, HALF:], preferred_element_type=jnp.float32)


def _scale_body(z_ref, deg_ref, out_ref):
    dinv = _dinv_from(deg_ref)
    out_ref[0] = z_ref[0] * dinv
    out_ref[1] = z_ref[1] * dinv


def _tcb_body(agg_ref, x_ref, deg_ref, b1_ref, w2_ref, h_ref, z2_ref):
    dinv = _dinv_from(deg_ref)
    h0 = jax.nn.relu(agg_ref[0] * dinv + b1_ref[0, :HALF]) + x_ref[:, :HALF]
    h1 = jax.nn.relu(agg_ref[1] * dinv + b1_ref[0, HALF:]) + x_ref[:, HALF:]
    h_ref[0] = h0
    h_ref[1] = h1
    h0d = h0 * dinv
    h1d = h1 * dinv
    w2 = w2_ref[...]
    z2_ref[0] = (jnp.dot(h0d, w2[:HALF, :HALF], preferred_element_type=jnp.float32)
                 + jnp.dot(h1d, w2[HALF:, :HALF], preferred_element_type=jnp.float32))
    z2_ref[1] = (jnp.dot(h0d, w2[:HALF, HALF:], preferred_element_type=jnp.float32)
                 + jnp.dot(h1d, w2[HALF:, HALF:], preferred_element_type=jnp.float32))


def _tcc_body(agg_ref, h_ref, deg_ref, b2_ref, wout_ref, bout_ref, out_ref):
    dinv = _dinv_from(deg_ref)
    h2_0 = jax.nn.relu(agg_ref[0] * dinv + b2_ref[0, :HALF]) + h_ref[0]
    h2_1 = jax.nn.relu(agg_ref[1] * dinv + b2_ref[0, HALF:]) + h_ref[1]
    w = wout_ref[...]
    res = (jnp.sum(h2_0 * w[0, :HALF], axis=1)
           + jnp.sum(h2_1 * w[0, HALF:], axis=1)) + bout_ref[0, 0]
    out_ref[...] = res[:, None]


def kernel(x, edge_index, W1, b1, W2, b2, W_out, b_out):
    src = edge_index[0].astype(jnp.int32)
    dst = edge_index[1].astype(jnp.int32)
    pad = EPAD - E
    src_p = jnp.concatenate([src, jnp.zeros((pad,), jnp.int32)]).reshape(NTILE, NCHUNK, CHUNK)
    dst_p = jnp.concatenate([dst, jnp.full((pad,), N, jnp.int32)]).reshape(NTILE, NCHUNK, CHUNK)
    src2 = jnp.stack([src_p, src_p + N])

    ones128 = jnp.ones((CHUNK, HALF), jnp.float32)
    zeros128 = jnp.zeros((NPAD, HALF), jnp.float32)

    deg2 = _deg_kernel(dst_p, ones128, zeros128)

    b1r = b1.reshape(1, H)
    b2r = b2.reshape(1, H)
    woutr = W_out.reshape(1, H)
    boutr = b_out.reshape(1, 1)

    deg_spec = pl.BlockSpec((2, BN, HALF), lambda i: (0, i, 0))
    full = lambda s: pl.BlockSpec(s, lambda i: (0,) * len(s))

    z1u = pl.pallas_call(
        _tca_body,
        grid=(NBLK,),
        in_specs=[pl.BlockSpec((BN, D), lambda i: (i, 0)), full((D, H))],
        out_specs=pl.BlockSpec((2, BN, HALF), lambda i: (0, i, 0)),
        out_shape=jax.ShapeDtypeStruct((2, N, HALF), jnp.float32),
    )(x, W1)

    z1 = pl.pallas_call(
        _scale_body,
        grid=(NBLK,),
        in_specs=[pl.BlockSpec((2, BN, HALF), lambda i: (0, i, 0)), deg_spec],
        out_specs=pl.BlockSpec((2, BN, HALF), lambda i: (0, i, 0)),
        out_shape=jax.ShapeDtypeStruct((2, N, HALF), jnp.float32),
    )(z1u, deg2)

    agg1 = _spmm_kernel(z1.reshape(2 * N, HALF), src2, dst_p, zeros128)

    h, z2 = pl.pallas_call(
        _tcb_body,
        grid=(NBLK,),
        in_specs=[pl.BlockSpec((2, BN, HALF), lambda i: (0, i, 0)),
                  pl.BlockSpec((BN, D), lambda i: (i, 0)),
                  deg_spec,
                  full((1, H)), full((H, H))],
        out_specs=[pl.BlockSpec((2, BN, HALF), lambda i: (0, i, 0)),
                   pl.BlockSpec((2, BN, HALF), lambda i: (0, i, 0))],
        out_shape=[jax.ShapeDtypeStruct((2, N, HALF), jnp.float32),
                   jax.ShapeDtypeStruct((2, N, HALF), jnp.float32)],
    )(agg1, x, deg2, b1r, W2)

    agg2 = _spmm_kernel(z2.reshape(2 * N, HALF), src2, dst_p, zeros128)

    out = pl.pallas_call(
        _tcc_body,
        grid=(NBLK,),
        in_specs=[pl.BlockSpec((2, BN, HALF), lambda i: (0, i, 0)),
                  pl.BlockSpec((2, BN, HALF), lambda i: (0, i, 0)),
                  deg_spec,
                  full((1, H)), full((1, H)), full((1, 1))],
        out_specs=pl.BlockSpec((BN, 1), lambda i: (i, 0)),
        out_shape=jax.ShapeDtypeStruct((N, 1), jnp.float32),
    )(agg2, h, deg2, b2r, woutr, boutr)

    return out

# --- scband reference (transcript-rebuilt; emitter-appended) ---
"""Pipeline reference for scband-model-55576876810811 (READ-ONLY COPY).

The authoritative reference and input builder live on the scoring server;
editing this copy changes nothing except your own understanding.
"""

import jax, jax.numpy as jnp
import numpy as np

N = 10000
E = 160000
D = 256
H = 256
OUT = 1


def _gcn_conv(x, src, dst, W, b, n):
    # symmetric GCN normalization D^{-1/2} A D^{-1/2} (no self-loops, add_self_loops=False)
    ones = jnp.ones((src.shape[0],), dtype=x.dtype)
    deg = jax.ops.segment_sum(ones, dst, num_segments=n)
    dinv = jnp.where(deg > 0, 1.0 / jnp.sqrt(deg), 0.0)
    norm = dinv[src] * dinv[dst]
    msgs = x[src] * norm[:, None]
    agg = jax.ops.segment_sum(msgs, dst, num_segments=n)
    return agg @ W + b


def setup_inputs(seed: int = 0) -> dict:
    key = jax.random.key(seed)
    ks = jax.random.split(key, 8)
    x = jax.random.normal(ks[0], (N, D), dtype=jnp.float32)
    edge_index = jax.random.randint(ks[1], (2, E), 0, N, dtype=jnp.int32)
    W1 = jax.random.normal(ks[2], (D, H), dtype=jnp.float32) * (1.0 / np.sqrt(D))
    b1 = jnp.full((H,), 0.01, dtype=jnp.float32)
    W2 = jax.random.normal(ks[3], (H, H), dtype=jnp.float32) * (1.0 / np.sqrt(H))
    b2 = jnp.full((H,), 0.01, dtype=jnp.float32)
    W_out = jax.random.normal(ks[4], (H, OUT), dtype=jnp.float32) * (1.0 / np.sqrt(H))
    b_out = jnp.full((OUT,), 0.01, dtype=jnp.float32)
    return {"x": x, "edge_index": edge_index, "W1": W1, "b1": b1, "W2": W2, "b2": b2, "W_out": W_out, "b_out": b_out}


def reference(x, edge_index, W1, b1, W2, b2, W_out, b_out):
    src = edge_index[0]
    dst = edge_index[1]
    # layer 1: GCNConv + ReLU + skip connection (dims match)
    h = jax.nn.relu(_gcn_conv(x, src, dst, W1, b1, N))
    h = h + x
    # layer 2: GCNConv + ReLU + skip connection
    h2 = jax.nn.relu(_gcn_conv(h, src, dst, W2, b2, N))
    h2 = h2 + h
    # node-level scorer head (dropout=0)
    out = h2 @ W_out + b_out
    return out

if __name__ == "__main__":
    import jax
    _d = setup_inputs()
    print(jax.jit(kernel)(*tuple(_d.values())))

</pallas_src>

<mosaic_0001>
#map = affine_map<(d0, d1) -> (0, 0, 0)>
#map1 = affine_map<(d0, d1) -> (0, 0)>
module attributes {stable_mosaic.version = 14 : i64} {
  func.func @_deg_body(%arg0: i32, %arg1: i32, %arg2: memref<16x80x128xi32, #tpu.memory_space<hbm>>, %arg3: memref<128x128xf32, #tpu.memory_space<hbm>>, %arg4: memref<10112x128xf32, #tpu.memory_space<hbm>>, %arg5: memref<2x10112x128xf32, #tpu.memory_space<hbm>>, %arg6: memref<40x128xi32, #tpu.memory_space<vmem>>, %arg7: memref<128x128xf32, #tpu.memory_space<vmem>>, %arg8: memref<10112x128xf32, #tpu.memory_space<vmem_shared>>) attributes {dimension_semantics = [#tpu.dimension_semantics<core_parallel>, #tpu.dimension_semantics<subcore_parallel>], iteration_bounds = array<i64: 2, 16>, scalar_prefetch = 0 : i64, scratch_operands = 3 : i64, tpu.core_type = #tpu.core_type<sc_vector_subcore>, window_params = [{transform_indices = #map}, {transform_indices = #map1}, {transform_indices = #map1}, {transform_indices = #map}]} {
    %mul3A = arith.constant 40 : i32
    %mul3A_0 = arith.muli %arg0, %mul3A : i32
    "tpu.region"() ({
      %run_scoped3A = tpu.sem_alloc : memref<!tpu.dma_semaphore, #tpu.memory_space<semaphore_mem>>
      %dma_start3A = arith.constant 0 : i32
      %dma_start3A_15 = tpu.memref_slice %arg2[%arg1, %mul3A_0, %dma_start3A] : memref<16x80x128xi32, #tpu.memory_space<hbm>> -> memref<1x40x128xi32, #tpu.memory_space<hbm>>
      %dma_start3A_16 = tpu.memref_squeeze %dma_start3A_15 : memref<1x40x128xi32, #tpu.memory_space<hbm>> -> memref<40x128xi32, #tpu.memory_space<hbm>>
      %dma_start3A_17 = arith.constant 0 : i32
      %dma_start3A_18 = tpu.memref_slice %arg2[%arg1, %mul3A_0, %dma_start3A_17] : memref<16x80x128xi32, #tpu.memory_space<hbm>> -> memref<1x40x128xi32, #tpu.memory_space<hbm>>
      %dma_start3A_19 = tpu.memref_squeeze %dma_start3A_18 : memref<1x40x128xi32, #tpu.memory_space<hbm>> -> memref<40x128xi32, #tpu.memory_space<hbm>>
      tpu.enqueue_dma source(%dma_start3A_19 : memref<40x128xi32, #tpu.memory_space<hbm>>) target(%arg6 : memref<40x128xi32, #tpu.memory_space<vmem>>) target_semaphore(%run_scoped3A : memref<!tpu.dma_semaphore, #tpu.memory_space<semaphore_mem>>)
      %dma_wait3A = arith.constant 0 : i32
      %dma_wait3A_20 = tpu.memref_slice %arg2[%arg1, %mul3A_0, %dma_wait3A] : memref<16x80x128xi32, #tpu.memory_space<hbm>> -> memref<1x40x128xi32, #tpu.memory_space<hbm>>
      %dma_wait3A_21 = tpu.memref_squeeze %dma_wait3A_20 : memref<1x40x128xi32, #tpu.memory_space<hbm>> -> memref<40x128xi32, #tpu.memory_space<hbm>>
      %dma_wait3A_22 = arith.constant 0 : i32
      %dma_wait3A_23 = tpu.memref_slice %arg2[%arg1, %mul3A_0, %dma_wait3A_22] : memref<16x80x128xi32, #tpu.memory_space<hbm>> -> memref<1x40x128xi32, #tpu.memory_space<hbm>>
      %dma_wait3A_24 = tpu.memref_squeeze %dma_wait3A_23 : memref<1x40x128xi32, #tpu.memory_space<hbm>> -> memref<40x128xi32, #tpu.memory_space<hbm>>
      tpu.wait_dma2 semaphore(%run_scoped3A : memref<!tpu.dma_semaphore, #tpu.memory_space<semaphore_mem>>) src(%dma_wait3A_24 : memref<40x128xi32, #tpu.memory_space<hbm>>) dst(%arg6 : memref<40x128xi32, #tpu.memory_space<vmem>>)
      tpu.yield
    }) : () -> ()
    "tpu.region"() ({
      %run_scoped3A = tpu.sem_alloc : memref<!tpu.dma_semaphore, #tpu.memory_space<semaphore_mem>>
      tpu.enqueue_dma source(%arg3 : memref<128x128xf32, #tpu.memory_space<hbm>>) target(%arg7 : memref<128x128xf32, #tpu.memory_space<vmem>>) target_semaphore(%run_scoped3A : memref<!tpu.dma_semaphore, #tpu.memory_space<semaphore_mem>>)
      tpu.wait_dma2 semaphore(%run_scoped3A : memref<!tpu.dma_semaphore, #tpu.memory_space<semaphore_mem>>) src(%arg3 : memref<128x128xf32, #tpu.memory_space<hbm>>) dst(%arg7 : memref<128x128xf32, #tpu.memory_space<vmem>>)
      tpu.yield
    }) : () -> ()
    %mul3A_1 = arith.constant 632 : i32
    %mul3A_2 = arith.muli %arg1, %mul3A_1 : i32
    %mul3A_3 = arith.constant 632 : i32
    %mul3A_4 = arith.muli %arg1, %mul3A_3 : i32
    "tpu.region"() ({
      %run_scoped3A = tpu.sem_alloc : memref<!tpu.dma_semaphore, #tpu.memory_space<semaphore_mem>>
      %dma_start3A = arith.constant 0 : i32
      %dma_start3A_15 = tpu.memref_slice %arg8[%mul3A_4, %dma_start3A] : memref<10112x128xf32, #tpu.memory_space<vmem_shared>> -> memref<632x128xf32, #tpu.memory_space<vmem_shared>>
      %dma_start3A_16 = arith.constant 0 : i32
      %dma_start3A_17 = tpu.memref_slice %arg4[%mul3A_2, %dma_start3A_16] : memref<10112x128xf32, #tpu.memory_space<hbm>> -> memref<632x128xf32, #tpu.memory_space<hbm>>
      tpu.enqueue_dma source(%dma_start3A_17 : memref<632x128xf32, #tpu.memory_space<hbm>>) target(%dma_start3A_15 : memref<632x128xf32, #tpu.memory_space<vmem_shared>>) target_semaphore(%run_scoped3A : memref<!tpu.dma_semaphore, #tpu.memory_space<semaphore_mem>>)
      %dma_wait3A = arith.constant 0 : i32
      %dma_wait3A_18 = tpu.memref_slice %arg8[%mul3A_4, %dma_wait3A] : memref<10112x128xf32, #tpu.memory_space<vmem_shared>> -> memref<632x128xf32, #tpu.memory_space<vmem_shared>>
      %dma_wait3A_19 = arith.constant 0 : i32
      %dma_wait3A_20 = tpu.memref_slice %arg4[%mul3A_2, %dma_wait3A_19] : memref<10112x128xf32, #tpu.memory_space<hbm>> -> memref<632x128xf32, #tpu.memory_space<hbm>>
      tpu.wait_dma2 semaphore(%run_scoped3A : memref<!tpu.dma_semaphore, #tpu.memory_space<semaphore_mem>>) src(%dma_wait3A_20 : memref<632x128xf32, #tpu.memory_space<hbm>>) dst(%dma_wait3A_18 : memref<632x128xf32, #tpu.memory_space<vmem_shared>>)
      tpu.yield
    }) : () -> ()
    %barrier3A = arith.constant 0 : index
    tpu.barrier barrier_id(%barrier3A)
    %scan3A = arith.constant 0 : i32
    %scan3A_5 = arith.constant 0 : i32
    %scan3A_6 = arith.constant 40 : i32
    %scan3A_7 = arith.addi %scan3A_5, %scan3A_6 : i32
    %scan3A_8 = arith.constant 1 : i32
    scf.for %scan3A_15 = %scan3A_5 to %scan3A_7 step %scan3A_8  : i32 {
      "tpu.region"() ({
        %run_scoped3A = tpu.sem_alloc : memref<!tpu.dma_semaphore, #tpu.memory_space<semaphore_mem>>
        %dma_start3A = arith.constant 0 : i32
        %dma_start3A_16 = tpu.memref_slice %arg6[%scan3A_15, %dma_start3A] : memref<40x128xi32, #tpu.memory_space<vmem>> -> memref<1x128xi32, #tpu.memory_space<vmem>>
        %dma_start3A_17 = tpu.memref_squeeze %dma_start3A_16 : memref<1x128xi32, #tpu.memory_space<vmem>> -> memref<128xi32, #tpu.memory_space<vmem>>
        %dma_start3A_18 = arith.constant 0 : i32
        %dma_start3A_19 = arith.constant 0 : i32
        %dma_start3A_20 = tpu.memref_slice %arg8[%dma_start3A_18, %dma_start3A_19] : memref<10112x128xf32, #tpu.memory_space<vmem_shared>> -> memref<10112x128xf32, #tpu.memory_space<vmem_shared>>
        tpu.enqueue_indirect_dma source(%arg7 : memref<128x128xf32, #tpu.memory_space<vmem>>) target(%dma_start3A_20 : memref<10112x128xf32, #tpu.memory_space<vmem_shared>>) offsets(%dma_start3A_17 : memref<128xi32, #tpu.memory_space<vmem>>) semaphore(%run_scoped3A : memref<!tpu.dma_semaphore, #tpu.memory_space<semaphore_mem>>) {add = true}
        %dma_wait3A = arith.constant 0 : i32
        %dma_wait3A_21 = tpu.memref_slice %arg6[%scan3A_15, %dma_wait3A] : memref<40x128xi32, #tpu.memory_space<vmem>> -> memref<1x128xi32, #tpu.memory_space<vmem>>
        %dma_wait3A_22 = tpu.memref_squeeze %dma_wait3A_21 : memref<1x128xi32, #tpu.memory_space<vmem>> -> memref<128xi32, #tpu.memory_space<vmem>>
        %dma_wait3A_23 = arith.constant 0 : i32
        %dma_wait3A_24 = arith.constant 0 : i32
        %dma_wait3A_25 = tpu.memref_slice %arg8[%dma_wait3A_23, %dma_wait3A_24] : memref<10112x128xf32, #tpu.memory_space<vmem_shared>> -> memref<10112x128xf32, #tpu.memory_space<vmem_shared>>
        tpu.wait_indirect_dma semaphore(%run_scoped3A : memref<!tpu.dma_semaphore, #tpu.memory_space<semaphore_mem>>) src(%arg7 : memref<128x128xf32, #tpu.memory_space<vmem>>) dst(%dma_wait3A_25 : memref<10112x128xf32, #tpu.memory_space<vmem_shared>>)
        tpu.yield
      }) : () -> ()
    }
    %scan3A_9 = arith.constant 40 : i32
    %barrier3A_10 = arith.constant 0 : index
    tpu.barrier barrier_id(%barrier3A_10)
    %mul3A_11 = arith.constant 632 : i32
    %mul3A_12 = arith.muli %arg1, %mul3A_11 : i32
    %mul3A_13 = arith.constant 632 : i32
    %mul3A_14 = arith.muli %arg1, %mul3A_13 : i32
    "tpu.region"() ({
      %run_scoped3A = tpu.sem_alloc : memref<!tpu.dma_semaphore, #tpu.memory_space<semaphore_mem>>
      %dma_start3A = arith.constant 0 : i32
      %dma_start3A_15 = tpu.memref_slice %arg5[%arg0, %mul3A_14, %dma_start3A] : memref<2x10112x128xf32, #tpu.memory_space<hbm>> -> memref<1x632x128xf32, #tpu.memory_space<hbm>>
      %dma_start3A_16 = tpu.memref_squeeze %dma_start3A_15 : memref<1x632x128xf32, #tpu.memory_space<hbm>> -> memref<632x128xf32, #tpu.memory_space<hbm>>
      %dma_start3A_17 = arith.constant 0 : i32
      %dma_start3A_18 = tpu.memref_slice %arg8[%mul3A_12, %dma_start3A_17] : memref<10112x128xf32, #tpu.memory_space<vmem_shared>> -> memref<632x128xf32, #tpu.memory_space<vmem_shared>>
      tpu.enqueue_dma source(%dma_start3A_18 : memref<632x128xf32, #tpu.memory_space<vmem_shared>>) target(%dma_start3A_16 : memref<632x128xf32, #tpu.memory_space<hbm>>) target_semaphore(%run_scoped3A : memref<!tpu.dma_semaphore, #tpu.memory_space<semaphore_mem>>)
      %dma_wait3A = arith.constant 0 : i32
      %dma_wait3A_19 = tpu.memref_slice %arg5[%arg0, %mul3A_14, %dma_wait3A] : memref<2x10112x128xf32, #tpu.memory_space<hbm>> -> memref<1x632x128xf32, #tpu.memory_space<hbm>>
      %dma_wait3A_20 = tpu.memref_squeeze %dma_wait3A_19 : memref<1x632x128xf32, #tpu.memory_space<hbm>> -> memref<632x128xf32, #tpu.memory_space<hbm>>
      %dma_wait3A_21 = arith.constant 0 : i32
      %dma_wait3A_22 = tpu.memref_slice %arg8[%mul3A_12, %dma_wait3A_21] : memref<10112x128xf32, #tpu.memory_space<vmem_shared>> -> memref<632x128xf32, #tpu.memory_space<vmem_shared>>
      tpu.wait_dma2 semaphore(%run_scoped3A : memref<!tpu.dma_semaphore, #tpu.memory_space<semaphore_mem>>) src(%dma_wait3A_22 : memref<632x128xf32, #tpu.memory_space<vmem_shared>>) dst(%dma_wait3A_20 : memref<632x128xf32, #tpu.memory_space<hbm>>)
      tpu.yield
    }) : () -> ()
    return
  }
}

#map = affine_map<(d0, d1) -> (0, 0)>
#map1 = affine_map<(d0, d1) -> (0, 0, 0, 0)>
#map2 = affine_map<(d0, d1) -> (0, 0, 0)>
module attributes {stable_mosaic.version = 14 : i64} {
  func.func @_spmm_body(%arg0: i32, %arg1: i32, %arg2: memref<20000x128xf32, #tpu.memory_space<hbm>>, %arg3: memref<2x16x80x128xi32, #tpu.memory_space<hbm>>, %arg4: memref<16x80x128xi32, #tpu.memory_space<hbm>>, %arg5: memref<10112x128xf32, #tpu.memory_space<hbm>>, %arg6: memref<2x10112x128xf32, #tpu.memory_space<hbm>>, %arg7: memref<16x128xi32, #tpu.memory_space<vmem>>, %arg8: memref<16x128xi32, #tpu.memory_space<vmem>>, %arg9: memref<2x128x128xf32, #tpu.memory_space<vmem>>, %arg10: memref<10112x128xf32, #tpu.memory_space<vmem_shared>>, %arg11: memref<!tpu.dma_semaphore, #tpu.memory_space<semaphore_mem>>, %arg12: memref<!tpu.dma_semaphore, #tpu.memory_space<semaphore_mem>>) attributes {dimension_semantics = [#tpu.dimension_semantics<core_parallel>, #tpu.dimension_semantics<subcore_parallel>], iteration_bounds = array<i64: 2, 16>, scalar_prefetch = 0 : i64, scratch_operands = 6 : i64, tpu.core_type = #tpu.core_type<sc_vector_subcore>, window_params = [{transform_indices = #map}, {transform_indices = #map1}, {transform_indices = #map2}, {transform_indices = #map}, {transform_indices = #map2}]} {
    %mul3A = arith.constant 632 : i32
    %mul3A_0 = arith.muli %arg1, %mul3A : i32
    %mul3A_1 = arith.constant 632 : i32
    %mul3A_2 = arith.muli %arg1, %mul3A_1 : i32
    "tpu.region"() ({
      %run_scoped3A = tpu.sem_alloc : memref<!tpu.dma_semaphore, #tpu.memory_space<semaphore_mem>>
      %dma_start3A = arith.constant 0 : i32
      %dma_start3A_13 = tpu.memref_slice %arg10[%mul3A_2, %dma_start3A] : memref<10112x128xf32, #tpu.memory_space<vmem_shared>> -> memref<632x128xf32, #tpu.memory_space<vmem_shared>>
      %dma_start3A_14 = arith.constant 0 : i32
      %dma_start3A_15 = tpu.memref_slice %arg5[%mul3A_0, %dma_start3A_14] : memref<10112x128xf32, #tpu.memory_space<hbm>> -> memref<632x128xf32, #tpu.memory_space<hbm>>
      tpu.enqueue_dma source(%dma_start3A_15 : memref<632x128xf32, #tpu.memory_space<hbm>>) target(%dma_start3A_13 : memref<632x128xf32, #tpu.memory_space<vmem_shared>>) target_semaphore(%run_scoped3A : memref<!tpu.dma_semaphore, #tpu.memory_space<semaphore_mem>>)
      %dma_wait3A = arith.constant 0 : i32
      %dma_wait3A_16 = tpu.memref_slice %arg10[%mul3A_2, %dma_wait3A] : memref<10112x128xf32, #tpu.memory_space<vmem_shared>> -> memref<632x128xf32, #tpu.memory_space<vmem_shared>>
      %dma_wait3A_17 = arith.constant 0 : i32
      %dma_wait3A_18 = tpu.memref_slice %arg5[%mul3A_0, %dma_wait3A_17] : memref<10112x128xf32, #tpu.memory_space<hbm>> -> memref<632x128xf32, #tpu.memory_space<hbm>>
      tpu.wait_dma2 semaphore(%run_scoped3A : memref<!tpu.dma_semaphore, #tpu.memory_space<semaphore_mem>>) src(%dma_wait3A_18 : memref<632x128xf32, #tpu.memory_space<hbm>>) dst(%dma_wait3A_16 : memref<632x128xf32, #tpu.memory_space<vmem_shared>>)
      tpu.yield
    }) : () -> ()
    %barrier3A = arith.constant 0 : index
    tpu.barrier barrier_id(%barrier3A)
    %scan3A = arith.constant 0 : i32
    %scan3A_3 = arith.constant 0 : i32
    %scan3A_4 = arith.constant 5 : i32
    %scan3A_5 = arith.addi %scan3A_3, %scan3A_4 : i32
    %scan3A_6 = arith.constant 1 : i32
    scf.for %scan3A_13 = %scan3A_3 to %scan3A_5 step %scan3A_6  : i32 {
      %mul3A_14 = arith.constant 16 : i32
      %mul3A_15 = arith.muli %scan3A_13, %mul3A_14 : i32
      "tpu.region"() ({
        %run_scoped3A = tpu.sem_alloc : memref<!tpu.dma_semaphore, #tpu.memory_space<semaphore_mem>>
        %dma_start3A_35 = arith.constant 0 : i32
        %dma_start3A_36 = tpu.memref_slice %arg3[%arg0, %arg1, %mul3A_15, %dma_start3A_35] : memref<2x16x80x128xi32, #tpu.memory_space<hbm>> -> memref<1x1x16x128xi32, #tpu.memory_space<hbm>>
        %dma_start3A_37 = tpu.memref_squeeze %dma_start3A_36 : memref<1x1x16x128xi32, #tpu.memory_space<hbm>> -> memref<16x128xi32, #tpu.memory_space<hbm>>
        %dma_start3A_38 = arith.constant 0 : i32
        %dma_start3A_39 = tpu.memref_slice %arg3[%arg0, %arg1, %mul3A_15, %dma_start3A_38] : memref<2x16x80x128xi32, #tpu.memory_space<hbm>> -> memref<1x1x16x128xi32, #tpu.memory_space<hbm>>
        %dma_start3A_40 = tpu.memref_squeeze %dma_start3A_39 : memref<1x1x16x128xi32, #tpu.memory_space<hbm>> -> memref<16x128xi32, #tpu.memory_space<hbm>>
        tpu.enqueue_dma source(%dma_start3A_40 : memref<16x128xi32, #tpu.memory_space<hbm>>) target(%arg7 : memref<16x128xi32, #tpu.memory_space<vmem>>) target_semaphore(%run_scoped3A : memref<!tpu.dma_semaphore, #tpu.memory_space<semaphore_mem>>)
        %dma_wait3A = arith.constant 0 : i32
        %dma_wait3A_41 = tpu.memref_slice %arg3[%arg0, %arg1, %mul3A_15, %dma_wait3A] : memref<2x16x80x128xi32, #tpu.memory_space<hbm>> -> memref<1x1x16x128xi32, #tpu.memory_space<hbm>>
        %dma_wait3A_42 = tpu.memref_squeeze %dma_wait3A_41 : memref<1x1x16x128xi32, #tpu.memory_space<hbm>> -> memref<16x128xi32, #tpu.memory_space<hbm>>
        %dma_wait3A_43 = arith.constant 0 : i32
        %dma_wait3A_44 = tpu.memref_slice %arg3[%arg0, %arg1, %mul3A_15, %dma_wait3A_43] : memref<2x16x80x128xi32, #tpu.memory_space<hbm>> -> memref<1x1x16x128xi32, #tpu.memory_space<hbm>>
        %dma_wait3A_45 = tpu.memref_squeeze %dma_wait3A_44 : memref<1x1x16x128xi32, #tpu.memory_space<hbm>> -> memref<16x128xi32, #tpu.memory_space<hbm>>
        tpu.wait_dma2 semaphore(%run_scoped3A : memref<!tpu.dma_semaphore, #tpu.memory_space<semaphore_mem>>) src(%dma_wait3A_45 : memref<16x128xi32, #tpu.memory_space<hbm>>) dst(%arg7 : memref<16x128xi32, #tpu.memory_space<vmem>>)
        tpu.yield
      }) : () -> ()
      %mul3A_16 = arith.constant 16 : i32
      %mul3A_17 = arith.muli %scan3A_13, %mul3A_16 : i32
      "tpu.region"() ({
        %run_scoped3A = tpu.sem_alloc : memref<!tpu.dma_semaphore, #tpu.memory_space<semaphore_mem>>
        %dma_start3A_35 = arith.constant 0 : i32
        %dma_start3A_36 = tpu.memref_slice %arg4[%arg1, %mul3A_17, %dma_start3A_35] : memref<16x80x128xi32, #tpu.memory_space<hbm>> -> memref<1x16x128xi32, #tpu.memory_space<hbm>>
        %dma_start3A_37 = tpu.memref_squeeze %dma_start3A_36 : memref<1x16x128xi32, #tpu.memory_space<hbm>> -> memref<16x128xi32, #tpu.memory_space<hbm>>
        %dma_start3A_38 = arith.constant 0 : i32
        %dma_start3A_39 = tpu.memref_slice %arg4[%arg1, %mul3A_17, %dma_start3A_38] : memref<16x80x128xi32, #tpu.memory_space<hbm>> -> memref<1x16x128xi32, #tpu.memory_space<hbm>>
        %dma_start3A_40 = tpu.memref_squeeze %dma_start3A_39 : memref<1x16x128xi32, #tpu.memory_space<hbm>> -> memref<16x128xi32, #tpu.memory_space<hbm>>
        tpu.enqueue_dma source(%dma_start3A_40 : memref<16x128xi32, #tpu.memory_space<hbm>>) target(%arg8 : memref<16x128xi32, #tpu.memory_space<vmem>>) target_semaphore(%run_scoped3A : memref<!tpu.dma_semaphore, #tpu.memory_space<semaphore_mem>>)
        %dma_wait3A = arith.constant 0 : i32
        %dma_wait3A_41 = tpu.memref_slice %arg4[%arg1, %mul3A_17, %dma_wait3A] : memref<16x80x128xi32, #tpu.memory_space<hbm>> -> memref<1x16x128xi32, #tpu.memory_space<hbm>>
        %dma_wait3A_42 = tpu.memref_squeeze %dma_wait3A_41 : memref<1x16x128xi32, #tpu.memory_space<hbm>> -> memref<16x128xi32, #tpu.memory_space<hbm>>
        %dma_wait3A_43 = arith.constant 0 : i32
        %dma_wait3A_44 = tpu.memref_slice %arg4[%arg1, %mul3A_17, %dma_wait3A_43] : memref<16x80x128xi32, #tpu.memory_space<hbm>> -> memref<1x16x128xi32, #tpu.memory_space<hbm>>
        %dma_wait3A_45 = tpu.memref_squeeze %dma_wait3A_44 : memref<1x16x128xi32, #tpu.memory_space<hbm>> -> memref<16x128xi32, #tpu.memory_space<hbm>>
        tpu.wait_dma2 semaphore(%run_scoped3A : memref<!tpu.dma_semaphore, #tpu.memory_space<semaphore_mem>>) src(%dma_wait3A_45 : memref<16x128xi32, #tpu.memory_space<hbm>>) dst(%arg8 : memref<16x128xi32, #tpu.memory_space<vmem>>)
        tpu.yield
      }) : () -> ()
      %dma_start3A = arith.constant 0 : i32
      %dma_start3A_18 = arith.constant 0 : i32
      %dma_start3A_19 = arith.constant 0 : i32
      %dma_start3A_20 = arith.constant 0 : i32
      %dma_start3A_21 = tpu.memref_slice %arg9[%dma_start3A_18, %dma_start3A_19, %dma_start3A_20] : memref<2x128x128xf32, #tpu.memory_space<vmem>> -> memref<1x128x128xf32, #tpu.memory_space<vmem>>
      %dma_start3A_22 = tpu.memref_squeeze %dma_start3A_21 : memref<1x128x128xf32, #tpu.memory_space<vmem>> -> memref<128x128xf32, #tpu.memory_space<vmem>>
      %dma_start3A_23 = arith.constant 0 : i32
      %dma_start3A_24 = tpu.memref_slice %arg7[%dma_start3A, %dma_start3A_23] : memref<16x128xi32, #tpu.memory_space<vmem>> -> memref<1x128xi32, #tpu.memory_space<vmem>>
      %dma_start3A_25 = tpu.memref_squeeze %dma_start3A_24 : memref<1x128xi32, #tpu.memory_space<vmem>> -> memref<128xi32, #tpu.memory_space<vmem>>
      %dma_start3A_26 = arith.constant 0 : i32
      %dma_start3A_27 = arith.constant 0 : i32
      %dma_start3A_28 = tpu.memref_slice %arg2[%dma_start3A_26, %dma_start3A_27] : memref<20000x128xf32, #tpu.memory_space<hbm>> -> memref<20000x128xf32, #tpu.memory_space<hbm>>
      tpu.enqueue_indirect_dma source(%dma_start3A_28 : memref<20000x128xf32, #tpu.memory_space<hbm>>) target(%dma_start3A_22 : memref<128x128xf32, #tpu.memory_space<vmem>>) offsets(%dma_start3A_25 : memref<128xi32, #tpu.memory_space<vmem>>) semaphore(%arg11 : memref<!tpu.dma_semaphore, #tpu.memory_space<semaphore_mem>>)
      %scan3A_29 = arith.constant 0 : i32
      %scan3A_30 = arith.constant 0 : i32
      %scan3A_31 = arith.constant 8 : i32
      %scan3A_32 = arith.addi %scan3A_30, %scan3A_31 : i32
      %scan3A_33 = arith.constant 1 : i32
      scf.for %scan3A_35 = %scan3A_30 to %scan3A_32 step %scan3A_33  : i32 {
        %mul3A_36 = arith.constant 2 : i32
        %mul3A_37 = arith.muli %mul3A_36, %scan3A_35 : i32
        %add3A = arith.constant 1 : i32
        %add3A_38 = arith.addi %mul3A_37, %add3A : i32
        %dma_start3A_39 = arith.constant 1 : i32
        %dma_start3A_40 = arith.constant 0 : i32
        %dma_start3A_41 = arith.constant 0 : i32
        %dma_start3A_42 = tpu.memref_slice %arg9[%dma_start3A_39, %dma_start3A_40, %dma_start3A_41] : memref<2x128x128xf32, #tpu.memory_space<vmem>> -> memref<1x128x128xf32, #tpu.memory_space<vmem>>
        %dma_start3A_43 = tpu.memref_squeeze %dma_start3A_42 : memref<1x128x128xf32, #tpu.memory_space<vmem>> -> memref<128x128xf32, #tpu.memory_space<vmem>>
        %dma_start3A_44 = arith.constant 0 : i32
        %dma_start3A_45 = tpu.memref_slice %arg7[%add3A_38, %dma_start3A_44] : memref<16x128xi32, #tpu.memory_space<vmem>> -> memref<1x128xi32, #tpu.memory_space<vmem>>
        %dma_start3A_46 = tpu.memref_squeeze %dma_start3A_45 : memref<1x128xi32, #tpu.memory_space<vmem>> -> memref<128xi32, #tpu.memory_space<vmem>>
        %dma_start3A_47 = arith.constant 0 : i32
        %dma_start3A_48 = arith.constant 0 : i32
        %dma_start3A_49 = tpu.memref_slice %arg2[%dma_start3A_47, %dma_start3A_48] : memref<20000x128xf32, #tpu.memory_space<hbm>> -> memref<20000x128xf32, #tpu.memory_space<hbm>>
        tpu.enqueue_indirect_dma source(%dma_start3A_49 : memref<20000x128xf32, #tpu.memory_space<hbm>>) target(%dma_start3A_43 : memref<128x128xf32, #tpu.memory_space<vmem>>) offsets(%dma_start3A_46 : memref<128xi32, #tpu.memory_space<vmem>>) semaphore(%arg12 : memref<!tpu.dma_semaphore, #tpu.memory_space<semaphore_mem>>)
        %dma_wait3A = arith.constant 0 : i32
        %dma_wait3A_50 = arith.constant 0 : i32
        %dma_wait3A_51 = arith.constant 0 : i32
        %dma_wait3A_52 = tpu.memref_slice %arg9[%dma_wait3A, %dma_wait3A_50, %dma_wait3A_51] : memref<2x128x128xf32, #tpu.memory_space<vmem>> -> memref<1x128x128xf32, #tpu.memory_space<vmem>>
        %dma_wait3A_53 = tpu.memref_squeeze %dma_wait3A_52 : memref<1x128x128xf32, #tpu.memory_space<vmem>> -> memref<128x128xf32, #tpu.memory_space<vmem>>
        %dma_wait3A_54 = arith.constant 0 : i32
        %dma_wait3A_55 = tpu.memref_slice %arg7[%mul3A_37, %dma_wait3A_54] : memref<16x128xi32, #tpu.memory_space<vmem>> -> memref<1x128xi32, #tpu.memory_space<vmem>>
        %dma_wait3A_56 = tpu.memref_squeeze %dma_wait3A_55 : memref<1x128xi32, #tpu.memory_space<vmem>> -> memref<128xi32, #tpu.memory_space<vmem>>
        %dma_wait3A_57 = arith.constant 0 : i32
        %dma_wait3A_58 = arith.constant 0 : i32
        %dma_wait3A_59 = tpu.memref_slice %arg2[%dma_wait3A_57, %dma_wait3A_58] : memref<20000x128xf32, #tpu.memory_space<hbm>> -> memref<20000x128xf32, #tpu.memory_space<hbm>>
        tpu.wait_indirect_dma semaphore(%arg11 : memref<!tpu.dma_semaphore, #tpu.memory_space<semaphore_mem>>) src(%dma_wait3A_59 : memref<20000x128xf32, #tpu.memory_space<hbm>>) dst(%dma_wait3A_53 : memref<128x128xf32, #tpu.memory_space<vmem>>)
        %run_scoped3A = arith.constant 0 : i32
        "tpu.region"() ({
          %run_scoped3A_78 = tpu.sem_alloc : memref<!tpu.dma_semaphore, #tpu.memory_space<semaphore_mem>>
          %dma_start3A_79 = arith.constant 0 : i32
          %dma_start3A_80 = arith.constant 0 : i32
          %dma_start3A_81 = tpu.memref_slice %arg9[%run_scoped3A, %dma_start3A_79, %dma_start3A_80] : memref<2x128x128xf32, #tpu.memory_space<vmem>> -> memref<1x128x128xf32, #tpu.memory_space<vmem>>
          %dma_start3A_82 = tpu.memref_squeeze %dma_start3A_81 : memref<1x128x128xf32, #tpu.memory_space<vmem>> -> memref<128x128xf32, #tpu.memory_space<vmem>>
          %dma_start3A_83 = arith.constant 0 : i32
          %dma_start3A_84 = tpu.memref_slice %arg8[%mul3A_37, %dma_start3A_83] : memref<16x128xi32, #tpu.memory_space<vmem>> -> memref<1x128xi32, #tpu.memory_space<vmem>>
          %dma_start3A_85 = tpu.memref_squeeze %dma_start3A_84 : memref<1x128xi32, #tpu.memory_space<vmem>> -> memref<128xi32, #tpu.memory_space<vmem>>
          %dma_start3A_86 = arith.constant 0 : i32
          %dma_start3A_87 = arith.constant 0 : i32
          %dma_start3A_88 = tpu.memref_slice %arg10[%dma_start3A_86, %dma_start3A_87] : memref<10112x128xf32, #tpu.memory_space<vmem_shared>> -> memref<10112x128xf32, #tpu.memory_space<vmem_shared>>
          tpu.enqueue_indirect_dma source(%dma_start3A_82 : memref<128x128xf32, #tpu.memory_space<vmem>>) target(%dma_start3A_88 : memref<10112x128xf32, #tpu.memory_space<vmem_shared>>) offsets(%dma_start3A_85 : memref<128xi32, #tpu.memory_space<vmem>>) semaphore(%run_scoped3A_78 : memref<!tpu.dma_semaphore, #tpu.memory_space<semaphore_mem>>) {add = true}
          %dma_wait3A_89 = arith.constant 0 : i32
          %dma_wait3A_90 = arith.constant 0 : i32
          %dma_wait3A_91 = tpu.memref_slice %arg9[%run_scoped3A, %dma_wait3A_89, %dma_wait3A_90] : memref<2x128x128xf32, #tpu.memory_space<vmem>> -> memref<1x128x128xf32, #tpu.memory_space<vmem>>
          %dma_wait3A_92 = tpu.memref_squeeze %dma_wait3A_91 : memref<1x128x128xf32, #tpu.memory_space<vmem>> -> memref<128x128xf32, #tpu.memory_space<vmem>>
          %dma_wait3A_93 = arith.constant 0 : i32
          %dma_wait3A_94 = tpu.memref_slice %arg8[%mul3A_37, %dma_wait3A_93] : memref<16x128xi32, #tpu.memory_space<vmem>> -> memref<1x128xi32, #tpu.memory_space<vmem>>
          %dma_wait3A_95 = tpu.memref_squeeze %dma_wait3A_94 : memref<1x128xi32, #tpu.memory_space<vmem>> -> memref<128xi32, #tpu.memory_space<vmem>>
          %dma_wait3A_96 = arith.constant 0 : i32
          %dma_wait3A_97 = arith.constant 0 : i32
          %dma_wait3A_98 = tpu.memref_slice %arg10[%dma_wait3A_96, %dma_wait3A_97] : memref<10112x128xf32, #tpu.memory_space<vmem_shared>> -> memref<10112x128xf32, #tpu.memory_space<vmem_shared>>
          tpu.wait_indirect_dma semaphore(%run_scoped3A_78 : memref<!tpu.dma_semaphore, #tpu.memory_space<semaphore_mem>>) src(%dma_wait3A_92 : memref<128x128xf32, #tpu.memory_space<vmem>>) dst(%dma_wait3A_98 : memref<10112x128xf32, #tpu.memory_space<vmem_shared>>)
          tpu.yield
        }) : () -> ()
        %lt3A = arith.constant 7 : i32
        %lt3A_60 = arith.cmpi slt, %scan3A_35, %lt3A : i32
        %convert_element_type3A = arith.extui %lt3A_60 : i1 to i32
        %cond3A = arith.constant 0 : i32
        %cond3A_61 = arith.cmpi ne, %convert_element_type3A, %cond3A : i32
        scf.if %cond3A_61 {
          %add3A_78 = arith.constant 2 : i32
          %add3A_79 = arith.addi %mul3A_37, %add3A_78 : i32
          %dma_start3A_80 = arith.constant 0 : i32
          %dma_start3A_81 = arith.constant 0 : i32
          %dma_start3A_82 = arith.constant 0 : i32
          %dma_start3A_83 = tpu.memref_slice %arg9[%dma_start3A_80, %dma_start3A_81, %dma_start3A_82] : memref<2x128x128xf32, #tpu.memory_space<vmem>> -> memref<1x128x128xf32, #tpu.memory_space<vmem>>
          %dma_start3A_84 = tpu.memref_squeeze %dma_start3A_83 : memref<1x128x128xf32, #tpu.memory_space<vmem>> -> memref<128x128xf32, #tpu.memory_space<vmem>>
          %dma_start3A_85 = arith.constant 0 : i32
          %dma_start3A_86 = tpu.memref_slice %arg7[%add3A_79, %dma_start3A_85] : memref<16x128xi32, #tpu.memory_space<vmem>> -> memref<1x128xi32, #tpu.memory_space<vmem>>
          %dma_start3A_87 = tpu.memref_squeeze %dma_start3A_86 : memref<1x128xi32, #tpu.memory_space<vmem>> -> memref<128xi32, #tpu.memory_space<vmem>>
          %dma_start3A_88 = arith.constant 0 : i32
          %dma_start3A_89 = arith.constant 0 : i32
          %dma_start3A_90 = tpu.memref_slice %arg2[%dma_start3A_88, %dma_start3A_89] : memref<20000x128xf32, #tpu.memory_space<hbm>> -> memref<20000x128xf32, #tpu.memory_space<hbm>>
          tpu.enqueue_indirect_dma source(%dma_start3A_90 : memref<20000x128xf32, #tpu.memory_space<hbm>>) target(%dma_start3A_84 : memref<128x128xf32, #tpu.memory_space<vmem>>) offsets(%dma_start3A_87 : memref<128xi32, #tpu.memory_space<vmem>>) semaphore(%arg11 : memref<!tpu.dma_semaphore, #tpu.memory_space<semaphore_mem>>)
        } else {
        }
        %add3A_62 = arith.constant 1 : i32
        %add3A_63 = arith.addi %mul3A_37, %add3A_62 : i32
        %dma_wait3A_64 = arith.constant 1 : i32
        %dma_wait3A_65 = arith.constant 0 : i32
        %dma_wait3A_66 = arith.constant 0 : i32
        %dma_wait3A_67 = tpu.memref_slice %arg9[%dma_wait3A_64, %dma_wait3A_65, %dma_wait3A_66] : memref<2x128x128xf32, #tpu.memory_space<vmem>> -> memref<1x128x128xf32, #tpu.memory_space<vmem>>
        %dma_wait3A_68 = tpu.memref_squeeze %dma_wait3A_67 : memref<1x128x128xf32, #tpu.memory_space<vmem>> -> memref<128x128xf32, #tpu.memory_space<vmem>>
        %dma_wait3A_69 = arith.constant 0 : i32
        %dma_wait3A_70 = tpu.memref_slice %arg7[%add3A_63, %dma_wait3A_69] : memref<16x128xi32, #tpu.memory_space<vmem>> -> memref<1x128xi32, #tpu.memory_space<vmem>>
        %dma_wait3A_71 = tpu.memref_squeeze %dma_wait3A_70 : memref<1x128xi32, #tpu.memory_space<vmem>> -> memref<128xi32, #tpu.memory_space<vmem>>
        %dma_wait3A_72 = arith.constant 0 : i32
        %dma_wait3A_73 = arith.constant 0 : i32
        %dma_wait3A_74 = tpu.memref_slice %arg2[%dma_wait3A_72, %dma_wait3A_73] : memref<20000x128xf32, #tpu.memory_space<hbm>> -> memref<20000x128xf32, #tpu.memory_space<hbm>>
        tpu.wait_indirect_dma semaphore(%arg12 : memref<!tpu.dma_semaphore, #tpu.memory_space<semaphore_mem>>) src(%dma_wait3A_74 : memref<20000x128xf32, #tpu.memory_space<hbm>>) dst(%dma_wait3A_68 : memref<128x128xf32, #tpu.memory_space<vmem>>)
        %add3A_75 = arith.constant 1 : i32
        %add3A_76 = arith.addi %mul3A_37, %add3A_75 : i32
        %run_scoped3A_77 = arith.constant 1 : i32
        "tpu.region"() ({
          %run_scoped3A_78 = tpu.sem_alloc : memref<!tpu.dma_semaphore, #tpu.memory_space<semaphore_mem>>
          %dma_start3A_79 = arith.constant 0 : i32
          %dma_start3A_80 = arith.constant 0 : i32
          %dma_start3A_81 = tpu.memref_slice %arg9[%run_scoped3A_77, %dma_start3A_79, %dma_start3A_80] : memref<2x128x128xf32, #tpu.memory_space<vmem>> -> memref<1x128x128xf32, #tpu.memory_space<vmem>>
          %dma_start3A_82 = tpu.memref_squeeze %dma_start3A_81 : memref<1x128x128xf32, #tpu.memory_space<vmem>> -> memref<128x128xf32, #tpu.memory_space<vmem>>
          %dma_start3A_83 = arith.constant 0 : i32
          %dma_start3A_84 = tpu.memref_slice %arg8[%add3A_76, %dma_start3A_83] : memref<16x128xi32, #tpu.memory_space<vmem>> -> memref<1x128xi32, #tpu.memory_space<vmem>>
          %dma_start3A_85 = tpu.memref_squeeze %dma_start3A_84 : memref<1x128xi32, #tpu.memory_space<vmem>> -> memref<128xi32, #tpu.memory_space<vmem>>
          %dma_start3A_86 = arith.constant 0 : i32
          %dma_start3A_87 = arith.constant 0 : i32
          %dma_start3A_88 = tpu.memref_slice %arg10[%dma_start3A_86, %dma_start3A_87] : memref<10112x128xf32, #tpu.memory_space<vmem_shared>> -> memref<10112x128xf32, #tpu.memory_space<vmem_shared>>
          tpu.enqueue_indirect_dma source(%dma_start3A_82 : memref<128x128xf32, #tpu.memory_space<vmem>>) target(%dma_start3A_88 : memref<10112x128xf32, #tpu.memory_space<vmem_shared>>) offsets(%dma_start3A_85 : memref<128xi32, #tpu.memory_space<vmem>>) semaphore(%run_scoped3A_78 : memref<!tpu.dma_semaphore, #tpu.memory_space<semaphore_mem>>) {add = true}
          %dma_wait3A_89 = arith.constant 0 : i32
          %dma_wait3A_90 = arith.constant 0 : i32
          %dma_wait3A_91 = tpu.memref_slice %arg9[%run_scoped3A_77, %dma_wait3A_89, %dma_wait3A_90] : memref<2x128x128xf32, #tpu.memory_space<vmem>> -> memref<1x128x128xf32, #tpu.memory_space<vmem>>
          %dma_wait3A_92 = tpu.memref_squeeze %dma_wait3A_91 : memref<1x128x128xf32, #tpu.memory_space<vmem>> -> memref<128x128xf32, #tpu.memory_space<vmem>>
          %dma_wait3A_93 = arith.constant 0 : i32
          %dma_wait3A_94 = tpu.memref_slice %arg8[%add3A_76, %dma_wait3A_93] : memref<16x128xi32, #tpu.memory_space<vmem>> -> memref<1x128xi32, #tpu.memory_space<vmem>>
          %dma_wait3A_95 = tpu.memref_squeeze %dma_wait3A_94 : memref<1x128xi32, #tpu.memory_space<vmem>> -> memref<128xi32, #tpu.memory_space<vmem>>
          %dma_wait3A_96 = arith.constant 0 : i32
          %dma_wait3A_97 = arith.constant 0 : i32
          %dma_wait3A_98 = tpu.memref_slice %arg10[%dma_wait3A_96, %dma_wait3A_97] : memref<10112x128xf32, #tpu.memory_space<vmem_shared>> -> memref<10112x128xf32, #tpu.memory_space<vmem_shared>>
          tpu.wait_indirect_dma semaphore(%run_scoped3A_78 : memref<!tpu.dma_semaphore, #tpu.memory_space<semaphore_mem>>) src(%dma_wait3A_92 : memref<128x128xf32, #tpu.memory_space<vmem>>) dst(%dma_wait3A_98 : memref<10112x128xf32, #tpu.memory_space<vmem_shared>>)
          tpu.yield
        }) : () -> ()
      }
      %scan3A_34 = arith.constant 8 : i32
    }
    %scan3A_7 = arith.constant 5 : i32
    %barrier3A_8 = arith.constant 0 : index
    tpu.barrier barrier_id(%barrier3A_8)
    %mul3A_9 = arith.constant 632 : i32
    %mul3A_10 = arith.muli %arg1, %mul3A_9 : i32
    %mul3A_11 = arith.constant 632 : i32
    %mul3A_12 = arith.muli %arg1, %mul3A_11 : i32
    "tpu.region"() ({
      %run_scoped3A = tpu.sem_alloc : memref<!tpu.dma_semaphore, #tpu.memory_space<semaphore_mem>>
      %dma_start3A = arith.constant 0 : i32
      %dma_start3A_13 = tpu.memref_slice %arg6[%arg0, %mul3A_12, %dma_start3A] : memref<2x10112x128xf32, #tpu.memory_space<hbm>> -> memref<1x632x128xf32, #tpu.memory_space<hbm>>
      %dma_start3A_14 = tpu.memref_squeeze %dma_start3A_13 : memref<1x632x128xf32, #tpu.memory_space<hbm>> -> memref<632x128xf32, #tpu.memory_space<hbm>>
      %dma_start3A_15 = arith.constant 0 : i32
      %dma_start3A_16 = tpu.memref_slice %arg10[%mul3A_10, %dma_start3A_15] : memref<10112x128xf32, #tpu.memory_space<vmem_shared>> -> memref<632x128xf32, #tpu.memory_space<vmem_shared>>
      tpu.enqueue_dma source(%dma_start3A_16 : memref<632x128xf32, #tpu.memory_space<vmem_shared>>) target(%dma_start3A_14 : memref<632x128xf32, #tpu.memory_space<hbm>>) target_semaphore(%run_scoped3A : memref<!tpu.dma_semaphore, #tpu.memory_space<semaphore_mem>>)
      %dma_wait3A = arith.constant 0 : i32
      %dma_wait3A_17 = tpu.memref_slice %arg6[%arg0, %mul3A_12, %dma_wait3A] : memref<2x10112x128xf32, #tpu.memory_space<hbm>> -> memref<1x632x128xf32, #tpu.memory_space<hbm>>
      %dma_wait3A_18 = tpu.memref_squeeze %dma_wait3A_17 : memref<1x632x128xf32, #tpu.memory_space<hbm>> -> memref<632x128xf32, #tpu.memory_space<hbm>>
      %dma_wait3A_19 = arith.constant 0 : i32
      %dma_wait3A_20 = tpu.memref_slice %arg10[%mul3A_10, %dma_wait3A_19] : memref<10112x128xf32, #tpu.memory_space<vmem_shared>> -> memref<632x128xf32, #tpu.memory_space<vmem_shared>>
      tpu.wait_dma2 semaphore(%run_scoped3A : memref<!tpu.dma_semaphore, #tpu.memory_space<semaphore_mem>>) src(%dma_wait3A_20 : memref<632x128xf32, #tpu.memory_space<vmem_shared>>) dst(%dma_wait3A_18 : memref<632x128xf32, #tpu.memory_space<hbm>>)
      tpu.yield
    }) : () -> ()
    return
  }
}

#map = affine_map<(d0, d1) -> (0, 0)>
#map1 = affine_map<(d0, d1) -> (0, 0, 0, 0)>
#map2 = affine_map<(d0, d1) -> (0, 0, 0)>
module attributes {stable_mosaic.version = 14 : i64} {
  func.func @_spmm_body(%arg0: i32, %arg1: i32, %arg2: memref<20000x128xf32, #tpu.memory_space<hbm>>, %arg3: memref<2x16x80x128xi32, #tpu.memory_space<hbm>>, %arg4: memref<16x80x128xi32, #tpu.memory_space<hbm>>, %arg5: memref<10112x128xf32, #tpu.memory_space<hbm>>, %arg6: memref<2x10112x128xf32, #tpu.memory_space<hbm>>, %arg7: memref<16x128xi32, #tpu.memory_space<vmem>>, %arg8: memref<16x128xi32, #tpu.memory_space<vmem>>, %arg9: memref<2x128x128xf32, #tpu.memory_space<vmem>>, %arg10: memref<10112x128xf32, #tpu.memory_space<vmem_shared>>, %arg11: memref<!tpu.dma_semaphore, #tpu.memory_space<semaphore_mem>>, %arg12: memref<!tpu.dma_semaphore, #tpu.memory_space<semaphore_mem>>) attributes {dimension_semantics = [#tpu.dimension_semantics<core_parallel>, #tpu.dimension_semantics<subcore_parallel>], iteration_bounds = array<i64: 2, 16>, scalar_prefetch = 0 : i64, scratch_operands = 6 : i64, tpu.core_type = #tpu.core_type<sc_vector_subcore>, window_params = [{transform_indices = #map}, {transform_indices = #map1}, {transform_indices = #map2}, {transform_indices = #map}, {transform_indices = #map2}]} {
    %mul3A = arith.constant 632 : i32
    %mul3A_0 = arith.muli %arg1, %mul3A : i32
    %mul3A_1 = arith.constant 632 : i32
    %mul3A_2 = arith.muli %arg1, %mul3A_1 : i32
    "tpu.region"() ({
      %run_scoped3A = tpu.sem_alloc : memref<!tpu.dma_semaphore, #tpu.memory_space<semaphore_mem>>
      %dma_start3A = arith.constant 0 : i32
      %dma_start3A_13 = tpu.memref_slice %arg10[%mul3A_2, %dma_start3A] : memref<10112x128xf32, #tpu.memory_space<vmem_shared>> -> memref<632x128xf32, #tpu.memory_space<vmem_shared>>
      %dma_start3A_14 = arith.constant 0 : i32
      %dma_start3A_15 = tpu.memref_slice %arg5[%mul3A_0, %dma_start3A_14] : memref<10112x128xf32, #tpu.memory_space<hbm>> -> memref<632x128xf32, #tpu.memory_space<hbm>>
      tpu.enqueue_dma source(%dma_start3A_15 : memref<632x128xf32, #tpu.memory_space<hbm>>) target(%dma_start3A_13 : memref<632x128xf32, #tpu.memory_space<vmem_shared>>) target_semaphore(%run_scoped3A : memref<!tpu.dma_semaphore, #tpu.memory_space<semaphore_mem>>)
      %dma_wait3A = arith.constant 0 : i32
      %dma_wait3A_16 = tpu.memref_slice %arg10[%mul3A_2, %dma_wait3A] : memref<10112x128xf32, #tpu.memory_space<vmem_shared>> -> memref<632x128xf32, #tpu.memory_space<vmem_shared>>
      %dma_wait3A_17 = arith.constant 0 : i32
      %dma_wait3A_18 = tpu.memref_slice %arg5[%mul3A_0, %dma_wait3A_17] : memref<10112x128xf32, #tpu.memory_space<hbm>> -> memref<632x128xf32, #tpu.memory_space<hbm>>
      tpu.wait_dma2 semaphore(%run_scoped3A : memref<!tpu.dma_semaphore, #tpu.memory_space<semaphore_mem>>) src(%dma_wait3A_18 : memref<632x128xf32, #tpu.memory_space<hbm>>) dst(%dma_wait3A_16 : memref<632x128xf32, #tpu.memory_space<vmem_shared>>)
      tpu.yield
    }) : () -> ()
    %barrier3A = arith.constant 0 : index
    tpu.barrier barrier_id(%barrier3A)
    %scan3A = arith.constant 0 : i32
    %scan3A_3 = arith.constant 0 : i32
    %scan3A_4 = arith.constant 5 : i32
    %scan3A_5 = arith.addi %scan3A_3, %scan3A_4 : i32
    %scan3A_6 = arith.constant 1 : i32
    scf.for %scan3A_13 = %scan3A_3 to %scan3A_5 step %scan3A_6  : i32 {
      %mul3A_14 = arith.constant 16 : i32
      %mul3A_15 = arith.muli %scan3A_13, %mul3A_14 : i32
      "tpu.region"() ({
        %run_scoped3A = tpu.sem_alloc : memref<!tpu.dma_semaphore, #tpu.memory_space<semaphore_mem>>
        %dma_start3A_35 = arith.constant 0 : i32
        %dma_start3A_36 = tpu.memref_slice %arg3[%arg0, %arg1, %mul3A_15, %dma_start3A_35] : memref<2x16x80x128xi32, #tpu.memory_space<hbm>> -> memref<1x1x16x128xi32, #tpu.memory_space<hbm>>
        %dma_start3A_37 = tpu.memref_squeeze %dma_start3A_36 : memref<1x1x16x128xi32, #tpu.memory_space<hbm>> -> memref<16x128xi32, #tpu.memory_space<hbm>>
        %dma_start3A_38 = arith.constant 0 : i32
        %dma_start3A_39 = tpu.memref_slice %arg3[%arg0, %arg1, %mul3A_15, %dma_start3A_38] : memref<2x16x80x128xi32, #tpu.memory_space<hbm>> -> memref<1x1x16x128xi32, #tpu.memory_space<hbm>>
        %dma_start3A_40 = tpu.memref_squeeze %dma_start3A_39 : memref<1x1x16x128xi32, #tpu.memory_space<hbm>> -> memref<16x128xi32, #tpu.memory_space<hbm>>
        tpu.enqueue_dma source(%dma_start3A_40 : memref<16x128xi32, #tpu.memory_space<hbm>>) target(%arg7 : memref<16x128xi32, #tpu.memory_space<vmem>>) target_semaphore(%run_scoped3A : memref<!tpu.dma_semaphore, #tpu.memory_space<semaphore_mem>>)
        %dma_wait3A = arith.constant 0 : i32
        %dma_wait3A_41 = tpu.memref_slice %arg3[%arg0, %arg1, %mul3A_15, %dma_wait3A] : memref<2x16x80x128xi32, #tpu.memory_space<hbm>> -> memref<1x1x16x128xi32, #tpu.memory_space<hbm>>
        %dma_wait3A_42 = tpu.memref_squeeze %dma_wait3A_41 : memref<1x1x16x128xi32, #tpu.memory_space<hbm>> -> memref<16x128xi32, #tpu.memory_space<hbm>>
        %dma_wait3A_43 = arith.constant 0 : i32
        %dma_wait3A_44 = tpu.memref_slice %arg3[%arg0, %arg1, %mul3A_15, %dma_wait3A_43] : memref<2x16x80x128xi32, #tpu.memory_space<hbm>> -> memref<1x1x16x128xi32, #tpu.memory_space<hbm>>
        %dma_wait3A_45 = tpu.memref_squeeze %dma_wait3A_44 : memref<1x1x16x128xi32, #tpu.memory_space<hbm>> -> memref<16x128xi32, #tpu.memory_space<hbm>>
        tpu.wait_dma2 semaphore(%run_scoped3A : memref<!tpu.dma_semaphore, #tpu.memory_space<semaphore_mem>>) src(%dma_wait3A_45 : memref<16x128xi32, #tpu.memory_space<hbm>>) dst(%arg7 : memref<16x128xi32, #tpu.memory_space<vmem>>)
        tpu.yield
      }) : () -> ()
      %mul3A_16 = arith.constant 16 : i32
      %mul3A_17 = arith.muli %scan3A_13, %mul3A_16 : i32
      "tpu.region"() ({
        %run_scoped3A = tpu.sem_alloc : memref<!tpu.dma_semaphore, #tpu.memory_space<semaphore_mem>>
        %dma_start3A_35 = arith.constant 0 : i32
        %dma_start3A_36 = tpu.memref_slice %arg4[%arg1, %mul3A_17, %dma_start3A_35] : memref<16x80x128xi32, #tpu.memory_space<hbm>> -> memref<1x16x128xi32, #tpu.memory_space<hbm>>
        %dma_start3A_37 = tpu.memref_squeeze %dma_start3A_36 : memref<1x16x128xi32, #tpu.memory_space<hbm>> -> memref<16x128xi32, #tpu.memory_space<hbm>>
        %dma_start3A_38 = arith.constant 0 : i32
        %dma_start3A_39 = tpu.memref_slice %arg4[%arg1, %mul3A_17, %dma_start3A_38] : memref<16x80x128xi32, #tpu.memory_space<hbm>> -> memref<1x16x128xi32, #tpu.memory_space<hbm>>
        %dma_start3A_40 = tpu.memref_squeeze %dma_start3A_39 : memref<1x16x128xi32, #tpu.memory_space<hbm>> -> memref<16x128xi32, #tpu.memory_space<hbm>>
        tpu.enqueue_dma source(%dma_start3A_40 : memref<16x128xi32, #tpu.memory_space<hbm>>) target(%arg8 : memref<16x128xi32, #tpu.memory_space<vmem>>) target_semaphore(%run_scoped3A : memref<!tpu.dma_semaphore, #tpu.memory_space<semaphore_mem>>)
        %dma_wait3A = arith.constant 0 : i32
        %dma_wait3A_41 = tpu.memref_slice %arg4[%arg1, %mul3A_17, %dma_wait3A] : memref<16x80x128xi32, #tpu.memory_space<hbm>> -> memref<1x16x128xi32, #tpu.memory_space<hbm>>
        %dma_wait3A_42 = tpu.memref_squeeze %dma_wait3A_41 : memref<1x16x128xi32, #tpu.memory_space<hbm>> -> memref<16x128xi32, #tpu.memory_space<hbm>>
        %dma_wait3A_43 = arith.constant 0 : i32
        %dma_wait3A_44 = tpu.memref_slice %arg4[%arg1, %mul3A_17, %dma_wait3A_43] : memref<16x80x128xi32, #tpu.memory_space<hbm>> -> memref<1x16x128xi32, #tpu.memory_space<hbm>>
        %dma_wait3A_45 = tpu.memref_squeeze %dma_wait3A_44 : memref<1x16x128xi32, #tpu.memory_space<hbm>> -> memref<16x128xi32, #tpu.memory_space<hbm>>
        tpu.wait_dma2 semaphore(%run_scoped3A : memref<!tpu.dma_semaphore, #tpu.memory_space<semaphore_mem>>) src(%dma_wait3A_45 : memref<16x128xi32, #tpu.memory_space<hbm>>) dst(%arg8 : memref<16x128xi32, #tpu.memory_space<vmem>>)
        tpu.yield
      }) : () -> ()
      %dma_start3A = arith.constant 0 : i32
      %dma_start3A_18 = arith.constant 0 : i32
      %dma_start3A_19 = arith.constant 0 : i32
      %dma_start3A_20 = arith.constant 0 : i32
      %dma_start3A_21 = tpu.memref_slice %arg9[%dma_start3A_18, %dma_start3A_19, %dma_start3A_20] : memref<2x128x128xf32, #tpu.memory_space<vmem>> -> memref<1x128x128xf32, #tpu.memory_space<vmem>>
      %dma_start3A_22 = tpu.memref_squeeze %dma_start3A_21 : memref<1x128x128xf32, #tpu.memory_space<vmem>> -> memref<128x128xf32, #tpu.memory_space<vmem>>
      %dma_start3A_23 = arith.constant 0 : i32
      %dma_start3A_24 = tpu.memref_slice %arg7[%dma_start3A, %dma_start3A_23] : memref<16x128xi32, #tpu.memory_space<vmem>> -> memref<1x128xi32, #tpu.memory_space<vmem>>
      %dma_start3A_25 = tpu.memref_squeeze %dma_start3A_24 : memref<1x128xi32, #tpu.memory_space<vmem>> -> memref<128xi32, #tpu.memory_space<vmem>>
      %dma_start3A_26 = arith.constant 0 : i32
      %dma_start3A_27 = arith.constant 0 : i32
      %dma_start3A_28 = tpu.memref_slice %arg2[%dma_start3A_26, %dma_start3A_27] : memref<20000x128xf32, #tpu.memory_space<hbm>> -> memref<20000x128xf32, #tpu.memory_space<hbm>>
      tpu.enqueue_indirect_dma source(%dma_start3A_28 : memref<20000x128xf32, #tpu.memory_space<hbm>>) target(%dma_start3A_22 : memref<128x128xf32, #tpu.memory_space<vmem>>) offsets(%dma_start3A_25 : memref<128xi32, #tpu.memory_space<vmem>>) semaphore(%arg11 : memref<!tpu.dma_semaphore, #tpu.memory_space<semaphore_mem>>)
      %scan3A_29 = arith.constant 0 : i32
      %scan3A_30 = arith.constant 0 : i32
      %scan3A_31 = arith.constant 8 : i32
      %scan3A_32 = arith.addi %scan3A_30, %scan3A_31 : i32
      %scan3A_33 = arith.constant 1 : i32
      scf.for %scan3A_35 = %scan3A_30 to %scan3A_32 step %scan3A_33  : i32 {
        %mul3A_36 = arith.constant 2 : i32
        %mul3A_37 = arith.muli %mul3A_36, %scan3A_35 : i32
        %add3A = arith.constant 1 : i32
        %add3A_38 = arith.addi %mul3A_37, %add3A : i32
        %dma_start3A_39 = arith.constant 1 : i32
        %dma_start3A_40 = arith.constant 0 : i32
        %dma_start3A_41 = arith.constant 0 : i32
        %dma_start3A_42 = tpu.memref_slice %arg9[%dma_start3A_39, %dma_start3A_40, %dma_start3A_41] : memref<2x128x128xf32, #tpu.memory_space<vmem>> -> memref<1x128x128xf32, #tpu.memory_space<vmem>>
        %dma_start3A_43 = tpu.memref_squeeze %dma_start3A_42 : memref<1x128x128xf32, #tpu.memory_space<vmem>> -> memref<128x128xf32, #tpu.memory_space<vmem>>
        %dma_start3A_44 = arith.constant 0 : i32
        %dma_start3A_45 = tpu.memref_slice %arg7[%add3A_38, %dma_start3A_44] : memref<16x128xi32, #tpu.memory_space<vmem>> -> memref<1x128xi32, #tpu.memory_space<vmem>>
        %dma_start3A_46 = tpu.memref_squeeze %dma_start3A_45 : memref<1x128xi32, #tpu.memory_space<vmem>> -> memref<128xi32, #tpu.memory_space<vmem>>
        %dma_start3A_47 = arith.constant 0 : i32
        %dma_start3A_48 = arith.constant 0 : i32
        %dma_start3A_49 = tpu.memref_slice %arg2[%dma_start3A_47, %dma_start3A_48] : memref<20000x128xf32, #tpu.memory_space<hbm>> -> memref<20000x128xf32, #tpu.memory_space<hbm>>
        tpu.enqueue_indirect_dma source(%dma_start3A_49 : memref<20000x128xf32, #tpu.memory_space<hbm>>) target(%dma_start3A_43 : memref<128x128xf32, #tpu.memory_space<vmem>>) offsets(%dma_start3A_46 : memref<128xi32, #tpu.memory_space<vmem>>) semaphore(%arg12 : memref<!tpu.dma_semaphore, #tpu.memory_space<semaphore_mem>>)
        %dma_wait3A = arith.constant 0 : i32
        %dma_wait3A_50 = arith.constant 0 : i32
        %dma_wait3A_51 = arith.constant 0 : i32
        %dma_wait3A_52 = tpu.memref_slice %arg9[%dma_wait3A, %dma_wait3A_50, %dma_wait3A_51] : memref<2x128x128xf32, #tpu.memory_space<vmem>> -> memref<1x128x128xf32, #tpu.memory_space<vmem>>
        %dma_wait3A_53 = tpu.memref_squeeze %dma_wait3A_52 : memref<1x128x128xf32, #tpu.memory_space<vmem>> -> memref<128x128xf32, #tpu.memory_space<vmem>>
        %dma_wait3A_54 = arith.constant 0 : i32
        %dma_wait3A_55 = tpu.memref_slice %arg7[%mul3A_37, %dma_wait3A_54] : memref<16x128xi32, #tpu.memory_space<vmem>> -> memref<1x128xi32, #tpu.memory_space<vmem>>
        %dma_wait3A_56 = tpu.memref_squeeze %dma_wait3A_55 : memref<1x128xi32, #tpu.memory_space<vmem>> -> memref<128xi32, #tpu.memory_space<vmem>>
        %dma_wait3A_57 = arith.constant 0 : i32
        %dma_wait3A_58 = arith.constant 0 : i32
        %dma_wait3A_59 = tpu.memref_slice %arg2[%dma_wait3A_57, %dma_wait3A_58] : memref<20000x128xf32, #tpu.memory_space<hbm>> -> memref<20000x128xf32, #tpu.memory_space<hbm>>
        tpu.wait_indirect_dma semaphore(%arg11 : memref<!tpu.dma_semaphore, #tpu.memory_space<semaphore_mem>>) src(%dma_wait3A_59 : memref<20000x128xf32, #tpu.memory_space<hbm>>) dst(%dma_wait3A_53 : memref<128x128xf32, #tpu.memory_space<vmem>>)
        %run_scoped3A = arith.constant 0 : i32
        "tpu.region"() ({
          %run_scoped3A_78 = tpu.sem_alloc : memref<!tpu.dma_semaphore, #tpu.memory_space<semaphore_mem>>
          %dma_start3A_79 = arith.constant 0 : i32
          %dma_start3A_80 = arith.constant 0 : i32
          %dma_start3A_81 = tpu.memref_slice %arg9[%run_scoped3A, %dma_start3A_79, %dma_start3A_80] : memref<2x128x128xf32, #tpu.memory_space<vmem>> -> memref<1x128x128xf32, #tpu.memory_space<vmem>>
          %dma_start3A_82 = tpu.memref_squeeze %dma_start3A_81 : memref<1x128x128xf32, #tpu.memory_space<vmem>> -> memref<128x128xf32, #tpu.memory_space<vmem>>
          %dma_start3A_83 = arith.constant 0 : i32
          %dma_start3A_84 = tpu.memref_slice %arg8[%mul3A_37, %dma_start3A_83] : memref<16x128xi32, #tpu.memory_space<vmem>> -> memref<1x128xi32, #tpu.memory_space<vmem>>
          %dma_start3A_85 = tpu.memref_squeeze %dma_start3A_84 : memref<1x128xi32, #tpu.memory_space<vmem>> -> memref<128xi32, #tpu.memory_space<vmem>>
          %dma_start3A_86 = arith.constant 0 : i32
          %dma_start3A_87 = arith.constant 0 : i32
          %dma_start3A_88 = tpu.memref_slice %arg10[%dma_start3A_86, %dma_start3A_87] : memref<10112x128xf32, #tpu.memory_space<vmem_shared>> -> memref<10112x128xf32, #tpu.memory_space<vmem_shared>>
          tpu.enqueue_indirect_dma source(%dma_start3A_82 : memref<128x128xf32, #tpu.memory_space<vmem>>) target(%dma_start3A_88 : memref<10112x128xf32, #tpu.memory_space<vmem_shared>>) offsets(%dma_start3A_85 : memref<128xi32, #tpu.memory_space<vmem>>) semaphore(%run_scoped3A_78 : memref<!tpu.dma_semaphore, #tpu.memory_space<semaphore_mem>>) {add = true}
          %dma_wait3A_89 = arith.constant 0 : i32
          %dma_wait3A_90 = arith.constant 0 : i32
          %dma_wait3A_91 = tpu.memref_slice %arg9[%run_scoped3A, %dma_wait3A_89, %dma_wait3A_90] : memref<2x128x128xf32, #tpu.memory_space<vmem>> -> memref<1x128x128xf32, #tpu.memory_space<vmem>>
          %dma_wait3A_92 = tpu.memref_squeeze %dma_wait3A_91 : memref<1x128x128xf32, #tpu.memory_space<vmem>> -> memref<128x128xf32, #tpu.memory_space<vmem>>
          %dma_wait3A_93 = arith.constant 0 : i32
          %dma_wait3A_94 = tpu.memref_slice %arg8[%mul3A_37, %dma_wait3A_93] : memref<16x128xi32, #tpu.memory_space<vmem>> -> memref<1x128xi32, #tpu.memory_space<vmem>>
          %dma_wait3A_95 = tpu.memref_squeeze %dma_wait3A_94 : memref<1x128xi32, #tpu.memory_space<vmem>> -> memref<128xi32, #tpu.memory_space<vmem>>
          %dma_wait3A_96 = arith.constant 0 : i32
          %dma_wait3A_97 = arith.constant 0 : i32
          %dma_wait3A_98 = tpu.memref_slice %arg10[%dma_wait3A_96, %dma_wait3A_97] : memref<10112x128xf32, #tpu.memory_space<vmem_shared>> -> memref<10112x128xf32, #tpu.memory_space<vmem_shared>>
          tpu.wait_indirect_dma semaphore(%run_scoped3A_78 : memref<!tpu.dma_semaphore, #tpu.memory_space<semaphore_mem>>) src(%dma_wait3A_92 : memref<128x128xf32, #tpu.memory_space<vmem>>) dst(%dma_wait3A_98 : memref<10112x128xf32, #tpu.memory_space<vmem_shared>>)
          tpu.yield
        }) : () -> ()
        %lt3A = arith.constant 7 : i32
        %lt3A_60 = arith.cmpi slt, %scan3A_35, %lt3A : i32
        %convert_element_type3A = arith.extui %lt3A_60 : i1 to i32
        %cond3A = arith.constant 0 : i32
        %cond3A_61 = arith.cmpi ne, %convert_element_type3A, %cond3A : i32
        scf.if %cond3A_61 {
          %add3A_78 = arith.constant 2 : i32
          %add3A_79 = arith.addi %mul3A_37, %add3A_78 : i32
          %dma_start3A_80 = arith.constant 0 : i32
          %dma_start3A_81 = arith.constant 0 : i32
          %dma_start3A_82 = arith.constant 0 : i32
          %dma_start3A_83 = tpu.memref_slice %arg9[%dma_start3A_80, %dma_start3A_81, %dma_start3A_82] : memref<2x128x128xf32, #tpu.memory_space<vmem>> -> memref<1x128x128xf32, #tpu.memory_space<vmem>>
          %dma_start3A_84 = tpu.memref_squeeze %dma_start3A_83 : memref<1x128x128xf32, #tpu.memory_space<vmem>> -> memref<128x128xf32, #tpu.memory_space<vmem>>
          %dma_start3A_85 = arith.constant 0 : i32
          %dma_start3A_86 = tpu.memref_slice %arg7[%add3A_79, %dma_start3A_85] : memref<16x128xi32, #tpu.memory_space<vmem>> -> memref<1x128xi32, #tpu.memory_space<vmem>>
          %dma_start3A_87 = tpu.memref_squeeze %dma_start3A_86 : memref<1x128xi32, #tpu.memory_space<vmem>> -> memref<128xi32, #tpu.memory_space<vmem>>
          %dma_start3A_88 = arith.constant 0 : i32
          %dma_start3A_89 = arith.constant 0 : i32
          %dma_start3A_90 = tpu.memref_slice %arg2[%dma_start3A_88, %dma_start3A_89] : memref<20000x128xf32, #tpu.memory_space<hbm>> -> memref<20000x128xf32, #tpu.memory_space<hbm>>
          tpu.enqueue_indirect_dma source(%dma_start3A_90 : memref<20000x128xf32, #tpu.memory_space<hbm>>) target(%dma_start3A_84 : memref<128x128xf32, #tpu.memory_space<vmem>>) offsets(%dma_start3A_87 : memref<128xi32, #tpu.memory_space<vmem>>) semaphore(%arg11 : memref<!tpu.dma_semaphore, #tpu.memory_space<semaphore_mem>>)
        } else {
        }
        %add3A_62 = arith.constant 1 : i32
        %add3A_63 = arith.addi %mul3A_37, %add3A_62 : i32
        %dma_wait3A_64 = arith.constant 1 : i32
        %dma_wait3A_65 = arith.constant 0 : i32
        %dma_wait3A_66 = arith.constant 0 : i32
        %dma_wait3A_67 = tpu.memref_slice %arg9[%dma_wait3A_64, %dma_wait3A_65, %dma_wait3A_66] : memref<2x128x128xf32, #tpu.memory_space<vmem>> -> memref<1x128x128xf32, #tpu.memory_space<vmem>>
        %dma_wait3A_68 = tpu.memref_squeeze %dma_wait3A_67 : memref<1x128x128xf32, #tpu.memory_space<vmem>> -> memref<128x128xf32, #tpu.memory_space<vmem>>
        %dma_wait3A_69 = arith.constant 0 : i32
        %dma_wait3A_70 = tpu.memref_slice %arg7[%add3A_63, %dma_wait3A_69] : memref<16x128xi32, #tpu.memory_space<vmem>> -> memref<1x128xi32, #tpu.memory_space<vmem>>
        %dma_wait3A_71 = tpu.memref_squeeze %dma_wait3A_70 : memref<1x128xi32, #tpu.memory_space<vmem>> -> memref<128xi32, #tpu.memory_space<vmem>>
        %dma_wait3A_72 = arith.constant 0 : i32
        %dma_wait3A_73 = arith.constant 0 : i32
        %dma_wait3A_74 = tpu.memref_slice %arg2[%dma_wait3A_72, %dma_wait3A_73] : memref<20000x128xf32, #tpu.memory_space<hbm>> -> memref<20000x128xf32, #tpu.memory_space<hbm>>
        tpu.wait_indirect_dma semaphore(%arg12 : memref<!tpu.dma_semaphore, #tpu.memory_space<semaphore_mem>>) src(%dma_wait3A_74 : memref<20000x128xf32, #tpu.memory_space<hbm>>) dst(%dma_wait3A_68 : memref<128x128xf32, #tpu.memory_space<vmem>>)
        %add3A_75 = arith.constant 1 : i32
        %add3A_76 = arith.addi %mul3A_37, %add3A_75 : i32
        %run_scoped3A_77 = arith.constant 1 : i32
        "tpu.region"() ({
          %run_scoped3A_78 = tpu.sem_alloc : memref<!tpu.dma_semaphore, #tpu.memory_space<semaphore_mem>>
          %dma_start3A_79 = arith.constant 0 : i32
          %dma_start3A_80 = arith.constant 0 : i32
          %dma_start3A_81 = tpu.memref_slice %arg9[%run_scoped3A_77, %dma_start3A_79, %dma_start3A_80] : memref<2x128x128xf32, #tpu.memory_space<vmem>> -> memref<1x128x128xf32, #tpu.memory_space<vmem>>
          %dma_start3A_82 = tpu.memref_squeeze %dma_start3A_81 : memref<1x128x128xf32, #tpu.memory_space<vmem>> -> memref<128x128xf32, #tpu.memory_space<vmem>>
          %dma_start3A_83 = arith.constant 0 : i32
          %dma_start3A_84 = tpu.memref_slice %arg8[%add3A_76, %dma_start3A_83] : memref<16x128xi32, #tpu.memory_space<vmem>> -> memref<1x128xi32, #tpu.memory_space<vmem>>
          %dma_start3A_85 = tpu.memref_squeeze %dma_start3A_84 : memref<1x128xi32, #tpu.memory_space<vmem>> -> memref<128xi32, #tpu.memory_space<vmem>>
          %dma_start3A_86 = arith.constant 0 : i32
          %dma_start3A_87 = arith.constant 0 : i32
          %dma_start3A_88 = tpu.memref_slice %arg10[%dma_start3A_86, %dma_start3A_87] : memref<10112x128xf32, #tpu.memory_space<vmem_shared>> -> memref<10112x128xf32, #tpu.memory_space<vmem_shared>>
          tpu.enqueue_indirect_dma source(%dma_start3A_82 : memref<128x128xf32, #tpu.memory_space<vmem>>) target(%dma_start3A_88 : memref<10112x128xf32, #tpu.memory_space<vmem_shared>>) offsets(%dma_start3A_85 : memref<128xi32, #tpu.memory_space<vmem>>) semaphore(%run_scoped3A_78 : memref<!tpu.dma_semaphore, #tpu.memory_space<semaphore_mem>>) {add = true}
          %dma_wait3A_89 = arith.constant 0 : i32
          %dma_wait3A_90 = arith.constant 0 : i32
          %dma_wait3A_91 = tpu.memref_slice %arg9[%run_scoped3A_77, %dma_wait3A_89, %dma_wait3A_90] : memref<2x128x128xf32, #tpu.memory_space<vmem>> -> memref<1x128x128xf32, #tpu.memory_space<vmem>>
          %dma_wait3A_92 = tpu.memref_squeeze %dma_wait3A_91 : memref<1x128x128xf32, #tpu.memory_space<vmem>> -> memref<128x128xf32, #tpu.memory_space<vmem>>
          %dma_wait3A_93 = arith.constant 0 : i32
          %dma_wait3A_94 = tpu.memref_slice %arg8[%add3A_76, %dma_wait3A_93] : memref<16x128xi32, #tpu.memory_space<vmem>> -> memref<1x128xi32, #tpu.memory_space<vmem>>
          %dma_wait3A_95 = tpu.memref_squeeze %dma_wait3A_94 : memref<1x128xi32, #tpu.memory_space<vmem>> -> memref<128xi32, #tpu.memory_space<vmem>>
          %dma_wait3A_96 = arith.constant 0 : i32
          %dma_wait3A_97 = arith.constant 0 : i32
          %dma_wait3A_98 = tpu.memref_slice %arg10[%dma_wait3A_96, %dma_wait3A_97] : memref<10112x128xf32, #tpu.memory_space<vmem_shared>> -> memref<10112x128xf32, #tpu.memory_space<vmem_shared>>
          tpu.wait_indirect_dma semaphore(%run_scoped3A_78 : memref<!tpu.dma_semaphore, #tpu.memory_space<semaphore_mem>>) src(%dma_wait3A_92 : memref<128x128xf32, #tpu.memory_space<vmem>>) dst(%dma_wait3A_98 : memref<10112x128xf32, #tpu.memory_space<vmem_shared>>)
          tpu.yield
        }) : () -> ()
      }
      %scan3A_34 = arith.constant 8 : i32
    }
    %scan3A_7 = arith.constant 5 : i32
    %barrier3A_8 = arith.constant 0 : index
    tpu.barrier barrier_id(%barrier3A_8)
    %mul3A_9 = arith.constant 632 : i32
    %mul3A_10 = arith.muli %arg1, %mul3A_9 : i32
    %mul3A_11 = arith.constant 632 : i32
    %mul3A_12 = arith.muli %arg1, %mul3A_11 : i32
    "tpu.region"() ({
      %run_scoped3A = tpu.sem_alloc : memref<!tpu.dma_semaphore, #tpu.memory_space<semaphore_mem>>
      %dma_start3A = arith.constant 0 : i32
      %dma_start3A_13 = tpu.memref_slice %arg6[%arg0, %mul3A_12, %dma_start3A] : memref<2x10112x128xf32, #tpu.memory_space<hbm>> -> memref<1x632x128xf32, #tpu.memory_space<hbm>>
      %dma_start3A_14 = tpu.memref_squeeze %dma_start3A_13 : memref<1x632x128xf32, #tpu.memory_space<hbm>> -> memref<632x128xf32, #tpu.memory_space<hbm>>
      %dma_start3A_15 = arith.constant 0 : i32
      %dma_start3A_16 = tpu.memref_slice %arg10[%mul3A_10, %dma_start3A_15] : memref<10112x128xf32, #tpu.memory_space<vmem_shared>> -> memref<632x128xf32, #tpu.memory_space<vmem_shared>>
      tpu.enqueue_dma source(%dma_start3A_16 : memref<632x128xf32, #tpu.memory_space<vmem_shared>>) target(%dma_start3A_14 : memref<632x128xf32, #tpu.memory_space<hbm>>) target_semaphore(%run_scoped3A : memref<!tpu.dma_semaphore, #tpu.memory_space<semaphore_mem>>)
      %dma_wait3A = arith.constant 0 : i32
      %dma_wait3A_17 = tpu.memref_slice %arg6[%arg0, %mul3A_12, %dma_wait3A] : memref<2x10112x128xf32, #tpu.memory_space<hbm>> -> memref<1x632x128xf32, #tpu.memory_space<hbm>>
      %dma_wait3A_18 = tpu.memref_squeeze %dma_wait3A_17 : memref<1x632x128xf32, #tpu.memory_space<hbm>> -> memref<632x128xf32, #tpu.memory_space<hbm>>
      %dma_wait3A_19 = arith.constant 0 : i32
      %dma_wait3A_20 = tpu.memref_slice %arg10[%mul3A_10, %dma_wait3A_19] : memref<10112x128xf32, #tpu.memory_space<vmem_shared>> -> memref<632x128xf32, #tpu.memory_space<vmem_shared>>
      tpu.wait_dma2 semaphore(%run_scoped3A : memref<!tpu.dma_semaphore, #tpu.memory_space<semaphore_mem>>) src(%dma_wait3A_20 : memref<632x128xf32, #tpu.memory_space<vmem_shared>>) dst(%dma_wait3A_18 : memref<632x128xf32, #tpu.memory_space<hbm>>)
      tpu.yield
    }) : () -> ()
    return
  }
}

module attributes {stable_mosaic.version = 14 : i64} {
  func.func @_tca_body(%arg0: i32, %arg1: memref<2000x256xf32, #tpu.memory_space<vmem>>, %arg2: memref<256x256xf32, #tpu.memory_space<vmem>>, %arg3: memref<2x2000x128xf32, #tpu.memory_space<vmem>>) attributes {dimension_semantics = [#tpu.dimension_semantics<arbitrary>], iteration_bounds = array<i64: 5>, scalar_prefetch = 0 : i64, scratch_operands = 0 : i64, tpu.core_type = #tpu.core_type<tc>, window_params = [{transform_indices = @transform_0, window_bounds = array<i64: 2000, 256>}, {pipeline_mode = #tpu.pipeline_mode<synchronous>, transform_indices = @transform_1, window_bounds = array<i64: 256, 256>}, {transform_indices = @transform_2, window_bounds = array<i64: 2, 2000, 128>}]} {
    %get3A = arith.constant 0 : index
    %get3A_0 = arith.constant 0 : index
    %get3A_1 = vector.load %arg1[%get3A, %get3A_0] : memref<2000x256xf32, #tpu.memory_space<vmem>>, vector<2000x256xf32>
    %get3A_2 = arith.constant 0 : index
    %get3A_3 = arith.constant 0 : index
    %get3A_4 = vector.load %arg2[%get3A_2, %get3A_3] : memref<256x256xf32, #tpu.memory_space<vmem>>, vector<256x256xf32>
    %slice3A = vector.extract_strided_slice %get3A_4 {offsets = [0, 0], sizes = [256, 128], strides = [1, 1]} : vector<256x256xf32> to vector<256x128xf32>
    %dot_general3A = arith.constant dense<0.000000e+00> : vector<2000x128xf32>
    %dot_general3A_5 = tpu.matmul %get3A_1, %slice3A, %dot_general3A {dimension_numbers = #tpu.dot_dimension_numbers<[1], [0], [0], [1], [0, 0, 1, 1], [], []>, transpose_lhs_hint = false} : vector<2000x256xf32>, vector<256x128xf32>, vector<2000x128xf32> -> vector<2000x128xf32>
    %swap3A = arith.constant 0 : index
    %swap3A_6 = arith.constant 0 : index
    %swap3A_7 = arith.constant 0 : index
    %swap3A_8 = vector.load %arg3[%swap3A, %swap3A_6, %swap3A_7] : memref<2x2000x128xf32, #tpu.memory_space<vmem>>, vector<1x2000x128xf32>
    %swap3A_9 = vector.shape_cast %swap3A_8 : vector<1x2000x128xf32> to vector<2000x128xf32>
    %swap3A_10 = vector.shape_cast %dot_general3A_5 : vector<2000x128xf32> to vector<1x2000x128xf32>
    tpu.vector_store %arg3[%swap3A, %swap3A_6, %swap3A_7], %swap3A_10 {strides = array<i32>} : memref<2x2000x128xf32, #tpu.memory_space<vmem>>, vector<1x2000x128xf32>,
    %slice3A_11 = vector.extract_strided_slice %get3A_4 {offsets = [0, 128], sizes = [256, 128], strides = [1, 1]} : vector<256x256xf32> to vector<256x128xf32>
    %dot_general3A_12 = arith.constant dense<0.000000e+00> : vector<2000x128xf32>
    %dot_general3A_13 = tpu.matmul %get3A_1, %slice3A_11, %dot_general3A_12 {dimension_numbers = #tpu.dot_dimension_numbers<[1], [0], [0], [1], [0, 0, 1, 1], [], []>, transpose_lhs_hint = false} : vector<2000x256xf32>, vector<256x128xf32>, vector<2000x128xf32> -> vector<2000x128xf32>
    %swap3A_14 = arith.constant 1 : index
    %swap3A_15 = arith.constant 0 : index
    %swap3A_16 = arith.constant 0 : index
    %swap3A_17 = vector.load %arg3[%swap3A_14, %swap3A_15, %swap3A_16] : memref<2x2000x128xf32, #tpu.memory_space<vmem>>, vector<1x2000x128xf32>
    %swap3A_18 = vector.shape_cast %swap3A_17 : vector<1x2000x128xf32> to vector<2000x128xf32>
    %swap3A_19 = vector.shape_cast %dot_general3A_13 : vector<2000x128xf32> to vector<1x2000x128xf32>
    tpu.vector_store %arg3[%swap3A_14, %swap3A_15, %swap3A_16], %swap3A_19 {strides = array<i32>} : memref<2x2000x128xf32, #tpu.memory_space<vmem>>, vector<1x2000x128xf32>,
    return
  }
  func.func @transform_0(%arg0: i32) -> (i32, i32) {
    %c0_i32 = arith.constant 0 : i32
    %c0_i32_0 = arith.constant 0 : i32
    return %arg0, %c0_i32 : i32, i32
  }
  func.func @transform_1(%arg0: i32) -> (i32, i32) {
    %c0_i32 = arith.constant 0 : i32
    %c0_i32_0 = arith.constant 0 : i32
    %c0_i32_1 = arith.constant 0 : i32
    return %c0_i32, %c0_i32_0 : i32, i32
  }
  func.func @transform_2(%arg0: i32) -> (i32, i32, i32) {
    %c0_i32 = arith.constant 0 : i32
    %c0_i32_0 = arith.constant 0 : i32
    %c0_i32_1 = arith.constant 0 : i32
    return %c0_i32, %arg0, %c0_i32_0 : i32, i32, i32
  }
}

module attributes {stable_mosaic.version = 14 : i64} {
  func.func @_scale_body(%arg0: i32, %arg1: memref<2x2000x128xf32, #tpu.memory_space<vmem>>, %arg2: memref<2x2000x128xf32, #tpu.memory_space<vmem>>, %arg3: memref<2x2000x128xf32, #tpu.memory_space<vmem>>) attributes {dimension_semantics = [#tpu.dimension_semantics<arbitrary>], iteration_bounds = array<i64: 5>, scalar_prefetch = 0 : i64, scratch_operands = 0 : i64, tpu.core_type = #tpu.core_type<tc>, window_params = [{transform_indices = @transform_0, window_bounds = array<i64: 2, 2000, 128>}, {transform_indices = @transform_1, window_bounds = array<i64: 2, 2000, 128>}, {transform_indices = @transform_2, window_bounds = array<i64: 2, 2000, 128>}]} {
    %get3A = arith.constant 0 : index
    %get3A_0 = arith.constant 0 : index
    %get3A_1 = arith.constant 0 : index
    %get3A_2 = vector.load %arg2[%get3A, %get3A_0, %get3A_1] : memref<2x2000x128xf32, #tpu.memory_space<vmem>>, vector<1x2000x128xf32>
    %get3A_3 = vector.shape_cast %get3A_2 : vector<1x2000x128xf32> to vector<2000x128xf32>
    %get3A_4 = arith.constant 1 : index
    %get3A_5 = arith.constant 0 : index
    %get3A_6 = arith.constant 0 : index
    %get3A_7 = vector.load %arg2[%get3A_4, %get3A_5, %get3A_6] : memref<2x2000x128xf32, #tpu.memory_space<vmem>>, vector<1x2000x128xf32>
    %get3A_8 = vector.shape_cast %get3A_7 : vector<1x2000x128xf32> to vector<2000x128xf32>
    %add3A = arith.addf %get3A_3, %get3A_8 : vector<2000x128xf32>
    %gt3A = arith.constant 0.000000e+00 : f32
    %gt3A_9 = vector.broadcast %gt3A : f32 to vector<2000x128xf32>
    %gt3A_10 = arith.cmpf ogt, %add3A, %gt3A_9 : vector<2000x128xf32>
    %rsqrt3A = math.rsqrt %add3A : vector<2000x128xf32>
    %jit3A = arith.constant 0.000000e+00 : f32
    %broadcast_in_dim3A = vector.broadcast %jit3A : f32 to vector<2000x128xf32>
    %select_n3A = arith.select %gt3A_10, %rsqrt3A, %broadcast_in_dim3A : vector<2000x128xi1>, vector<2000x128xf32>
    %slice3A = vector.extract_strided_slice %select_n3A {offsets = [0, 0], sizes = [2000, 1], strides = [1, 1]} : vector<2000x128xf32> to vector<2000x1xf32>
    %get3A_11 = arith.constant 0 : index
    %get3A_12 = arith.constant 0 : index
    %get3A_13 = arith.constant 0 : index
    %get3A_14 = vector.load %arg1[%get3A_11, %get3A_12, %get3A_13] : memref<2x2000x128xf32, #tpu.memory_space<vmem>>, vector<1x2000x128xf32>
    %get3A_15 = vector.shape_cast %get3A_14 : vector<1x2000x128xf32> to vector<2000x128xf32>
    %mul3A = vector.broadcast %slice3A : vector<2000x1xf32> to vector<2000x128xf32>
    %mul3A_16 = arith.mulf %get3A_15, %mul3A : vector<2000x128xf32>
    %swap3A = arith.constant 0 : index
    %swap3A_17 = arith.constant 0 : index
    %swap3A_18 = arith.constant 0 : index
    %swap3A_19 = vector.load %arg3[%swap3A, %swap3A_17, %swap3A_18] : memref<2x2000x128xf32, #tpu.memory_space<vmem>>, vector<1x2000x128xf32>
    %swap3A_20 = vector.shape_cast %swap3A_19 : vector<1x2000x128xf32> to vector<2000x128xf32>
    %swap3A_21 = vector.shape_cast %mul3A_16 : vector<2000x128xf32> to vector<1x2000x128xf32>
    tpu.vector_store %arg3[%swap3A, %swap3A_17, %swap3A_18], %swap3A_21 {strides = array<i32>} : memref<2x2000x128xf32, #tpu.memory_space<vmem>>, vector<1x2000x128xf32>,
    %get3A_22 = arith.constant 1 : index
    %get3A_23 = arith.constant 0 : index
    %get3A_24 = arith.constant 0 : index
    %get3A_25 = vector.load %arg1[%get3A_22, %get3A_23, %get3A_24] : memref<2x2000x128xf32, #tpu.memory_space<vmem>>, vector<1x2000x128xf32>
    %get3A_26 = vector.shape_cast %get3A_25 : vector<1x2000x128xf32> to vector<2000x128xf32>
    %mul3A_27 = vector.broadcast %slice3A : vector<2000x1xf32> to vector<2000x128xf32>
    %mul3A_28 = arith.mulf %get3A_26, %mul3A_27 : vector<2000x128xf32>
    %swap3A_29 = arith.constant 1 : index
    %swap3A_30 = arith.constant 0 : index
    %swap3A_31 = arith.constant 0 : index
    %swap3A_32 = vector.load %arg3[%swap3A_29, %swap3A_30, %swap3A_31] : memref<2x2000x128xf32, #tpu.memory_space<vmem>>, vector<1x2000x128xf32>
    %swap3A_33 = vector.shape_cast %swap3A_32 : vector<1x2000x128xf32> to vector<2000x128xf32>
    %swap3A_34 = vector.shape_cast %mul3A_28 : vector<2000x128xf32> to vector<1x2000x128xf32>
    tpu.vector_store %arg3[%swap3A_29, %swap3A_30, %swap3A_31], %swap3A_34 {strides = array<i32>} : memref<2x2000x128xf32, #tpu.memory_space<vmem>>, vector<1x2000x128xf32>,
    return
  }
  func.func @transform_0(%arg0: i32) -> (i32, i32, i32) {
    %c0_i32 = arith.constant 0 : i32
    %c0_i32_0 = arith.constant 0 : i32
    %c0_i32_1 = arith.constant 0 : i32
    return %c0_i32, %arg0, %c0_i32_0 : i32, i32, i32
  }
  func.func @transform_1(%arg0: i32) -> (i32, i32, i32) {
    %c0_i32 = arith.constant 0 : i32
    %c0_i32_0 = arith.constant 0 : i32
    %c0_i32_1 = arith.constant 0 : i32
    return %c0_i32, %arg0, %c0_i32_0 : i32, i32, i32
  }
  func.func @transform_2(%arg0: i32) -> (i32, i32, i32) {
    %c0_i32 = arith.constant 0 : i32
    %c0_i32_0 = arith.constant 0 : i32
    %c0_i32_1 = arith.constant 0 : i32
    return %c0_i32, %arg0, %c0_i32_0 : i32, i32, i32
  }
}

module attributes {stable_mosaic.version = 14 : i64} {
  func.func @_tcb_body(%arg0: i32, %arg1: memref<2x2000x128xf32, #tpu.memory_space<vmem>>, %arg2: memref<2000x256xf32, #tpu.memory_space<vmem>>, %arg3: memref<2x2000x128xf32, #tpu.memory_space<vmem>>, %arg4: memref<1x256xf32, #tpu.memory_space<vmem>>, %arg5: memref<256x256xf32, #tpu.memory_space<vmem>>, %arg6: memref<2x2000x128xf32, #tpu.memory_space<vmem>>, %arg7: memref<2x2000x128xf32, #tpu.memory_space<vmem>>) attributes {dimension_semantics = [#tpu.dimension_semantics<arbitrary>], iteration_bounds = array<i64: 5>, scalar_prefetch = 0 : i64, scratch_operands = 0 : i64, tpu.core_type = #tpu.core_type<tc>, window_params = [{transform_indices = @transform_0, window_bounds = array<i64: 2, 2000, 128>}, {transform_indices = @transform_1, window_bounds = array<i64: 2000, 256>}, {transform_indices = @transform_2, window_bounds = array<i64: 2, 2000, 128>}, {pipeline_mode = #tpu.pipeline_mode<synchronous>, transform_indices = @transform_3, window_bounds = array<i64: 1, 256>}, {pipeline_mode = #tpu.pipeline_mode<synchronous>, transform_indices = @transform_4, window_bounds = array<i64: 256, 256>}, {transform_indices = @transform_5, window_bounds = array<i64: 2, 2000, 128>}, {transform_indices = @transform_6, window_bounds = array<i64: 2, 2000, 128>}]} {
    %get3A = arith.constant 0 : index
    %get3A_0 = arith.constant 0 : index
    %get3A_1 = arith.constant 0 : index
    %get3A_2 = vector.load %arg3[%get3A, %get3A_0, %get3A_1] : memref<2x2000x128xf32, #tpu.memory_space<vmem>>, vector<1x2000x128xf32>
    %get3A_3 = vector.shape_cast %get3A_2 : vector<1x2000x128xf32> to vector<2000x128xf32>
    %get3A_4 = arith.constant 1 : index
    %get3A_5 = arith.constant 0 : index
    %get3A_6 = arith.constant 0 : index
    %get3A_7 = vector.load %arg3[%get3A_4, %get3A_5, %get3A_6] : memref<2x2000x128xf32, #tpu.memory_space<vmem>>, vector<1x2000x128xf32>
    %get3A_8 = vector.shape_cast %get3A_7 : vector<1x2000x128xf32> to vector<2000x128xf32>
    %add3A = arith.addf %get3A_3, %get3A_8 : vector<2000x128xf32>
    %gt3A = arith.constant 0.000000e+00 : f32
    %gt3A_9 = vector.broadcast %gt3A : f32 to vector<2000x128xf32>
    %gt3A_10 = arith.cmpf ogt, %add3A, %gt3A_9 : vector<2000x128xf32>
    %rsqrt3A = math.rsqrt %add3A : vector<2000x128xf32>
    %jit3A = arith.constant 0.000000e+00 : f32
    %broadcast_in_dim3A = vector.broadcast %jit3A : f32 to vector<2000x128xf32>
    %select_n3A = arith.select %gt3A_10, %rsqrt3A, %broadcast_in_dim3A : vector<2000x128xi1>, vector<2000x128xf32>
    %slice3A = vector.extract_strided_slice %select_n3A {offsets = [0, 0], sizes = [2000, 1], strides = [1, 1]} : vector<2000x128xf32> to vector<2000x1xf32>
    %get3A_11 = arith.constant 0 : index
    %get3A_12 = arith.constant 0 : index
    %get3A_13 = arith.constant 0 : index
    %get3A_14 = vector.load %arg1[%get3A_11, %get3A_12, %get3A_13] : memref<2x2000x128xf32, #tpu.memory_space<vmem>>, vector<1x2000x128xf32>
    %get3A_15 = vector.shape_cast %get3A_14 : vector<1x2000x128xf32> to vector<2000x128xf32>
    %mul3A = vector.broadcast %slice3A : vector<2000x1xf32> to vector<2000x128xf32>
    %mul3A_16 = arith.mulf %get3A_15, %mul3A : vector<2000x128xf32>
    %get3A_17 = arith.constant 0 : index
    %get3A_18 = arith.constant 0 : index
    %get3A_19 = vector.load %arg4[%get3A_17, %get3A_18] : memref<1x256xf32, #tpu.memory_space<vmem>>, vector<1x128xf32>
    %get3A_20 = vector.shape_cast %get3A_19 : vector<1x128xf32> to vector<128xf32>
    %broadcast_in_dim3A_21 = vector.shape_cast %get3A_20 : vector<128xf32> to vector<1x128xf32>
    %add3A_22 = vector.broadcast %broadcast_in_dim3A_21 : vector<1x128xf32> to vector<2000x128xf32>
    %add3A_23 = arith.addf %mul3A_16, %add3A_22 : vector<2000x128xf32>
    %max3A = arith.constant 0.000000e+00 : f32
    %max3A_24 = vector.broadcast %max3A : f32 to vector<2000x128xf32>
    %max3A_25 = arith.maximumf %add3A_23, %max3A_24 : vector<2000x128xf32>
    %get3A_26 = arith.constant 0 : index
    %get3A_27 = arith.constant 0 : index
    %get3A_28 = vector.load %arg2[%get3A_26, %get3A_27] : memref<2000x256xf32, #tpu.memory_space<vmem>>, vector<2000x128xf32>
    %add3A_29 = arith.addf %max3A_25, %get3A_28 : vector<2000x128xf32>
    %get3A_30 = arith.constant 1 : index
    %get3A_31 = arith.constant 0 : index
    %get3A_32 = arith.constant 0 : index
    %get3A_33 = vector.load %arg1[%get3A_30, %get3A_31, %get3A_32] : memref<2x2000x128xf32, #tpu.memory_space<vmem>>, vector<1x2000x128xf32>
    %get3A_34 = vector.shape_cast %get3A_33 : vector<1x2000x128xf32> to vector<2000x128xf32>
    %mul3A_35 = vector.broadcast %slice3A : vector<2000x1xf32> to vector<2000x128xf32>
    %mul3A_36 = arith.mulf %get3A_34, %mul3A_35 : vector<2000x128xf32>
    %get3A_37 = arith.constant 0 : index
    %get3A_38 = arith.constant 128 : index
    %get3A_39 = vector.load %arg4[%get3A_37, %get3A_38] : memref<1x256xf32, #tpu.memory_space<vmem>>, vector<1x128xf32>
    %get3A_40 = vector.shape_cast %get3A_39 : vector<1x128xf32> to vector<128xf32>
    %broadcast_in_dim3A_41 = vector.shape_cast %get3A_40 : vector<128xf32> to vector<1x128xf32>
    %add3A_42 = vector.broadcast %broadcast_in_dim3A_41 : vector<1x128xf32> to vector<2000x128xf32>
    %add3A_43 = arith.addf %mul3A_36, %add3A_42 : vector<2000x128xf32>
    %max3A_44 = arith.constant 0.000000e+00 : f32
    %max3A_45 = vector.broadcast %max3A_44 : f32 to vector<2000x128xf32>
    %max3A_46 = arith.maximumf %add3A_43, %max3A_45 : vector<2000x128xf32>
    %get3A_47 = arith.constant 0 : index
    %get3A_48 = arith.constant 128 : index
    %get3A_49 = vector.load %arg2[%get3A_47, %get3A_48] : memref<2000x256xf32, #tpu.memory_space<vmem>>, vector<2000x128xf32>
    %add3A_50 = arith.addf %max3A_46, %get3A_49 : vector<2000x128xf32>
    %swap3A = arith.constant 0 : index
    %swap3A_51 = arith.constant 0 : index
    %swap3A_52 = arith.constant 0 : index
    %swap3A_53 = vector.load %arg6[%swap3A, %swap3A_51, %swap3A_52] : memref<2x2000x128xf32, #tpu.memory_space<vmem>>, vector<1x2000x128xf32>
    %swap3A_54 = vector.shape_cast %swap3A_53 : vector<1x2000x128xf32> to vector<2000x128xf32>
    %swap3A_55 = vector.shape_cast %add3A_29 : vector<2000x128xf32> to vector<1x2000x128xf32>
    tpu.vector_store %arg6[%swap3A, %swap3A_51, %swap3A_52], %swap3A_55 {strides = array<i32>} : memref<2x2000x128xf32, #tpu.memory_space<vmem>>, vector<1x2000x128xf32>,
    %swap3A_56 = arith.constant 1 : index
    %swap3A_57 = arith.constant 0 : index
    %swap3A_58 = arith.constant 0 : index
    %swap3A_59 = vector.load %arg6[%swap3A_56, %swap3A_57, %swap3A_58] : memref<2x2000x128xf32, #tpu.memory_space<vmem>>, vector<1x2000x128xf32>
    %swap3A_60 = vector.shape_cast %swap3A_59 : vector<1x2000x128xf32> to vector<2000x128xf32>
    %swap3A_61 = vector.shape_cast %add3A_50 : vector<2000x128xf32> to vector<1x2000x128xf32>
    tpu.vector_store %arg6[%swap3A_56, %swap3A_57, %swap3A_58], %swap3A_61 {strides = array<i32>} : memref<2x2000x128xf32, #tpu.memory_space<vmem>>, vector<1x2000x128xf32>,
    %mul3A_62 = vector.broadcast %slice3A : vector<2000x1xf32> to vector<2000x128xf32>
    %mul3A_63 = arith.mulf %add3A_29, %mul3A_62 : vector<2000x128xf32>
    %mul3A_64 = vector.broadcast %slice3A : vector<2000x1xf32> to vector<2000x128xf32>
    %mul3A_65 = arith.mulf %add3A_50, %mul3A_64 : vector<2000x128xf32>
    %get3A_66 = arith.constant 0 : index
    %get3A_67 = arith.constant 0 : index
    %get3A_68 = vector.load %arg5[%get3A_66, %get3A_67] : memref<256x256xf32, #tpu.memory_space<vmem>>, vector<256x256xf32>
    %slice3A_69 = vector.extract_strided_slice %get3A_68 {offsets = [0, 0], sizes = [128, 128], strides = [1, 1]} : vector<256x256xf32> to vector<128x128xf32>
    %dot_general3A = arith.constant dense<0.000000e+00> : vector<2000x128xf32>
    %dot_general3A_70 = tpu.matmul %mul3A_63, %slice3A_69, %dot_general3A {dimension_numbers = #tpu.dot_dimension_numbers<[1], [0], [0], [1], [0, 0, 1, 1], [], []>, transpose_lhs_hint = false} : vector<2000x128xf32>, vector<128x128xf32>, vector<2000x128xf32> -> vector<2000x128xf32>
    %slice3A_71 = vector.extract_strided_slice %get3A_68 {offsets = [128, 0], sizes = [128, 128], strides = [1, 1]} : vector<256x256xf32> to vector<128x128xf32>
    %dot_general3A_72 = arith.constant dense<0.000000e+00> : vector<2000x128xf32>
    %dot_general3A_73 = tpu.matmul %mul3A_65, %slice3A_71, %dot_general3A_72 {dimension_numbers = #tpu.dot_dimension_numbers<[1], [0], [0], [1], [0, 0, 1, 1], [], []>, transpose_lhs_hint = false} : vector<2000x128xf32>, vector<128x128xf32>, vector<2000x128xf32> -> vector<2000x128xf32>
    %add3A_74 = arith.addf %dot_general3A_70, %dot_general3A_73 : vector<2000x128xf32>
    %swap3A_75 = arith.constant 0 : index
    %swap3A_76 = arith.constant 0 : index
    %swap3A_77 = arith.constant 0 : index
    %swap3A_78 = vector.load %arg7[%swap3A_75, %swap3A_76, %swap3A_77] : memref<2x2000x128xf32, #tpu.memory_space<vmem>>, vector<1x2000x128xf32>
    %swap3A_79 = vector.shape_cast %swap3A_78 : vector<1x2000x128xf32> to vector<2000x128xf32>
    %swap3A_80 = vector.shape_cast %add3A_74 : vector<2000x128xf32> to vector<1x2000x128xf32>
    tpu.vector_store %arg7[%swap3A_75, %swap3A_76, %swap3A_77], %swap3A_80 {strides = array<i32>} : memref<2x2000x128xf32, #tpu.memory_space<vmem>>, vector<1x2000x128xf32>,
    %slice3A_81 = vector.extract_strided_slice %get3A_68 {offsets = [0, 128], sizes = [128, 128], strides = [1, 1]} : vector<256x256xf32> to vector<128x128xf32>
    %dot_general3A_82 = arith.constant dense<0.000000e+00> : vector<2000x128xf32>
    %dot_general3A_83 = tpu.matmul %mul3A_63, %slice3A_81, %dot_general3A_82 {dimension_numbers = #tpu.dot_dimension_numbers<[1], [0], [0], [1], [0, 0, 1, 1], [], []>, transpose_lhs_hint = false} : vector<2000x128xf32>, vector<128x128xf32>, vector<2000x128xf32> -> vector<2000x128xf32>
    %slice3A_84 = vector.extract_strided_slice %get3A_68 {offsets = [128, 128], sizes = [128, 128], strides = [1, 1]} : vector<256x256xf32> to vector<128x128xf32>
    %dot_general3A_85 = arith.constant dense<0.000000e+00> : vector<2000x128xf32>
    %dot_general3A_86 = tpu.matmul %mul3A_65, %slice3A_84, %dot_general3A_85 {dimension_numbers = #tpu.dot_dimension_numbers<[1], [0], [0], [1], [0, 0, 1, 1], [], []>, transpose_lhs_hint = false} : vector<2000x128xf32>, vector<128x128xf32>, vector<2000x128xf32> -> vector<2000x128xf32>
    %add3A_87 = arith.addf %dot_general3A_83, %dot_general3A_86 : vector<2000x128xf32>
    %swap3A_88 = arith.constant 1 : index
    %swap3A_89 = arith.constant 0 : index
    %swap3A_90 = arith.constant 0 : index
    %swap3A_91 = vector.load %arg7[%swap3A_88, %swap3A_89, %swap3A_90] : memref<2x2000x128xf32, #tpu.memory_space<vmem>>, vector<1x2000x128xf32>
    %swap3A_92 = vector.shape_cast %swap3A_91 : vector<1x2000x128xf32> to vector<2000x128xf32>
    %swap3A_93 = vector.shape_cast %add3A_87 : vector<2000x128xf32> to vector<1x2000x128xf32>
    tpu.vector_store %arg7[%swap3A_88, %swap3A_89, %swap3A_90], %swap3A_93 {strides = array<i32>} : memref<2x2000x128xf32, #tpu.memory_space<vmem>>, vector<1x2000x128xf32>,
    return
  }
  func.func @transform_0(%arg0: i32) -> (i32, i32, i32) {
    %c0_i32 = arith.constant 0 : i32
    %c0_i32_0 = arith.constant 0 : i32
    %c0_i32_1 = arith.constant 0 : i32
    return %c0_i32, %arg0, %c0_i32_0 : i32, i32, i32
  }
  func.func @transform_1(%arg0: i32) -> (i32, i32) {
    %c0_i32 = arith.constant 0 : i32
    %c0_i32_0 = arith.constant 0 : i32
    return %arg0, %c0_i32 : i32, i32
  }
  func.func @transform_2(%arg0: i32) -> (i32, i32, i32) {
    %c0_i32 = arith.constant 0 : i32
    %c0_i32_0 = arith.constant 0 : i32
    %c0_i32_1 = arith.constant 0 : i32
    return %c0_i32, %arg0, %c0_i32_0 : i32, i32, i32
  }
  func.func @transform_3(%arg0: i32) -> (i32, i32) {
    %c0_i32 = arith.constant 0 : i32
    %c0_i32_0 = arith.constant 0 : i32
    %c0_i32_1 = arith.constant 0 : i32
    return %c0_i32, %c0_i32_0 : i32, i32
  }
  func.func @transform_4(%arg0: i32) -> (i32, i32) {
    %c0_i32 = arith.constant 0 : i32
    %c0_i32_0 = arith.constant 0 : i32
    %c0_i32_1 = arith.constant 0 : i32
    return %c0_i32, %c0_i32_0 : i32, i32
  }
  func.func @transform_5(%arg0: i32) -> (i32, i32, i32) {
    %c0_i32 = arith.constant 0 : i32
    %c0_i32_0 = arith.constant 0 : i32
    %c0_i32_1 = arith.constant 0 : i32
    return %c0_i32, %arg0, %c0_i32_0 : i32, i32, i32
  }
  func.func @transform_6(%arg0: i32) -> (i32, i32, i32) {
    %c0_i32 = arith.constant 0 : i32
    %c0_i32_0 = arith.constant 0 : i32
    %c0_i32_1 = arith.constant 0 : i32
    return %c0_i32, %arg0, %c0_i32_0 : i32, i32, i32
  }
}

module attributes {stable_mosaic.version = 14 : i64} {
  func.func @_tcc_body(%arg0: i32, %arg1: memref<2x2000x128xf32, #tpu.memory_space<vmem>>, %arg2: memref<2x2000x128xf32, #tpu.memory_space<vmem>>, %arg3: memref<2x2000x128xf32, #tpu.memory_space<vmem>>, %arg4: memref<1x256xf32, #tpu.memory_space<vmem>>, %arg5: memref<1x256xf32, #tpu.memory_space<vmem>>, %arg6: memref<1x1xf32, #tpu.memory_space<vmem>>, %arg7: memref<2000x1xf32, #tpu.memory_space<vmem>>) attributes {dimension_semantics = [#tpu.dimension_semantics<arbitrary>], iteration_bounds = array<i64: 5>, scalar_prefetch = 0 : i64, scratch_operands = 0 : i64, tpu.core_type = #tpu.core_type<tc>, window_params = [{transform_indices = @transform_0, window_bounds = array<i64: 2, 2000, 128>}, {transform_indices = @transform_1, window_bounds = array<i64: 2, 2000, 128>}, {transform_indices = @transform_2, window_bounds = array<i64: 2, 2000, 128>}, {pipeline_mode = #tpu.pipeline_mode<synchronous>, transform_indices = @transform_3, window_bounds = array<i64: 1, 256>}, {pipeline_mode = #tpu.pipeline_mode<synchronous>, transform_indices = @transform_4, window_bounds = array<i64: 1, 256>}, {pipeline_mode = #tpu.pipeline_mode<synchronous>, transform_indices = @transform_5, window_bounds = array<i64: 1, 1>}, {transform_indices = @transform_6, window_bounds = array<i64: 2000, 1>}]} {
    %get3A = arith.constant 0 : index
    %get3A_0 = arith.constant 0 : index
    %get3A_1 = arith.constant 0 : index
    %get3A_2 = vector.load %arg3[%get3A, %get3A_0, %get3A_1] : memref<2x2000x128xf32, #tpu.memory_space<vmem>>, vector<1x2000x128xf32>
    %get3A_3 = vector.shape_cast %get3A_2 : vector<1x2000x128xf32> to vector<2000x128xf32>
    %get3A_4 = arith.constant 1 : index
    %get3A_5 = arith.constant 0 : index
    %get3A_6 = arith.constant 0 : index
    %get3A_7 = vector.load %arg3[%get3A_4, %get3A_5, %get3A_6] : memref<2x2000x128xf32, #tpu.memory_space<vmem>>, vector<1x2000x128xf32>
    %get3A_8 = vector.shape_cast %get3A_7 : vector<1x2000x128xf32> to vector<2000x128xf32>
    %add3A = arith.addf %get3A_3, %get3A_8 : vector<2000x128xf32>
    %gt3A = arith.constant 0.000000e+00 : f32
    %gt3A_9 = vector.broadcast %gt3A : f32 to vector<2000x128xf32>
    %gt3A_10 = arith.cmpf ogt, %add3A, %gt3A_9 : vector<2000x128xf32>
    %rsqrt3A = math.rsqrt %add3A : vector<2000x128xf32>
    %jit3A = arith.constant 0.000000e+00 : f32
    %broadcast_in_dim3A = vector.broadcast %jit3A : f32 to vector<2000x128xf32>
    %select_n3A = arith.select %gt3A_10, %rsqrt3A, %broadcast_in_dim3A : vector<2000x128xi1>, vector<2000x128xf32>
    %slice3A = vector.extract_strided_slice %select_n3A {offsets = [0, 0], sizes = [2000, 1], strides = [1, 1]} : vector<2000x128xf32> to vector<2000x1xf32>
    %get3A_11 = arith.constant 0 : index
    %get3A_12 = arith.constant 0 : index
    %get3A_13 = arith.constant 0 : index
    %get3A_14 = vector.load %arg1[%get3A_11, %get3A_12, %get3A_13] : memref<2x2000x128xf32, #tpu.memory_space<vmem>>, vector<1x2000x128xf32>
    %get3A_15 = vector.shape_cast %get3A_14 : vector<1x2000x128xf32> to vector<2000x128xf32>
    %mul3A = vector.broadcast %slice3A : vector<2000x1xf32> to vector<2000x128xf32>
    %mul3A_16 = arith.mulf %get3A_15, %mul3A : vector<2000x128xf32>
    %get3A_17 = arith.constant 0 : index
    %get3A_18 = arith.constant 0 : index
    %get3A_19 = vector.load %arg4[%get3A_17, %get3A_18] : memref<1x256xf32, #tpu.memory_space<vmem>>, vector<1x128xf32>
    %get3A_20 = vector.shape_cast %get3A_19 : vector<1x128xf32> to vector<128xf32>
    %broadcast_in_dim3A_21 = vector.shape_cast %get3A_20 : vector<128xf32> to vector<1x128xf32>
    %add3A_22 = vector.broadcast %broadcast_in_dim3A_21 : vector<1x128xf32> to vector<2000x128xf32>
    %add3A_23 = arith.addf %mul3A_16, %add3A_22 : vector<2000x128xf32>
    %max3A = arith.constant 0.000000e+00 : f32
    %max3A_24 = vector.broadcast %max3A : f32 to vector<2000x128xf32>
    %max3A_25 = arith.maximumf %add3A_23, %max3A_24 : vector<2000x128xf32>
    %get3A_26 = arith.constant 0 : index
    %get3A_27 = arith.constant 0 : index
    %get3A_28 = arith.constant 0 : index
    %get3A_29 = vector.load %arg2[%get3A_26, %get3A_27, %get3A_28] : memref<2x2000x128xf32, #tpu.memory_space<vmem>>, vector<1x2000x128xf32>
    %get3A_30 = vector.shape_cast %get3A_29 : vector<1x2000x128xf32> to vector<2000x128xf32>
    %add3A_31 = arith.addf %max3A_25, %get3A_30 : vector<2000x128xf32>
    %get3A_32 = arith.constant 1 : index
    %get3A_33 = arith.constant 0 : index
    %get3A_34 = arith.constant 0 : index
    %get3A_35 = vector.load %arg1[%get3A_32, %get3A_33, %get3A_34] : memref<2x2000x128xf32, #tpu.memory_space<vmem>>, vector<1x2000x128xf32>
    %get3A_36 = vector.shape_cast %get3A_35 : vector<1x2000x128xf32> to vector<2000x128xf32>
    %mul3A_37 = vector.broadcast %slice3A : vector<2000x1xf32> to vector<2000x128xf32>
    %mul3A_38 = arith.mulf %get3A_36, %mul3A_37 : vector<2000x128xf32>
    %get3A_39 = arith.constant 0 : index
    %get3A_40 = arith.constant 128 : index
    %get3A_41 = vector.load %arg4[%get3A_39, %get3A_40] : memref<1x256xf32, #tpu.memory_space<vmem>>, vector<1x128xf32>
    %get3A_42 = vector.shape_cast %get3A_41 : vector<1x128xf32> to vector<128xf32>
    %broadcast_in_dim3A_43 = vector.shape_cast %get3A_42 : vector<128xf32> to vector<1x128xf32>
    %add3A_44 = vector.broadcast %broadcast_in_dim3A_43 : vector<1x128xf32> to vector<2000x128xf32>
    %add3A_45 = arith.addf %mul3A_38, %add3A_44 : vector<2000x128xf32>
    %max3A_46 = arith.constant 0.000000e+00 : f32
    %max3A_47 = vector.broadcast %max3A_46 : f32 to vector<2000x128xf32>
    %max3A_48 = arith.maximumf %add3A_45, %max3A_47 : vector<2000x128xf32>
    %get3A_49 = arith.constant 1 : index
    %get3A_50 = arith.constant 0 : index
    %get3A_51 = arith.constant 0 : index
    %get3A_52 = vector.load %arg2[%get3A_49, %get3A_50, %get3A_51] : memref<2x2000x128xf32, #tpu.memory_space<vmem>>, vector<1x2000x128xf32>
    %get3A_53 = vector.shape_cast %get3A_52 : vector<1x2000x128xf32> to vector<2000x128xf32>
    %add3A_54 = arith.addf %max3A_48, %get3A_53 : vector<2000x128xf32>
    %get3A_55 = arith.constant 0 : index
    %get3A_56 = arith.constant 0 : index
    %get3A_57 = vector.load %arg5[%get3A_55, %get3A_56] : memref<1x256xf32, #tpu.memory_space<vmem>>, vector<1x256xf32>
    %slice3A_58 = vector.extract_strided_slice %get3A_57 {offsets = [0, 0], sizes = [1, 128], strides = [1, 1]} : vector<1x256xf32> to vector<1x128xf32>
    %squeeze3A = vector.shape_cast %slice3A_58 : vector<1x128xf32> to vector<128xf32>
    %broadcast_in_dim3A_59 = vector.shape_cast %squeeze3A : vector<128xf32> to vector<1x128xf32>
    %mul3A_60 = vector.broadcast %broadcast_in_dim3A_59 : vector<1x128xf32> to vector<2000x128xf32>
    %mul3A_61 = arith.mulf %add3A_31, %mul3A_60 : vector<2000x128xf32>
    %reduce_sum3A = arith.constant dense<0.000000e+00> : vector<2000xf32>
    %reduce_sum3A_62 = vector.multi_reduction <add>, %mul3A_61, %reduce_sum3A [1] : vector<2000x128xf32> to vector<2000xf32>
    %slice3A_63 = vector.extract_strided_slice %get3A_57 {offsets = [0, 128], sizes = [1, 128], strides = [1, 1]} : vector<1x256xf32> to vector<1x128xf32>
    %squeeze3A_64 = vector.shape_cast %slice3A_63 : vector<1x128xf32> to vector<128xf32>
    %broadcast_in_dim3A_65 = vector.shape_cast %squeeze3A_64 : vector<128xf32> to vector<1x128xf32>
    %mul3A_66 = vector.broadcast %broadcast_in_dim3A_65 : vector<1x128xf32> to vector<2000x128xf32>
    %mul3A_67 = arith.mulf %add3A_54, %mul3A_66 : vector<2000x128xf32>
    %reduce_sum3A_68 = arith.constant dense<0.000000e+00> : vector<2000xf32>
    %reduce_sum3A_69 = vector.multi_reduction <add>, %mul3A_67, %reduce_sum3A_68 [1] : vector<2000x128xf32> to vector<2000xf32>
    %add3A_70 = arith.addf %reduce_sum3A_62, %reduce_sum3A_69 : vector<2000xf32>
    %get3A_71 = arith.constant 0 : index
    %get3A_72 = arith.constant 0 : index
    %get3A_73 = vector.load %arg6[%get3A_71, %get3A_72] : memref<1x1xf32, #tpu.memory_space<vmem>>, vector<1x1xf32>
    %get3A_74 = vector.extract %get3A_73[0, 0] : f32 from vector<1x1xf32>
    %add3A_75 = vector.broadcast %get3A_74 : f32 to vector<2000xf32>
    %add3A_76 = arith.addf %add3A_70, %add3A_75 : vector<2000xf32>
    %broadcast_in_dim3A_77 = vector.shape_cast %add3A_76 : vector<2000xf32> to vector<2000x1xf32>
    %swap3A = arith.constant 0 : index
    %swap3A_78 = arith.constant 0 : index
    %swap3A_79 = vector.load %arg7[%swap3A, %swap3A_78] : memref<2000x1xf32, #tpu.memory_space<vmem>>, vector<2000x1xf32>
    tpu.vector_store %arg7[%swap3A, %swap3A_78], %broadcast_in_dim3A_77 {strides = array<i32>} : memref<2000x1xf32, #tpu.memory_space<vmem>>, vector<2000x1xf32>,
    return
  }
  func.func @transform_0(%arg0: i32) -> (i32, i32, i32) {
    %c0_i32 = arith.constant 0 : i32
    %c0_i32_0 = arith.constant 0 : i32
    %c0_i32_1 = arith.constant 0 : i32
    return %c0_i32, %arg0, %c0_i32_0 : i32, i32, i32
  }
  func.func @transform_1(%arg0: i32) -> (i32, i32, i32) {
    %c0_i32 = arith.constant 0 : i32
    %c0_i32_0 = arith.constant 0 : i32
    %c0_i32_1 = arith.constant 0 : i32
    return %c0_i32, %arg0, %c0_i32_0 : i32, i32, i32
  }
  func.func @transform_2(%arg0: i32) -> (i32, i32, i32) {
    %c0_i32 = arith.constant 0 : i32
    %c0_i32_0 = arith.constant 0 : i32
    %c0_i32_1 = arith.constant 0 : i32
    return %c0_i32, %arg0, %c0_i32_0 : i32, i32, i32
  }
  func.func @transform_3(%arg0: i32) -> (i32, i32) {
    %c0_i32 = arith.constant 0 : i32
    %c0_i32_0 = arith.constant 0 : i32
    %c0_i32_1 = arith.constant 0 : i32
    return %c0_i32, %c0_i32_0 : i32, i32
  }
  func.func @transform_4(%arg0: i32) -> (i32, i32) {
    %c0_i32 = arith.constant 0 : i32
    %c0_i32_0 = arith.constant 0 : i32
    %c0_i32_1 = arith.constant 0 : i32
    return %c0_i32, %c0_i32_0 : i32, i32
  }
  func.func @transform_5(%arg0: i32) -> (i32, i32) {
    %c0_i32 = arith.constant 0 : i32
    %c0_i32_0 = arith.constant 0 : i32
    %c0_i32_1 = arith.constant 0 : i32
    return %c0_i32, %c0_i32_0 : i32, i32
  }
  func.func @transform_6(%arg0: i32) -> (i32, i32) {
    %c0_i32 = arith.constant 0 : i32
    %c0_i32_0 = arith.constant 0 : i32
    return %arg0, %c0_i32 : i32, i32
  }
}

</mosaic_0001>

<sc_bundles>
// kernel: kernel.12.cloned.1.call-start
scs
__scs_entry_jumppad:
0x0: {  	(pc) =	sbr.rel $0x88, $3  }
0x1: {  	(tag) =	ssettag $0x0;
	lr =	simm.s32 $0x1  }
0x2: {  	[smem:$0x3F99] =	sst lr;
	_ =	strace $0xD0000000  }
0x3: {  	_ = 	snop  }
0x4: {  	_ = 	snop  }
0x5: {  	_ = 	snop  }
0x6: {  	_ = 	snop  }
0x7: {  	_ = 	snop  }
__scs_overlays_trampoline_lowered:
0x8: {  	[smem:$0x3FA8] =	sst s0  }
0x9: {  	[smem:$0x3FA9] =	sst s1  }
0xa: {  	[smem:$0x3FAA] =	sst s2  }
0xb: {  	[smem:$0x3FAB] =	sst s3  }
0xc: {  	[smem:$0x3FAC] =	sst s4  }
0xd: {  	[smem:$0x3FAD] =	sst s5  }
0xe: {  	[smem:$0x3FAE] =	sst s6  }
0xf: {  	[smem:$0x3FAF] =	sst s7  }
0x10: {  	[smem:$0x3FB0] =	sst s8  }
0x11: {  	[smem:$0x3FB1] =	sst s9;
	s0 =	simm.s32 @!p0 $0x0  }
0x12: {  	s1 =	sld [smem:$0x3F97];
	s0 =	simm.s32 @p0 $0x1  }
0x13: {  	[smem:$0x3FB2] =	sst s0;
	s0 =	simm.s32 @!p1 $0x0  }
0x14: {  	s2 =	sld [smem:$0x3F96];
	s0 =	simm.s32 @p1 $0x1  }
0x15: {  	[smem:$0x3FB3] =	sst s0;
	s0 =	simm.s32 @!p2 $0x0  }
0x16: {  	s3 =	sld [smem:$0x3FDB];
	s0 =	simm.s32 @p2 $0x1  }
0x17: {  	s4 =	simm.s32 $0x1BF5;
	[smem:$0x3FB5] =	sst s0  }
0x18: {  	s0 =	sld [smem:$0x3F98];
	_ =	swait.ge [sflag:s4], $0x0  }
0x19: {  	s7 =	sld [smem:$0x3F99]  }
0x1a: {  	s8 =	sadd.s32 $0xFFFFE003, lr  }
0x1b: {  	s9 =	sadd.s32 $0xFFFFFEF7, lr;
	s5 =	simm.s32 $0xFFFFFFFF;
	p2 =	slt.u32 s8, $0xFFFFF086  }
0x1c: {  	p1 =	slt.u32 s9, $0xF7A;
	s5 =	simm.s32 @!p2 $0x0  }
0x1d: {  	s5 =	simm.s32 @p1 $0x1;
	p0 =	seq.s32 s7, s2  }
0x1e: {  	s7 =	smul.u32 @!p0 $0xF7A, s2;
	p2 =	seq.s32 @!p0 s5, $0x0  }
0x1f: {  	s9 =	smul.u32 $0xF7A, s1;
	s8 =	simm.s32 @!p0 $0x1BF5;
	p2 =	por !p2, p0  }
0x20: {  	[sflag:s8] =	ssyncset.s32 @!p0 $0xFFFFF086;
	s6 =	sadd.s32 @!p0 s3, s7;
	s7 =	simm.s32 @!p0 $0x108  }
0x21: {  	s3 =	sadd.s32 s3, s9;
	s6 =	sadd.s32 @!p0 $0x88, s6;
	s7 =	simm.s32 @p2 $0x1082  }
0x22: {  	[simem:s7], [sflag:s8] =	dma.local @!p0 [hbm:s6], $0xF7A  }
0x23: {  	s9 =	sor.u32 $0xD0000000, s2;
	s6 =	simm.s32 $0x108;
	_ =	swait.ge @!p0 [sflag:s8], $0x0  }
0x24: {  	s3 =	sadd.s32 $0x88, s3;
	s6 =	simm.s32 @!p1 $0x1082;
	[sflag:s4] =	ssyncset.s32 $0xFFFFF086  }
0x25: {  	[simem:s6], [sflag:s4] =	dma.local [hbm:s3], $0xF7A  }
0x26: {  	[smem:$0x3F99] =	sst s1;
	(tag) =	ssettag s2;
	_ =	strace s9  }
0x27: {  	s1 =	sld [smem:$0x3FA9]  }
0x28: {  	s2 =	sld [smem:$0x3FAA]  }
0x29: {  	s4 =	sld [smem:$0x3FAC]  }
0x2a: {  	p0 =	seq.s32 s5, $0x0;
	s5 =	sld [smem:$0x3FAD]  }
0x2b: {  	s6 =	sld [smem:$0x3FAE]  }
0x2c: {  	s7 =	sld [smem:$0x3FAF]  }
0x2d: {  	s3 =	simm.s32 $0x108;
	s8 =	sld [smem:$0x3FB0]  }
0x2e: {  	s3 =	simm.s32 @!p0 $0x1082;
	s9 =	sld [smem:$0x3FB1]  }
0x2f: {  	lr =	sadd.s32 s0, s3;
	s0 =	sld [smem:$0x3FA8]  }
0x30: {  	s3 =	sld [smem:$0x3FAB]  }
0x31: {  	[smem:$0x3FB4] =	sst s10  }
0x32: {  	s10 =	sld [smem:$0x3FB2];
	_ =	sdelay $0x3  }
0x33: {  	p0 =	seq.s32 s10, $0x1;
	s10 =	sld [smem:$0x3FB4];
	_ =	sdelay $0x3  }
0x34: {  	[smem:$0x3FB4] =	sst s10  }
0x35: {  	s10 =	sld [smem:$0x3FB3];
	_ =	sdelay $0x3  }
0x36: {  	p1 =	seq.s32 s10, $0x1;
	s10 =	sld [smem:$0x3FB4];
	_ =	sdelay $0x3  }
0x37: {  	[smem:$0x3FB4] =	sst s10  }
0x38: {  	s10 =	sld [smem:$0x3FB5]  }
0x39: {  	_ = 	snop;
	(pc) =	sbr.ind lr, $3  }
0x3a: {  	_ = 	snop  }
0x3b: {  	_ = 	snop  }
0x3c: {  	p2 =	seq.s32 s10, $0x1;
	s10 =	sld [smem:$0x3FB4]  }
0x3d: {  	_ =	shalt  }
0x3e: {  	_ =	shalt  }
0x3f: {  	_ =	shalt  }
0x40: {  	_ =	shalt  }
0x41: {  	_ =	shalt  }
0x42: {  	_ =	shalt  }
0x43: {  	_ =	shalt  }
0x44: {  	_ =	shalt  }
0x45: {  	_ =	shalt  }
0x46: {  	_ =	shalt  }
0x47: {  	_ =	shalt  }
0x48: {  	_ =	shalt  }
0x49: {  	_ =	shalt  }
0x4a: {  	_ =	shalt  }
0x4b: {  	_ =	shalt  }
0x4c: {  	_ =	shalt  }
0x4d: {  	_ =	shalt  }
0x4e: {  	_ =	shalt  }
0x4f: {  	_ =	shalt  }
0x50: {  	_ =	shalt  }
0x51: {  	_ =	shalt  }
0x52: {  	_ =	shalt  }
0x53: {  	_ =	shalt  }
0x54: {  	_ =	shalt  }
0x55: {  	_ =	shalt  }
0x56: {  	_ =	shalt  }
0x57: {  	_ =	shalt  }
0x58: {  	_ =	shalt  }
0x59: {  	_ =	shalt  }
0x5a: {  	_ =	shalt  }
0x5b: {  	_ =	shalt  }
0x5c: {  	_ =	shalt  }
0x5d: {  	_ =	shalt  }
0x5e: {  	_ =	shalt  }
0x5f: {  	_ =	shalt  }
0x60: {  	_ =	shalt  }
0x61: {  	_ =	shalt  }
0x62: {  	_ =	shalt  }
0x63: {  	_ =	shalt  }
0x64: {  	_ =	shalt  }
0x65: {  	_ =	shalt  }
0x66: {  	_ =	shalt  }
0x67: {  	_ =	shalt  }
0x68: {  	_ =	shalt  }
0x69: {  	_ =	shalt  }
0x6a: {  	_ =	shalt  }
0x6b: {  	_ =	shalt  }
0x6c: {  	_ =	shalt  }
0x6d: {  	_ =	shalt  }
0x6e: {  	_ =	shalt  }
0x6f: {  	_ =	shalt  }
0x70: {  	_ =	shalt  }
0x71: {  	_ =	shalt  }
0x72: {  	_ =	shalt  }
0x73: {  	_ =	shalt  }
0x74: {  	_ =	shalt  }
0x75: {  	_ =	shalt  }
0x76: {  	_ =	shalt  }
0x77: {  	_ =	shalt  }
0x78: {  	_ =	shalt  }
0x79: {  	_ =	shalt  }
0x7a: {  	_ =	shalt  }
0x7b: {  	_ =	shalt  }
0x7c: {  	_ =	shalt  }
0x7d: {  	_ =	shalt  }
0x7e: {  	_ =	shalt  }
0x7f: {  	_ =	shalt  }
0x80: {  	_ =	shalt  }
0x81: {  	_ =	shalt  }
0x82: {  	_ =	shalt  }
0x83: {  	_ =	shalt  }
0x84: {  	_ =	shalt  }
0x85: {  	_ =	shalt  }
0x86: {  	_ =	shalt  }
0x87: {  	_ =	shalt  }
.Lfunc_end0:
.L_simem_size_0:
called_computation.1_lowered:
.L_overlay_start_0:
0x88: {  	s2 =	sld [smem:$0x3FD9]  }
0x89: {  	s3 =	sld [smem:$0x3FFE];
	_ =	sdelay $0x1  }
0x8a: {  	s1 =	srdreg.scid  }
0x8b: {  	s0 =	sand.u32 $0x1, s1  }
0x8c: {  	s16 =	sshll.u32 s0, $0xA;
	s2 =	sadd.s32 s3, s2  }
0x8d: {  	s2 =	sadd.s32 s2, s16  }
0x8e: {  	[smem:$0x3FC0] =	sst s2  }
0x8f: {  	_ = 	snop  }
0x90: {  	(tm) =	ssettm $0x1  }
0x91: {  	s17 =	sld [smem:$0x3FFB];
	_ =	sdelay $0x3  }
0x92: {  	_ =	strace s17  }
0x93: {  	s2 =	sld [smem:$0x3FFC];
	_ =	sdelay $0x3  }
0x94: {  	_ =	strace s2  }
0x95: {  	s2 =	sld [smem:$0x3FFD];
	_ =	sdelay $0x3  }
0x96: {  	_ =	strace s2  }
0x97: {  	_ =	strace $0x8FFFFFFF  }
0x98: {  	s18 =	sld [smem:$0x3FDB];
	_ =	sdelay $0x1  }
0x99: {  	s19 =	simm.s32 $_scs_section_size  }
0x9a: {  	s4 =	simm.s32 $_size__tile_overlayer_lowered;
	s5 =	simm.s32 $_tile_overlayer_lowered  }
0x9b: {  	s22 =	simm.s32 $0x1BFF;
	s21 =	sshll.u32 s5, $0x1;
	s2 =	sadd.s32 s19, s18  }
0x9c: {  	s6 =	simm.s32 $0x0;
	s20 =	sshll.u32 s4, $0x1;
	s4 =	sadd.s32 s21, s2  }
0x9d: {  	[timem:s6], [sflag:s22] =	dma.local [hbm:s4], s20  }
0x9e: {  	_ =	swait.ge [sflag:s22], s20  }
0x9f: {  	s3 =	ssub.s32 $0x0, s20;
	[sflag:s22] =	ssyncset.done $0x0  }
0xa0: {  	[sflag:s22] =	ssyncadd.s32 s3;
	_ =	sdelay $0x1  }
0xa1: {  	s23 =	simm.s32 $0x1B8B  }
0xa2: {  	_ =	swait.ge [sflag:s23], $0x1  }
0xa3: {  	[sflag:s23] =	ssyncset.done $0x0  }
0xa4: {  	s25 =	simm.s32 $0x1B8E;
	s24 =	sld [smem:$0x3FFE];
	[sflag:s23] =	ssyncadd.s32 $0xFFFFFFFF  }
0xa5: {  	s26 =	simm.s32 $execute0_lowered;
	[smem:$0x3FD2] =	sst s25  }
0xa6: {  	s4 =	sshll.u32 s26, $0x1;
	_ =	strace $0x80000049;
	[dreg:$0x1] =	wrdreg $0xFFFFFFFF  }
0xa7: {  	s28 =	simm.s32 $_size_execute0_lowered;
	s2 =	sadd.s32 s2, s4;
	[dreg:$0x0] =	wrdreg $0x0  }
0xa8: {  	s4 =	sshll.u32 s28, $0x1;
	[dreg:$0x2] =	wrdreg s2  }
0xa9: {  	[dreg:$0x3] =	wrdreg s4  }
0xaa: {  	[dreg:$0x4] =	wrdreg $0xC0  }
0xab: {  	_ =	task [dreg:s6], $0x5FFFF  }
0xac: {  	[dreg:$0x1] =	wrdreg $0xFFFFFFFF  }
0xad: {  	[dreg:$0x0] =	wrdreg $0x60  }
0xae: {  	[dreg:$0x2] =	wrdreg s24  }
0xaf: {  	[dreg:$0x3] =	wrdreg $0x90000  }
0xb0: {  	[dreg:$0x4] =	wrdreg $0x9  }
0xb1: {  	_ =	task.clear_ibuf [dreg:s6], $0x5FFFF;
	_ =	strace $0x90000049  }
0xb2: {  	s29 =	simm.s32 $0x9;
	_ =	strace $0x8000004B  }
0xb3: {  	_ =	swait.ge [sflag:s29], $0x1  }
0xb4: {  	[sflag:s29] =	ssyncadd.s32 $0xFFFFFFFF  }
0xb5: {  	_ =	strace $0x9000004B  }
0xb6: {  	_ =	sfence  }
0xb7: {  	s30 =	sld [smem:$0x0];
	_ =	sdelay $0x2  }
0xb8: {  	s31 =	sshll.u32 s1, $0xD;
	s1 =	sshrl.u32 s1, $0x2  }
0xb9: {  	s3 =	sand.u32 $0x4000, s31;
	s1 =	sadd.s32 s1, s30  }
0xba: {  	s0 =	sor.u32 s3, s0;
	s1 =	sshll.u32 s1, $0x11  }
0xbb: {  	s0 =	sor.u32 s1, s0  }
0xbc: {  	s0 =	sadd.s32 $0x8F2B, s0  }
0xbd: {  	[sflag:s0] =	ssyncadd.remote.s32 $0x1  }
0xbe: {  	_ =	sfence.sel $0xFFFF  }
0xbf: {  	[dreg:$0x0] =	wrdreg $0xFFFFFFFF;
	(pc) =	sbr.abs _section_cstart, $3  }
0xc0: {  	[dreg:$0x1] =	wrdreg $0xFFFFFFFF  }
0xc1: {  	_ =	task.clear_ibuf [dreg:s6], $0x2FFFF;
	_ =	strace $0x9FFFFFFF  }
0xc2: {  	(tm) =	ssettm $0x7FFFFFFF  }
0xc3: {  	_ =	shalt  }
tec
execute0_lowered:
.L_overlay_start_1:
0x0: {  	(tag) =	ssettag $0x1  }
0x1: {  	s0 =	rddreg [dreg:$0x0]  }
0x2: {  	s1 =	srdreg.scid;
	s2 =	rddreg [dreg:$0x1]  }
0x3: {  	s11 =	stileid.u32;
	s3 =	simm.s32 $0x0;
	s13 =	simm.s32 $0x100  }
0x4: {  	s15 =	simm.s32 $0x880;
	s17 =	simm.s32 $0x180;
	s18 =	simm.s32 $0x900  }
0x5: {  	s19 =	simm.s32 $0x200;
	s20 =	simm.s32 $0x980;
	[smem:$0x7FF] =	sst s3  }
0x6: {  	s21 =	simm.s32 $0x280;
	_ =	strace $0x8000004A;
	[dreg:$0x5] =	wrdreg s13  }
0x7: {  	s22 =	simm.s32 $0xA00;
	s23 =	simm.s32 $0x300;
	[dreg:$0x6] =	wrdreg s15  }
0x8: {  	s24 =	simm.s32 $0xA80;
	s25 =	simm.s32 $0x380;
	[dreg:$0x7] =	wrdreg s17  }
0x9: {  	s28 =	simm.s32 $0x680;
	s29 =	simm.s32 $0xE00;
	[dreg:$0x8] =	wrdreg s18  }
0xa: {  	s30 =	simm.s32 $0x700;
	s5 =	smul.u32 $0x2800, s11;
	[dreg:$0x9] =	wrdreg s19  }
0xb: {  	s31 =	simm.s32 $0xE80;
	s6 =	smul.u32 $0x500, s11;
	[dreg:$0xa] =	wrdreg s20  }
0xc: {  	s1 =	sand.u32 $0x1, s1;
	s7 =	smul.u32 $0x13C00, s11;
	[dreg:$0xb] =	wrdreg s21  }
0xd: {  	s10 =	smul.u32 $0x4F000, s11;
	s16 =	sshll.u32 s11, $0x6;
	[dreg:$0xc] =	wrdreg s22  }
0xe: {  	s11 =	simm.s32 $0x800;
	s4 =	smul.u32 $0x28000, s1;
	[dreg:$0xd] =	wrdreg s23  }
0xf: {  	s8 =	smul.u32 $0x13C000, s1;
	s1 =	ssub.s32 $0x2, s1;
	[dreg:$0xe] =	wrdreg s24  }
0x10: {  	s13 =	simm.s32 $0x1000;
	[dreg:$0xf] =	wrdreg s25;
	s15 =	simm.s32 $0x1  }
0x11: {  	s17 =	simm.s32 $0x400;
	s18 =	simm.s32 $0xB80;
	s19 =	simm.s32 $0x480  }
0x12: {  	s20 =	simm.s32 $0xC00;
	s21 =	simm.s32 $0x500;
	s22 =	simm.s32 $0xC80  }
0x13: {  	s23 =	simm.s32 $0x580;
	s24 =	simm.s32 $0xD00;
	s25 =	simm.s32 $0x600  }
0x14: {  	s6 =	sadd.s32 s6, s0;
	s9 =	sshrl.u32 s7, $0x3;
	s26 =	sshrl.u32 s1, $0x1  }
0x15: {  	s5 =	sadd.s32 s4, s5;
	s4 =	sadd.s32 $0x88000, s0;
	s9 =	sadd.s32 s9, s0  }
0x16: {  	s7 =	sadd.s32 s7, s8;
	s1 =	ssub.s32 s1, s26;
	s8 =	sshrl.u32 s10, $0x2  }
0x17: {  	s10 =	sadd.s32 $0x2000, s6;
	s26 =	simm.s32 $0xB00;
	s5 =	sshrl.u32 s5, $0x3  }
0x18: {  	s7 =	sshrl.u32 s7, $0x3;
	s12 =	sadd.s32 s8, s2;
	[dreg:$0x4] =	wrdreg s10  }
0x19: {  	s14 =	sadd.s32 $0x7000, s9;
	s1 =	smax.u32 s1, $0x1;
	s10 =	simm.s32 $0x3  }
0x1a: {  	[dreg:$0x10] =	wrdreg s26;
	s26 =	simm.s32 $0xD80;
	s9 =	simm.s32 $0x0  }
0x1b: {  	s5 =	sadd.s32 s5, s0;
	s0 =	sadd.s32 s7, s0;
	[dreg:$0x11] =	wrdreg s14  }
0x1c: {  	s7 =	sor.u32 $0x1C03, s16;
	[dreg:$0x14] =	wrdreg s1;
	s8 =	sshrl.u32 s12, $0x3  }
0x1d: {  	s12 =	simm.s32 $0x80;
	s14 =	simm.s32 $0x5000;
	[dreg:$0x12] =	wrdreg s7  }
0x1e: {  	s16 =	simm.s32 $0x2;
	s5 =	sadd.s32 $0x7E000, s5;
	[dreg:$0x15] =	wrdreg s8  }
0x1f: {  	s1 =	simm.s32 $0xF00;
	s0 =	sadd.s32 $0xD6200, s0;
	[dreg:$0x3] =	wrdreg s5  }
0x20: {  	[dreg:$0x13] =	wrdreg s0;
	s0 =	simm.s32 $0x780;
	s5 =	simm.s32 $0xF80  }
.LBB2_1:
0x21: {  	[dreg:$0x16] =	wrdreg s9  }
0x22: {  	s6 =	rddreg [dreg:$0x11]  }
0x23: {  	[spmem:s8], [sflag:s7] =	dma.local [hbm:s6], $0x2780  }
0x24: {  	_ =	swait.ge [sflag:s10], $0x2780  }
0x25: {  	[sflag:s10] =	ssyncset.done $0x0  }
0x26: {  	[sflag:s10] =	ssyncadd.s32 $0xFFFFD880  }
0x27: {  	[bflag:$0x0] =	sbarrier.arrive $0xFFFF  }
0x28: {  	s8 =	rddreg [dreg:$0x3]  }
0x29: {  	s6 =	sadd.s32 $0x0, s8  }
0x2a: {  	[tilespmem:s3], [sflag:$0x3] =	stream.linear.gather [hbm4b:s6+s3], $0x800, $0x38;
	[tilespmem:$0x1CC00] =	vst v63  }
0x2b: {  	_ =	swait.ge [sflag:s10], $0x800  }
0x2c: {  	s9 =	rddreg [dreg:$0x4];
	[sflag:s10] =	ssyncset.done $0x0  }
0x2d: {  	[sflag:s10] =	ssyncadd.s32 $0xFFFFF800;
	s6 =	sadd.s32 $0x0, s9  }
0x2e: {  	[tilespmem:s11], [sflag:$0x3] =	stream.linear.gather [hbm4b:s6+s3], $0x800, $0x38;
	[tilespmem:$0x1CC00] =	vst v63  }
0x2f: {  	_ =	swait.ge [sflag:s10], $0x800  }
0x30: {  	[sflag:s10] =	ssyncset.done $0x0  }
0x31: {  	[sflag:s10] =	ssyncadd.s32 $0xFFFFF800  }
0x32: {  	[tilespmem:s13], [sflag:$0x1] =	stream.indirect.gather [hbm4b:s4+s12], $0x80, s3, s12, $0xb8;
	[tilespmem:$0x1CC00] =	vst v63  }
0x33: {  	_ = 	snop  }
0x34: {  	[tilespmem:s14], [sflag:$0x2] =	stream.indirect.gather [hbm4b:s4+s12], $0x80, s12, s12, $0xb8;
	[tilespmem:$0x1CC00] =	vst v63  }
0x35: {  	_ =	swait.ge [sflag:s15], $0x4000  }
0x36: {  	[sflag:s15] =	ssyncset.done $0x0  }
0x37: {  	[sflag:s15] =	ssyncadd.s32 $0xFFFFC000  }
0x38: {  	[spmem:s2] =	stream.indirect.scatter.add.f32 [tilespmem:s13], [sflag:$0x3], $0x80, s11, s12, $0xb8;
	[tilespmem:$0x1CC00] =	vst v63  }
0x39: {  	_ =	swait.ge [sflag:s10], $0x4000  }
0x3a: {  	[sflag:s10] =	ssyncset.done $0x0  }
0x3b: {  	s7 =	rddreg [dreg:$0x5];
	[sflag:s10] =	ssyncadd.s32 $0xFFFFC000  }
0x3c: {  	[tilespmem:s13], [sflag:$0x1] =	stream.indirect.gather [hbm4b:s4+s12], $0x80, s7, s12, $0xb8;
	[tilespmem:$0x1CC00] =	vst v63  }
0x3d: {  	_ =	swait.ge [sflag:s16], $0x4000  }
0x3e: {  	[sflag:s16] =	ssyncset.done $0x0  }
0x3f: {  	s8 =	rddreg [dreg:$0x6];
	[sflag:s16] =	ssyncadd.s32 $0xFFFFC000  }
0x40: {  	[spmem:s2] =	stream.indirect.scatter.add.f32 [tilespmem:s14], [sflag:$0x3], $0x80, s8, s12, $0xb8;
	[tilespmem:$0x1CC00] =	vst v63  }
0x41: {  	_ =	swait.ge [sflag:s10], $0x4000  }
0x42: {  	[sflag:s10] =	ssyncset.done $0x0  }
0x43: {  	s9 =	rddreg [dreg:$0x7];
	[sflag:s10] =	ssyncadd.s32 $0xFFFFC000  }
0x44: {  	[tilespmem:s14], [sflag:$0x2] =	stream.indirect.gather [hbm4b:s4+s12], $0x80, s9, s12, $0xb8;
	[tilespmem:$0x1CC00] =	vst v63  }
0x45: {  	_ =	swait.ge [sflag:s15], $0x4000  }
0x46: {  	[sflag:s15] =	ssyncset.done $0x0  }
0x47: {  	s7 =	rddreg [dreg:$0x8];
	[sflag:s15] =	ssyncadd.s32 $0xFFFFC000  }
0x48: {  	[spmem:s2] =	stream.indirect.scatter.add.f32 [tilespmem:s13], [sflag:$0x3], $0x80, s7, s12, $0xb8;
	[tilespmem:$0x1CC00] =	vst v63  }
0x49: {  	_ =	swait.ge [sflag:s10], $0x4000  }
0x4a: {  	[sflag:s10] =	ssyncset.done $0x0  }
0x4b: {  	s8 =	rddreg [dreg:$0x9];
	[sflag:s10] =	ssyncadd.s32 $0xFFFFC000  }
0x4c: {  	[tilespmem:s13], [sflag:$0x1] =	stream.indirect.gather [hbm4b:s4+s12], $0x80, s8, s12, $0xb8;
	[tilespmem:$0x1CC00] =	vst v63  }
0x4d: {  	_ =	swait.ge [sflag:s16], $0x4000  }
0x4e: {  	[sflag:s16] =	ssyncset.done $0x0  }
0x4f: {  	s9 =	rddreg [dreg:$0xa];
	[sflag:s16] =	ssyncadd.s32 $0xFFFFC000  }
0x50: {  	[spmem:s2] =	stream.indirect.scatter.add.f32 [tilespmem:s14], [sflag:$0x3], $0x80, s9, s12, $0xb8;
	[tilespmem:$0x1CC00] =	vst v63  }
0x51: {  	_ =	swait.ge [sflag:s10], $0x4000  }
0x52: {  	[sflag:s10] =	ssyncset.done $0x0  }
0x53: {  	s7 =	rddreg [dreg:$0xb];
	[sflag:s10] =	ssyncadd.s32 $0xFFFFC000  }
0x54: {  	[tilespmem:s14], [sflag:$0x2] =	stream.indirect.gather [hbm4b:s4+s12], $0x80, s7, s12, $0xb8;
	[tilespmem:$0x1CC00] =	vst v63  }
0x55: {  	_ =	swait.ge [sflag:s15], $0x4000  }
0x56: {  	[sflag:s15] =	ssyncset.done $0x0  }
0x57: {  	s8 =	rddreg [dreg:$0xc];
	[sflag:s15] =	ssyncadd.s32 $0xFFFFC000  }
0x58: {  	[spmem:s2] =	stream.indirect.scatter.add.f32 [tilespmem:s13], [sflag:$0x3], $0x80, s8, s12, $0xb8;
	[tilespmem:$0x1CC00] =	vst v63  }
0x59: {  	_ =	swait.ge [sflag:s10], $0x4000  }
0x5a: {  	[sflag:s10] =	ssyncset.done $0x0  }
0x5b: {  	s9 =	rddreg [dreg:$0xd];
	[sflag:s10] =	ssyncadd.s32 $0xFFFFC000  }
0x5c: {  	[tilespmem:s13], [sflag:$0x1] =	stream.indirect.gather [hbm4b:s4+s12], $0x80, s9, s12, $0xb8;
	[tilespmem:$0x1CC00] =	vst v63  }
0x5d: {  	_ =	swait.ge [sflag:s16], $0x4000  }
0x5e: {  	[sflag:s16] =	ssyncset.done $0x0  }
0x5f: {  	s7 =	rddreg [dreg:$0xe];
	[sflag:s16] =	ssyncadd.s32 $0xFFFFC000  }
0x60: {  	[spmem:s2] =	stream.indirect.scatter.add.f32 [tilespmem:s14], [sflag:$0x3], $0x80, s7, s12, $0xb8;
	[tilespmem:$0x1CC00] =	vst v63  }
0x61: {  	_ =	swait.ge [sflag:s10], $0x4000  }
0x62: {  	[sflag:s10] =	ssyncset.done $0x0  }
0x63: {  	s8 =	rddreg [dreg:$0xf];
	[sflag:s10] =	ssyncadd.s32 $0xFFFFC000  }
0x64: {  	[tilespmem:s14], [sflag:$0x2] =	stream.indirect.gather [hbm4b:s4+s12], $0x80, s8, s12, $0xb8;
	[tilespmem:$0x1CC00] =	vst v63  }
0x65: {  	_ =	swait.ge [sflag:s15], $0x4000  }
0x66: {  	[sflag:s15] =	ssyncset.done $0x0  }
0x67: {  	s9 =	rddreg [dreg:$0x10];
	[sflag:s15] =	ssyncadd.s32 $0xFFFFC000  }
0x68: {  	[spmem:s2] =	stream.indirect.scatter.add.f32 [tilespmem:s13], [sflag:$0x3], $0x80, s9, s12, $0xb8;
	[tilespmem:$0x1CC00] =	vst v63  }
0x69: {  	_ =	swait.ge [sflag:s10], $0x4000  }
0x6a: {  	[sflag:s10] =	ssyncset.done $0x0  }
0x6b: {  	[sflag:s10] =	ssyncadd.s32 $0xFFFFC000  }
0x6c: {  	[tilespmem:s13], [sflag:$0x1] =	stream.indirect.gather [hbm4b:s4+s12], $0x80, s17, s12, $0xb8;
	[tilespmem:$0x1CC00] =	vst v63  }
0x6d: {  	_ =	swait.ge [sflag:s16], $0x4000  }
0x6e: {  	[sflag:s16] =	ssyncset.done $0x0  }
0x6f: {  	[sflag:s16] =	ssyncadd.s32 $0xFFFFC000  }
0x70: {  	[spmem:s2] =	stream.indirect.scatter.add.f32 [tilespmem:s14], [sflag:$0x3], $0x80, s18, s12, $0xb8;
	[tilespmem:$0x1CC00] =	vst v63  }
0x71: {  	_ =	swait.ge [sflag:s10], $0x4000  }
0x72: {  	[sflag:s10] =	ssyncset.done $0x0  }
0x73: {  	[sflag:s10] =	ssyncadd.s32 $0xFFFFC000  }
0x74: {  	[tilespmem:s14], [sflag:$0x2] =	stream.indirect.gather [hbm4b:s4+s12], $0x80, s19, s12, $0xb8;
	[tilespmem:$0x1CC00] =	vst v63  }
0x75: {  	_ =	swait.ge [sflag:s15], $0x4000  }
0x76: {  	[sflag:s15] =	ssyncset.done $0x0  }
0x77: {  	[sflag:s15] =	ssyncadd.s32 $0xFFFFC000  }
0x78: {  	[spmem:s2] =	stream.indirect.scatter.add.f32 [tilespmem:s13], [sflag:$0x3], $0x80, s20, s12, $0xb8;
	[tilespmem:$0x1CC00] =	vst v63  }
0x79: {  	_ =	swait.ge [sflag:s10], $0x4000  }
0x7a: {  	[sflag:s10] =	ssyncset.done $0x0  }
0x7b: {  	[sflag:s10] =	ssyncadd.s32 $0xFFFFC000  }
0x7c: {  	[tilespmem:s13], [sflag:$0x1] =	stream.indirect.gather [hbm4b:s4+s12], $0x80, s21, s12, $0xb8;
	[tilespmem:$0x1CC00] =	vst v63  }
0x7d: {  	_ =	swait.ge [sflag:s16], $0x4000  }
0x7e: {  	[sflag:s16] =	ssyncset.done $0x0  }
0x7f: {  	[sflag:s16] =	ssyncadd.s32 $0xFFFFC000  }
0x80: {  	[spmem:s2] =	stream.indirect.scatter.add.f32 [tilespmem:s14], [sflag:$0x3], $0x80, s22, s12, $0xb8;
	[tilespmem:$0x1CC00] =	vst v63  }
0x81: {  	_ =	swait.ge [sflag:s10], $0x4000  }
0x82: {  	[sflag:s10] =	ssyncset.done $0x0  }
0x83: {  	[sflag:s10] =	ssyncadd.s32 $0xFFFFC000  }
0x84: {  	[tilespmem:s14], [sflag:$0x2] =	stream.indirect.gather [hbm4b:s4+s12], $0x80, s23, s12, $0xb8;
	[tilespmem:$0x1CC00] =	vst v63  }
0x85: {  	_ =	swait.ge [sflag:s15], $0x4000  }
0x86: {  	[sflag:s15] =	ssyncset.done $0x0  }
0x87: {  	[sflag:s15] =	ssyncadd.s32 $0xFFFFC000  }
0x88: {  	[spmem:s2] =	stream.indirect.scatter.add.f32 [tilespmem:s13], [sflag:$0x3], $0x80, s24, s12, $0xb8;
	[tilespmem:$0x1CC00] =	vst v63  }
0x89: {  	_ =	swait.ge [sflag:s10], $0x4000  }
0x8a: {  	[sflag:s10] =	ssyncset.done $0x0  }
0x8b: {  	[sflag:s10] =	ssyncadd.s32 $0xFFFFC000  }
0x8c: {  	[tilespmem:s13], [sflag:$0x1] =	stream.indirect.gather [hbm4b:s4+s12], $0x80, s25, s12, $0xb8;
	[tilespmem:$0x1CC00] =	vst v63  }
0x8d: {  	_ =	swait.ge [sflag:s16], $0x4000  }
0x8e: {  	[sflag:s16] =	ssyncset.done $0x0  }
0x8f: {  	[sflag:s16] =	ssyncadd.s32 $0xFFFFC000  }
0x90: {  	[spmem:s2] =	stream.indirect.scatter.add.f32 [tilespmem:s14], [sflag:$0x3], $0x80, s26, s12, $0xb8;
	[tilespmem:$0x1CC00] =	vst v63  }
0x91: {  	_ =	swait.ge [sflag:s10], $0x4000  }
0x92: {  	[sflag:s10] =	ssyncset.done $0x0  }
0x93: {  	[sflag:s10] =	ssyncadd.s32 $0xFFFFC000  }
0x94: {  	[tilespmem:s14], [sflag:$0x2] =	stream.indirect.gather [hbm4b:s4+s12], $0x80, s28, s12, $0xb8;
	[tilespmem:$0x1CC00] =	vst v63  }
0x95: {  	_ =	swait.ge [sflag:s15], $0x4000  }
0x96: {  	[sflag:s15] =	ssyncset.done $0x0  }
0x97: {  	[sflag:s15] =	ssyncadd.s32 $0xFFFFC000  }
0x98: {  	[spmem:s2] =	stream.indirect.scatter.add.f32 [tilespmem:s13], [sflag:$0x3], $0x80, s29, s12, $0xb8;
	[tilespmem:$0x1CC00] =	vst v63  }
0x99: {  	_ =	swait.ge [sflag:s10], $0x4000  }
0x9a: {  	[sflag:s10] =	ssyncset.done $0x0  }
0x9b: {  	[sflag:s10] =	ssyncadd.s32 $0xFFFFC000  }
0x9c: {  	[tilespmem:s13], [sflag:$0x1] =	stream.indirect.gather [hbm4b:s4+s12], $0x80, s30, s12, $0xb8;
	[tilespmem:$0x1CC00] =	vst v63  }
0x9d: {  	_ =	swait.ge [sflag:s16], $0x4000  }
0x9e: {  	[sflag:s16] =	ssyncset.done $0x0  }
0x9f: {  	[sflag:s16] =	ssyncadd.s32 $0xFFFFC000  }
0xa0: {  	[spmem:s2] =	stream.indirect.scatter.add.f32 [tilespmem:s14], [sflag:$0x3], $0x80, s31, s12, $0xb8;
	[tilespmem:$0x1CC00] =	vst v63  }
0xa1: {  	_ =	swait.ge [sflag:s10], $0x4000  }
0xa2: {  	[sflag:s10] =	ssyncset.done $0x0  }
0xa3: {  	[sflag:s10] =	ssyncadd.s32 $0xFFFFC000  }
0xa4: {  	[tilespmem:s14], [sflag:$0x2] =	stream.indirect.gather [hbm4b:s4+s12], $0x80, s0, s12, $0xb8;
	[tilespmem:$0x1CC00] =	vst v63  }
0xa5: {  	_ =	swait.ge [sflag:s15], $0x4000  }
0xa6: {  	[sflag:s15] =	ssyncset.done $0x0  }
0xa7: {  	[sflag:s15] =	ssyncadd.s32 $0xFFFFC000  }
0xa8: {  	[spmem:s2] =	stream.indirect.scatter.add.f32 [tilespmem:s13], [sflag:$0x3], $0x80, s1, s12, $0xb8;
	[tilespmem:$0x1CC00] =	vst v63  }
0xa9: {  	_ =	swait.ge [sflag:s10], $0x4000  }
0xaa: {  	[sflag:s10] =	ssyncset.done $0x0  }
0xab: {  	[sflag:s10] =	ssyncadd.s32 $0xFFFFC000  }
0xac: {  	_ =	swait.ge [sflag:s16], $0x4000  }
0xad: {  	[sflag:s16] =	ssyncset.done $0x0  }
0xae: {  	[sflag:s16] =	ssyncadd.s32 $0xFFFFC000  }
0xaf: {  	[spmem:s2] =	stream.indirect.scatter.add.f32 [tilespmem:s14], [sflag:$0x3], $0x80, s5, s12, $0xb8;
	[tilespmem:$0x1CC00] =	vst v63  }
0xb0: {  	s6 =	simm.s32 $0x200;
	_ =	swait.ge [sflag:s10], $0x4000  }
0xb1: {  	s8 =	simm.s32 $0x100;
	s9 =	rddreg [dreg:$0x3];
	[sflag:s10] =	ssyncset.done $0x0  }
.LBB2_2:
0xb2: {  	[sflag:s10] =	ssyncadd.s32 $0xFFFFC000;
	s9 =	sadd.s32 s8, s9  }
0xb3: {  	[tilespmem:s3], [sflag:$0x3] =	stream.linear.gather [hbm4b:s9+s3], $0x800, $0x38;
	[tilespmem:$0x1CC00] =	vst v63  }
0xb4: {  	_ =	swait.ge [sflag:s10], $0x800  }
0xb5: {  	s9 =	rddreg [dreg:$0x4];
	[sflag:s10] =	ssyncset.done $0x0  }
0xb6: {  	[sflag:s10] =	ssyncadd.s32 $0xFFFFF800;
	s9 =	sadd.s32 s8, s9  }
0xb7: {  	[tilespmem:s11], [sflag:$0x3] =	stream.linear.gather [hbm4b:s9+s3], $0x800, $0x38;
	[tilespmem:$0x1CC00] =	vst v63  }
0xb8: {  	_ =	swait.ge [sflag:s10], $0x800  }
0xb9: {  	[sflag:s10] =	ssyncset.done $0x0  }
0xba: {  	[sflag:s10] =	ssyncadd.s32 $0xFFFFF800  }
0xbb: {  	[tilespmem:s13], [sflag:$0x1] =	stream.indirect.gather [hbm4b:s4+s12], $0x80, s3, s12, $0xb8;
	[tilespmem:$0x1CC00] =	vst v63  }
0xbc: {  	_ = 	snop  }
0xbd: {  	[tilespmem:s14], [sflag:$0x2] =	stream.indirect.gather [hbm4b:s4+s12], $0x80, s12, s12, $0xb8;
	[tilespmem:$0x1CC00] =	vst v63  }
0xbe: {  	_ =	swait.ge [sflag:s15], $0x4000  }
0xbf: {  	[sflag:s15] =	ssyncset.done $0x0  }
0xc0: {  	[sflag:s15] =	ssyncadd.s32 $0xFFFFC000  }
0xc1: {  	[spmem:s2] =	stream.indirect.scatter.add.f32 [tilespmem:s13], [sflag:$0x3], $0x80, s11, s12, $0xb8;
	[tilespmem:$0x1CC00] =	vst v63  }
0xc2: {  	_ =	swait.ge [sflag:s10], $0x4000  }
0xc3: {  	[sflag:s10] =	ssyncset.done $0x0  }
0xc4: {  	s9 =	rddreg [dreg:$0x5];
	[sflag:s10] =	ssyncadd.s32 $0xFFFFC000  }
0xc5: {  	[tilespmem:s13], [sflag:$0x1] =	stream.indirect.gather [hbm4b:s4+s12], $0x80, s9, s12, $0xb8;
	[tilespmem:$0x1CC00] =	vst v63  }
0xc6: {  	_ =	swait.ge [sflag:s16], $0x4000  }
0xc7: {  	[sflag:s16] =	ssyncset.done $0x0  }
0xc8: {  	s9 =	rddreg [dreg:$0x6];
	[sflag:s16] =	ssyncadd.s32 $0xFFFFC000  }
0xc9: {  	[spmem:s2] =	stream.indirect.scatter.add.f32 [tilespmem:s14], [sflag:$0x3], $0x80, s9, s12, $0xb8;
	[tilespmem:$0x1CC00] =	vst v63  }
0xca: {  	_ =	swait.ge [sflag:s10], $0x4000  }
0xcb: {  	[sflag:s10] =	ssyncset.done $0x0  }
0xcc: {  	s9 =	rddreg [dreg:$0x7];
	[sflag:s10] =	ssyncadd.s32 $0xFFFFC000  }
0xcd: {  	[tilespmem:s14], [sflag:$0x2] =	stream.indirect.gather [hbm4b:s4+s12], $0x80, s9, s12, $0xb8;
	[tilespmem:$0x1CC00] =	vst v63  }
0xce: {  	_ =	swait.ge [sflag:s15], $0x4000  }
0xcf: {  	[sflag:s15] =	ssyncset.done $0x0  }
0xd0: {  	s9 =	rddreg [dreg:$0x8];
	[sflag:s15] =	ssyncadd.s32 $0xFFFFC000  }
0xd1: {  	[spmem:s2] =	stream.indirect.scatter.add.f32 [tilespmem:s13], [sflag:$0x3], $0x80, s9, s12, $0xb8;
	[tilespmem:$0x1CC00] =	vst v63  }
0xd2: {  	_ =	swait.ge [sflag:s10], $0x4000  }
0xd3: {  	[sflag:s10] =	ssyncset.done $0x0  }
0xd4: {  	s9 =	rddreg [dreg:$0x9];
	[sflag:s10] =	ssyncadd.s32 $0xFFFFC000  }
0xd5: {  	[tilespmem:s13], [sflag:$0x1] =	stream.indirect.gather [hbm4b:s4+s12], $0x80, s9, s12, $0xb8;
	[tilespmem:$0x1CC00] =	vst v63  }
0xd6: {  	_ =	swait.ge [sflag:s16], $0x4000  }
0xd7: {  	[sflag:s16] =	ssyncset.done $0x0  }
0xd8: {  	s9 =	rddreg [dreg:$0xa];
	[sflag:s16] =	ssyncadd.s32 $0xFFFFC000  }
0xd9: {  	[spmem:s2] =	stream.indirect.scatter.add.f32 [tilespmem:s14], [sflag:$0x3], $0x80, s9, s12, $0xb8;
	[tilespmem:$0x1CC00] =	vst v63  }
0xda: {  	_ =	swait.ge [sflag:s10], $0x4000  }
0xdb: {  	[sflag:s10] =	ssyncset.done $0x0  }
0xdc: {  	s9 =	rddreg [dreg:$0xb];
	[sflag:s10] =	ssyncadd.s32 $0xFFFFC000  }
0xdd: {  	[tilespmem:s14], [sflag:$0x2] =	stream.indirect.gather [hbm4b:s4+s12], $0x80, s9, s12, $0xb8;
	[tilespmem:$0x1CC00] =	vst v63  }
0xde: {  	_ =	swait.ge [sflag:s15], $0x4000  }
0xdf: {  	[sflag:s15] =	ssyncset.done $0x0  }
0xe0: {  	s9 =	rddreg [dreg:$0xc];
	[sflag:s15] =	ssyncadd.s32 $0xFFFFC000  }
0xe1: {  	[spmem:s2] =	stream.indirect.scatter.add.f32 [tilespmem:s13], [sflag:$0x3], $0x80, s9, s12, $0xb8;
	[tilespmem:$0x1CC00] =	vst v63  }
0xe2: {  	_ =	swait.ge [sflag:s10], $0x4000  }
0xe3: {  	[sflag:s10] =	ssyncset.done $0x0  }
0xe4: {  	s9 =	rddreg [dreg:$0xd];
	[sflag:s10] =	ssyncadd.s32 $0xFFFFC000  }
0xe5: {  	[tilespmem:s13], [sflag:$0x1] =	stream.indirect.gather [hbm4b:s4+s12], $0x80, s9, s12, $0xb8;
	[tilespmem:$0x1CC00] =	vst v63  }
0xe6: {  	_ =	swait.ge [sflag:s16], $0x4000  }
0xe7: {  	[sflag:s16] =	ssyncset.done $0x0  }
0xe8: {  	s9 =	rddreg [dreg:$0xe];
	[sflag:s16] =	ssyncadd.s32 $0xFFFFC000  }
0xe9: {  	[spmem:s2] =	stream.indirect.scatter.add.f32 [tilespmem:s14], [sflag:$0x3], $0x80, s9, s12, $0xb8;
	[tilespmem:$0x1CC00] =	vst v63  }
0xea: {  	_ =	swait.ge [sflag:s10], $0x4000  }
0xeb: {  	[sflag:s10] =	ssyncset.done $0x0  }
0xec: {  	s9 =	rddreg [dreg:$0xf];
	[sflag:s10] =	ssyncadd.s32 $0xFFFFC000  }
0xed: {  	[tilespmem:s14], [sflag:$0x2] =	stream.indirect.gather [hbm4b:s4+s12], $0x80, s9, s12, $0xb8;
	[tilespmem:$0x1CC00] =	vst v63  }
0xee: {  	_ =	swait.ge [sflag:s15], $0x4000  }
0xef: {  	[sflag:s15] =	ssyncset.done $0x0  }
0xf0: {  	s9 =	rddreg [dreg:$0x10];
	[sflag:s15] =	ssyncadd.s32 $0xFFFFC000  }
0xf1: {  	[spmem:s2] =	stream.indirect.scatter.add.f32 [tilespmem:s13], [sflag:$0x3], $0x80, s9, s12, $0xb8;
	[tilespmem:$0x1CC00] =	vst v63  }
0xf2: {  	_ =	swait.ge [sflag:s10], $0x4000  }
0xf3: {  	[sflag:s10] =	ssyncset.done $0x0  }
0xf4: {  	[sflag:s10] =	ssyncadd.s32 $0xFFFFC000  }
0xf5: {  	[tilespmem:s13], [sflag:$0x1] =	stream.indirect.gather [hbm4b:s4+s12], $0x80, s17, s12, $0xb8;
	[tilespmem:$0x1CC00] =	vst v63  }
0xf6: {  	_ =	swait.ge [sflag:s16], $0x4000  }
0xf7: {  	[sflag:s16] =	ssyncset.done $0x0  }
0xf8: {  	[sflag:s16] =	ssyncadd.s32 $0xFFFFC000  }
0xf9: {  	[spmem:s2] =	stream.indirect.scatter.add.f32 [tilespmem:s14], [sflag:$0x3], $0x80, s18, s12, $0xb8;
	[tilespmem:$0x1CC00] =	vst v63  }
0xfa: {  	_ =	swait.ge [sflag:s10], $0x4000  }
0xfb: {  	[sflag:s10] =	ssyncset.done $0x0  }
0xfc: {  	[sflag:s10] =	ssyncadd.s32 $0xFFFFC000  }
0xfd: {  	[tilespmem:s14], [sflag:$0x2] =	stream.indirect.gather [hbm4b:s4+s12], $0x80, s19, s12, $0xb8;
	[tilespmem:$0x1CC00] =	vst v63  }
0xfe: {  	_ =	swait.ge [sflag:s15], $0x4000  }
0xff: {  	[sflag:s15] =	ssyncset.done $0x0  }
0x100: {  	[sflag:s15] =	ssyncadd.s32 $0xFFFFC000  }
0x101: {  	[spmem:s2] =	stream.indirect.scatter.add.f32 [tilespmem:s13], [sflag:$0x3], $0x80, s20, s12, $0xb8;
	[tilespmem:$0x1CC00] =	vst v63  }
0x102: {  	_ =	swait.ge [sflag:s10], $0x4000  }
0x103: {  	[sflag:s10] =	ssyncset.done $0x0  }
0x104: {  	[sflag:s10] =	ssyncadd.s32 $0xFFFFC000  }
0x105: {  	[tilespmem:s13], [sflag:$0x1] =	stream.indirect.gather [hbm4b:s4+s12], $0x80, s21, s12, $0xb8;
	[tilespmem:$0x1CC00] =	vst v63  }
0x106: {  	_ =	swait.ge [sflag:s16], $0x4000  }
0x107: {  	[sflag:s16] =	ssyncset.done $0x0  }
0x108: {  	[sflag:s16] =	ssyncadd.s32 $0xFFFFC000  }
0x109: {  	[spmem:s2] =	stream.indirect.scatter.add.f32 [tilespmem:s14], [sflag:$0x3], $0x80, s22, s12, $0xb8;
	[tilespmem:$0x1CC00] =	vst v63  }
0x10a: {  	_ =	swait.ge [sflag:s10], $0x4000  }
0x10b: {  	[sflag:s10] =	ssyncset.done $0x0  }
0x10c: {  	[sflag:s10] =	ssyncadd.s32 $0xFFFFC000  }
0x10d: {  	[tilespmem:s14], [sflag:$0x2] =	stream.indirect.gather [hbm4b:s4+s12], $0x80, s23, s12, $0xb8;
	[tilespmem:$0x1CC00] =	vst v63  }
0x10e: {  	_ =	swait.ge [sflag:s15], $0x4000  }
0x10f: {  	[sflag:s15] =	ssyncset.done $0x0  }
0x110: {  	[sflag:s15] =	ssyncadd.s32 $0xFFFFC000  }
0x111: {  	[spmem:s2] =	stream.indirect.scatter.add.f32 [tilespmem:s13], [sflag:$0x3], $0x80, s24, s12, $0xb8;
	[tilespmem:$0x1CC00] =	vst v63  }
0x112: {  	_ =	swait.ge [sflag:s10], $0x4000  }
0x113: {  	[sflag:s10] =	ssyncset.done $0x0  }
0x114: {  	[sflag:s10] =	ssyncadd.s32 $0xFFFFC000  }
0x115: {  	[tilespmem:s13], [sflag:$0x1] =	stream.indirect.gather [hbm4b:s4+s12], $0x80, s25, s12, $0xb8;
	[tilespmem:$0x1CC00] =	vst v63  }
0x116: {  	_ =	swait.ge [sflag:s16], $0x4000  }
0x117: {  	[sflag:s16] =	ssyncset.done $0x0  }
0x118: {  	[sflag:s16] =	ssyncadd.s32 $0xFFFFC000  }
0x119: {  	[spmem:s2] =	stream.indirect.scatter.add.f32 [tilespmem:s14], [sflag:$0x3], $0x80, s26, s12, $0xb8;
	[tilespmem:$0x1CC00] =	vst v63  }
0x11a: {  	_ =	swait.ge [sflag:s10], $0x4000  }
0x11b: {  	[sflag:s10] =	ssyncset.done $0x0  }
0x11c: {  	[sflag:s10] =	ssyncadd.s32 $0xFFFFC000  }
0x11d: {  	[tilespmem:s14], [sflag:$0x2] =	stream.indirect.gather [hbm4b:s4+s12], $0x80, s28, s12, $0xb8;
	[tilespmem:$0x1CC00] =	vst v63  }
0x11e: {  	_ =	swait.ge [sflag:s15], $0x4000  }
0x11f: {  	[sflag:s15] =	ssyncset.done $0x0  }
0x120: {  	[sflag:s15] =	ssyncadd.s32 $0xFFFFC000  }
0x121: {  	[spmem:s2] =	stream.indirect.scatter.add.f32 [tilespmem:s13], [sflag:$0x3], $0x80, s29, s12, $0xb8;
	[tilespmem:$0x1CC00] =	vst v63  }
0x122: {  	_ =	swait.ge [sflag:s10], $0x4000  }
0x123: {  	[sflag:s10] =	ssyncset.done $0x0  }
0x124: {  	[sflag:s10] =	ssyncadd.s32 $0xFFFFC000  }
0x125: {  	[tilespmem:s13], [sflag:$0x1] =	stream.indirect.gather [hbm4b:s4+s12], $0x80, s30, s12, $0xb8;
	[tilespmem:$0x1CC00] =	vst v63  }
0x126: {  	_ =	swait.ge [sflag:s16], $0x4000  }
0x127: {  	[sflag:s16] =	ssyncset.done $0x0  }
0x128: {  	[sflag:s16] =	ssyncadd.s32 $0xFFFFC000  }
0x129: {  	[spmem:s2] =	stream.indirect.scatter.add.f32 [tilespmem:s14], [sflag:$0x3], $0x80, s31, s12, $0xb8;
	[tilespmem:$0x1CC00] =	vst v63  }
0x12a: {  	_ =	swait.ge [sflag:s10], $0x4000  }
0x12b: {  	[sflag:s10] =	ssyncset.done $0x0  }
0x12c: {  	[sflag:s10] =	ssyncadd.s32 $0xFFFFC000  }
0x12d: {  	[tilespmem:s14], [sflag:$0x2] =	stream.indirect.gather [hbm4b:s4+s12], $0x80, s0, s12, $0xb8;
	[tilespmem:$0x1CC00] =	vst v63  }
0x12e: {  	_ =	swait.ge [sflag:s15], $0x4000  }
0x12f: {  	[sflag:s15] =	ssyncset.done $0x0  }
0x130: {  	[sflag:s15] =	ssyncadd.s32 $0xFFFFC000  }
0x131: {  	[spmem:s2] =	stream.indirect.scatter.add.f32 [tilespmem:s13], [sflag:$0x3], $0x80, s1, s12, $0xb8;
	[tilespmem:$0x1CC00] =	vst v63  }
0x132: {  	_ =	swait.ge [sflag:s10], $0x4000  }
0x133: {  	[sflag:s10] =	ssyncset.done $0x0  }
0x134: {  	[sflag:s10] =	ssyncadd.s32 $0xFFFFC000  }
0x135: {  	p0 =	sne.s32 s6, $0x400;
	_ =	swait.ge [sflag:s16], $0x4000  }
.Ltmp0:
0x136: {  	[sflag:s16] =	ssyncset.done $0x0;
	(pc) =	sbr.rel @p0 .LBB2_2-.Ltmp0, $4  }
0x137: {  	[sflag:s16] =	ssyncadd.s32 $0xFFFFC000  }
0x138: {  	[spmem:s2] =	stream.indirect.scatter.add.f32 [tilespmem:s14], [sflag:$0x3], $0x80, s5, s12, $0xb8;
	[tilespmem:$0x1CC00] =	vst v63  }
0x139: {  	s7 =	smov.u32 s6;
	s6 =	sadd.s32 $0x100, s6;
	_ =	swait.ge [sflag:s10], $0x4000  }
0x13a: {  	s8 =	smov.u32 s7;
	s9 =	rddreg [dreg:$0x3];
	[sflag:s10] =	ssyncset.done $0x0  }
0x13b: {  	[sflag:s10] =	ssyncadd.s32 $0xFFFFC000;
	s6 =	sadd.s32 s8, s9  }
0x13c: {  	[tilespmem:s3], [sflag:$0x3] =	stream.linear.gather [hbm4b:s6+s3], $0x800, $0x38;
	[tilespmem:$0x1CC00] =	vst v63  }
0x13d: {  	_ =	swait.ge [sflag:s10], $0x800  }
0x13e: {  	s7 =	rddreg [dreg:$0x4];
	[sflag:s10] =	ssyncset.done $0x0  }
0x13f: {  	s6 =	sadd.s32 s8, s7;
	[sflag:s10] =	ssyncadd.s32 $0xFFFFF800  }
0x140: {  	[tilespmem:s11], [sflag:$0x3] =	stream.linear.gather [hbm4b:s6+s3], $0x800, $0x38;
	[tilespmem:$0x1CC00] =	vst v63  }
0x141: {  	_ =	swait.ge [sflag:s10], $0x800  }
0x142: {  	[sflag:s10] =	ssyncset.done $0x0  }
0x143: {  	[sflag:s10] =	ssyncadd.s32 $0xFFFFF800  }
0x144: {  	[tilespmem:s13], [sflag:$0x1] =	stream.indirect.gather [hbm4b:s4+s12], $0x80, s3, s12, $0xb8;
	[tilespmem:$0x1CC00] =	vst v63  }
0x145: {  	_ = 	snop  }
0x146: {  	[tilespmem:s14], [sflag:$0x2] =	stream.indirect.gather [hbm4b:s4+s12], $0x80, s12, s12, $0xb8;
	[tilespmem:$0x1CC00] =	vst v63  }
0x147: {  	_ =	swait.ge [sflag:s15], $0x4000  }
0x148: {  	[sflag:s15] =	ssyncset.done $0x0  }
0x149: {  	[sflag:s15] =	ssyncadd.s32 $0xFFFFC000  }
0x14a: {  	[spmem:s2] =	stream.indirect.scatter.add.f32 [tilespmem:s13], [sflag:$0x3], $0x80, s11, s12, $0xb8;
	[tilespmem:$0x1CC00] =	vst v63  }
0x14b: {  	_ =	swait.ge [sflag:s10], $0x4000  }
0x14c: {  	[sflag:s10] =	ssyncset.done $0x0  }
0x14d: {  	s9 =	rddreg [dreg:$0x5];
	[sflag:s10] =	ssyncadd.s32 $0xFFFFC000  }
0x14e: {  	[tilespmem:s13], [sflag:$0x1] =	stream.indirect.gather [hbm4b:s4+s12], $0x80, s9, s12, $0xb8;
	[tilespmem:$0x1CC00] =	vst v63  }
0x14f: {  	_ =	swait.ge [sflag:s16], $0x4000  }
0x150: {  	[sflag:s16] =	ssyncset.done $0x0  }
0x151: {  	s7 =	rddreg [dreg:$0x6];
	[sflag:s16] =	ssyncadd.s32 $0xFFFFC000  }
0x152: {  	[spmem:s2] =	stream.indirect.scatter.add.f32 [tilespmem:s14], [sflag:$0x3], $0x80, s7, s12, $0xb8;
	[tilespmem:$0x1CC00] =	vst v63  }
0x153: {  	_ =	swait.ge [sflag:s10], $0x4000  }
0x154: {  	[sflag:s10] =	ssyncset.done $0x0  }
0x155: {  	s8 =	rddreg [dreg:$0x7];
	[sflag:s10] =	ssyncadd.s32 $0xFFFFC000  }
0x156: {  	[tilespmem:s14], [sflag:$0x2] =	stream.indirect.gather [hbm4b:s4+s12], $0x80, s8, s12, $0xb8;
	[tilespmem:$0x1CC00] =	vst v63  }
0x157: {  	_ =	swait.ge [sflag:s15], $0x4000  }
0x158: {  	[sflag:s15] =	ssyncset.done $0x0  }
0x159: {  	s9 =	rddreg [dreg:$0x8];
	[sflag:s15] =	ssyncadd.s32 $0xFFFFC000  }
0x15a: {  	[spmem:s2] =	stream.indirect.scatter.add.f32 [tilespmem:s13], [sflag:$0x3], $0x80, s9, s12, $0xb8;
	[tilespmem:$0x1CC00] =	vst v63  }
0x15b: {  	_ =	swait.ge [sflag:s10], $0x4000  }
0x15c: {  	[sflag:s10] =	ssyncset.done $0x0  }
0x15d: {  	s7 =	rddreg [dreg:$0x9];
	[sflag:s10] =	ssyncadd.s32 $0xFFFFC000  }
0x15e: {  	[tilespmem:s13], [sflag:$0x1] =	stream.indirect.gather [hbm4b:s4+s12], $0x80, s7, s12, $0xb8;
	[tilespmem:$0x1CC00] =	vst v63  }
0x15f: {  	_ =	swait.ge [sflag:s16], $0x4000  }
0x160: {  	[sflag:s16] =	ssyncset.done $0x0  }
0x161: {  	s8 =	rddreg [dreg:$0xa];
	[sflag:s16] =	ssyncadd.s32 $0xFFFFC000  }
0x162: {  	[spmem:s2] =	stream.indirect.scatter.add.f32 [tilespmem:s14], [sflag:$0x3], $0x80, s8, s12, $0xb8;
	[tilespmem:$0x1CC00] =	vst v63  }
0x163: {  	_ =	swait.ge [sflag:s10], $0x4000  }
0x164: {  	[sflag:s10] =	ssyncset.done $0x0  }
0x165: {  	s9 =	rddreg [dreg:$0xb];
	[sflag:s10] =	ssyncadd.s32 $0xFFFFC000  }
0x166: {  	[tilespmem:s14], [sflag:$0x2] =	stream.indirect.gather [hbm4b:s4+s12], $0x80, s9, s12, $0xb8;
	[tilespmem:$0x1CC00] =	vst v63  }
0x167: {  	_ =	swait.ge [sflag:s15], $0x4000  }
0x168: {  	[sflag:s15] =	ssyncset.done $0x0  }
0x169: {  	s7 =	rddreg [dreg:$0xc];
	[sflag:s15] =	ssyncadd.s32 $0xFFFFC000  }
0x16a: {  	[spmem:s2] =	stream.indirect.scatter.add.f32 [tilespmem:s13], [sflag:$0x3], $0x80, s7, s12, $0xb8;
	[tilespmem:$0x1CC00] =	vst v63  }
0x16b: {  	_ =	swait.ge [sflag:s10], $0x4000  }
0x16c: {  	[sflag:s10] =	ssyncset.done $0x0  }
0x16d: {  	s8 =	rddreg [dreg:$0xd];
	[sflag:s10] =	ssyncadd.s32 $0xFFFFC000  }
0x16e: {  	[tilespmem:s13], [sflag:$0x1] =	stream.indirect.gather [hbm4b:s4+s12], $0x80, s8, s12, $0xb8;
	[tilespmem:$0x1CC00] =	vst v63  }
0x16f: {  	_ =	swait.ge [sflag:s16], $0x4000  }
0x170: {  	[sflag:s16] =	ssyncset.done $0x0  }
0x171: {  	s9 =	rddreg [dreg:$0xe];
	[sflag:s16] =	ssyncadd.s32 $0xFFFFC000  }
0x172: {  	[spmem:s2] =	stream.indirect.scatter.add.f32 [tilespmem:s14], [sflag:$0x3], $0x80, s9, s12, $0xb8;
	[tilespmem:$0x1CC00] =	vst v63  }
0x173: {  	_ =	swait.ge [sflag:s10], $0x4000  }
0x174: {  	[sflag:s10] =	ssyncset.done $0x0  }
0x175: {  	s7 =	rddreg [dreg:$0xf];
	[sflag:s10] =	ssyncadd.s32 $0xFFFFC000  }
0x176: {  	[tilespmem:s14], [sflag:$0x2] =	stream.indirect.gather [hbm4b:s4+s12], $0x80, s7, s12, $0xb8;
	[tilespmem:$0x1CC00] =	vst v63  }
0x177: {  	_ =	swait.ge [sflag:s15], $0x4000  }
0x178: {  	[sflag:s15] =	ssyncset.done $0x0  }
0x179: {  	s8 =	rddreg [dreg:$0x10];
	[sflag:s15] =	ssyncadd.s32 $0xFFFFC000  }
0x17a: {  	[spmem:s2] =	stream.indirect.scatter.add.f32 [tilespmem:s13], [sflag:$0x3], $0x80, s8, s12, $0xb8;
	[tilespmem:$0x1CC00] =	vst v63  }
0x17b: {  	_ =	swait.ge [sflag:s10], $0x4000  }
0x17c: {  	[sflag:s10] =	ssyncset.done $0x0  }
0x17d: {  	[sflag:s10] =	ssyncadd.s32 $0xFFFFC000  }
0x17e: {  	[tilespmem:s13], [sflag:$0x1] =	stream.indirect.gather [hbm4b:s4+s12], $0x80, s17, s12, $0xb8;
	[tilespmem:$0x1CC00] =	vst v63  }
0x17f: {  	_ =	swait.ge [sflag:s16], $0x4000  }
0x180: {  	[sflag:s16] =	ssyncset.done $0x0  }
0x181: {  	[sflag:s16] =	ssyncadd.s32 $0xFFFFC000  }
0x182: {  	[spmem:s2] =	stream.indirect.scatter.add.f32 [tilespmem:s14], [sflag:$0x3], $0x80, s18, s12, $0xb8;
	[tilespmem:$0x1CC00] =	vst v63  }
0x183: {  	_ =	swait.ge [sflag:s10], $0x4000  }
0x184: {  	[sflag:s10] =	ssyncset.done $0x0  }
0x185: {  	[sflag:s10] =	ssyncadd.s32 $0xFFFFC000  }
0x186: {  	[tilespmem:s14], [sflag:$0x2] =	stream.indirect.gather [hbm4b:s4+s12], $0x80, s19, s12, $0xb8;
	[tilespmem:$0x1CC00] =	vst v63  }
0x187: {  	_ =	swait.ge [sflag:s15], $0x4000  }
0x188: {  	[sflag:s15] =	ssyncset.done $0x0  }
0x189: {  	[sflag:s15] =	ssyncadd.s32 $0xFFFFC000  }
0x18a: {  	[spmem:s2] =	stream.indirect.scatter.add.f32 [tilespmem:s13], [sflag:$0x3], $0x80, s20, s12, $0xb8;
	[tilespmem:$0x1CC00] =	vst v63  }
0x18b: {  	_ =	swait.ge [sflag:s10], $0x4000  }
0x18c: {  	[sflag:s10] =	ssyncset.done $0x0  }
0x18d: {  	[sflag:s10] =	ssyncadd.s32 $0xFFFFC000  }
0x18e: {  	[tilespmem:s13], [sflag:$0x1] =	stream.indirect.gather [hbm4b:s4+s12], $0x80, s21, s12, $0xb8;
	[tilespmem:$0x1CC00] =	vst v63  }
0x18f: {  	_ =	swait.ge [sflag:s16], $0x4000  }
0x190: {  	[sflag:s16] =	ssyncset.done $0x0  }
0x191: {  	[sflag:s16] =	ssyncadd.s32 $0xFFFFC000  }
0x192: {  	[spmem:s2] =	stream.indirect.scatter.add.f32 [tilespmem:s14], [sflag:$0x3], $0x80, s22, s12, $0xb8;
	[tilespmem:$0x1CC00] =	vst v63  }
0x193: {  	_ =	swait.ge [sflag:s10], $0x4000  }
0x194: {  	[sflag:s10] =	ssyncset.done $0x0  }
0x195: {  	[sflag:s10] =	ssyncadd.s32 $0xFFFFC000  }
0x196: {  	[tilespmem:s14], [sflag:$0x2] =	stream.indirect.gather [hbm4b:s4+s12], $0x80, s23, s12, $0xb8;
	[tilespmem:$0x1CC00] =	vst v63  }
0x197: {  	_ =	swait.ge [sflag:s15], $0x4000  }
0x198: {  	[sflag:s15] =	ssyncset.done $0x0  }
0x199: {  	[sflag:s15] =	ssyncadd.s32 $0xFFFFC000  }
0x19a: {  	[spmem:s2] =	stream.indirect.scatter.add.f32 [tilespmem:s13], [sflag:$0x3], $0x80, s24, s12, $0xb8;
	[tilespmem:$0x1CC00] =	vst v63  }
0x19b: {  	_ =	swait.ge [sflag:s10], $0x4000  }
0x19c: {  	[sflag:s10] =	ssyncset.done $0x0  }
0x19d: {  	[sflag:s10] =	ssyncadd.s32 $0xFFFFC000  }
0x19e: {  	[tilespmem:s13], [sflag:$0x1] =	stream.indirect.gather [hbm4b:s4+s12], $0x80, s25, s12, $0xb8;
	[tilespmem:$0x1CC00] =	vst v63  }
0x19f: {  	_ =	swait.ge [sflag:s16], $0x4000  }
0x1a0: {  	[sflag:s16] =	ssyncset.done $0x0  }
0x1a1: {  	[sflag:s16] =	ssyncadd.s32 $0xFFFFC000  }
0x1a2: {  	[spmem:s2] =	stream.indirect.scatter.add.f32 [tilespmem:s14], [sflag:$0x3], $0x80, s26, s12, $0xb8;
	[tilespmem:$0x1CC00] =	vst v63  }
0x1a3: {  	_ =	swait.ge [sflag:s10], $0x4000  }
0x1a4: {  	[sflag:s10] =	ssyncset.done $0x0  }
0x1a5: {  	[sflag:s10] =	ssyncadd.s32 $0xFFFFC000  }
0x1a6: {  	[tilespmem:s14], [sflag:$0x2] =	stream.indirect.gather [hbm4b:s4+s12], $0x80, s28, s12, $0xb8;
	[tilespmem:$0x1CC00] =	vst v63  }
0x1a7: {  	_ =	swait.ge [sflag:s15], $0x4000  }
0x1a8: {  	[sflag:s15] =	ssyncset.done $0x0  }
0x1a9: {  	[sflag:s15] =	ssyncadd.s32 $0xFFFFC000  }
0x1aa: {  	[spmem:s2] =	stream.indirect.scatter.add.f32 [tilespmem:s13], [sflag:$0x3], $0x80, s29, s12, $0xb8;
	[tilespmem:$0x1CC00] =	vst v63  }
0x1ab: {  	_ =	swait.ge [sflag:s10], $0x4000  }
0x1ac: {  	[sflag:s10] =	ssyncset.done $0x0  }
0x1ad: {  	[sflag:s10] =	ssyncadd.s32 $0xFFFFC000  }
0x1ae: {  	[tilespmem:s13], [sflag:$0x1] =	stream.indirect.gather [hbm4b:s4+s12], $0x80, s30, s12, $0xb8;
	[tilespmem:$0x1CC00] =	vst v63  }
0x1af: {  	_ =	swait.ge [sflag:s16], $0x4000  }
0x1b0: {  	[sflag:s16] =	ssyncset.done $0x0  }
0x1b1: {  	[sflag:s16] =	ssyncadd.s32 $0xFFFFC000  }
0x1b2: {  	[spmem:s2] =	stream.indirect.scatter.add.f32 [tilespmem:s14], [sflag:$0x3], $0x80, s31, s12, $0xb8;
	[tilespmem:$0x1CC00] =	vst v63  }
0x1b3: {  	_ =	swait.ge [sflag:s10], $0x4000  }
0x1b4: {  	[sflag:s10] =	ssyncset.done $0x0  }
0x1b5: {  	[sflag:s10] =	ssyncadd.s32 $0xFFFFC000  }
0x1b6: {  	[tilespmem:s14], [sflag:$0x2] =	stream.indirect.gather [hbm4b:s4+s12], $0x80, s0, s12, $0xb8;
	[tilespmem:$0x1CC00] =	vst v63  }
0x1b7: {  	_ =	swait.ge [sflag:s15], $0x4000  }
0x1b8: {  	[sflag:s15] =	ssyncset.done $0x0  }
0x1b9: {  	[sflag:s15] =	ssyncadd.s32 $0xFFFFC000  }
0x1ba: {  	[spmem:s2] =	stream.indirect.scatter.add.f32 [tilespmem:s13], [sflag:$0x3], $0x80, s1, s12, $0xb8;
	[tilespmem:$0x1CC00] =	vst v63  }
0x1bb: {  	_ =	swait.ge [sflag:s10], $0x4000  }
0x1bc: {  	[sflag:s10] =	ssyncset.done $0x0  }
0x1bd: {  	[sflag:s10] =	ssyncadd.s32 $0xFFFFC000  }
0x1be: {  	_ =	swait.ge [sflag:s16], $0x4000  }
0x1bf: {  	[sflag:s16] =	ssyncset.done $0x0  }
0x1c0: {  	[sflag:s16] =	ssyncadd.s32 $0xFFFFC000  }
0x1c1: {  	[spmem:s2] =	stream.indirect.scatter.add.f32 [tilespmem:s14], [sflag:$0x3], $0x80, s5, s12, $0xb8;
	[tilespmem:$0x1CC00] =	vst v63  }
0x1c2: {  	_ =	swait.ge [sflag:s10], $0x4000  }
0x1c3: {  	[sflag:s10] =	ssyncset.done $0x0  }
0x1c4: {  	[sflag:s10] =	ssyncadd.s32 $0xFFFFC000  }
0x1c5: {  	[bflag:$0x0] =	sbarrier.arrive $0xFFFF  }
0x1c6: {  	s7 =	rddreg [dreg:$0x12]  }
0x1c7: {  	s9 =	rddreg [dreg:$0x13]  }
0x1c8: {  	s8 =	rddreg [dreg:$0x15]  }
0x1c9: {  	[hbm:s9], [sflag:s7] =	dma.local [spmem:s8], $0x2780  }
0x1ca: {  	_ =	swait.ge [sflag:s10], $0x2780  }
0x1cb: {  	s6 =	rddreg [dreg:$0x16]  }
0x1cc: {  	s9 =	sadd.s32 $0x1, s6;
	s6 =	rddreg [dreg:$0x14]  }
0x1cd: {  	p0 =	sne.s32 s9, s6  }
.Ltmp1:
0x1ce: {  	_ = 	snop;
	(pc) =	sbr.rel @p0 .LBB2_1-.Ltmp1, $3  }
0x1cf: {  	_ =	sdelay $0x1  }
0x1d0: {  	[sflag:s10] =	ssyncset.done $0x0  }
0x1d1: {  	[sflag:s10] =	ssyncadd.s32 $0xFFFFD880  }
0x1d2: {  	_ =	sfence.sel $0x180000  }
0x1d3: {  	[bflag:$0x0] =	sbarrier.arrive $0xFFFF  }
0x1d4: {  	_ =	strace $0x9000004A  }
0x1d5: {  	s0 =	stileid.u32;
	[bflag:$0x2] =	sbarrier.arrive $0xFFFF  }
0x1d6: {  	p0 =	sne.s32 s0, $0x0;
	s0 =	rddreg [dreg:$0x2]  }
0x1d7: {  	s0 =	sadd.s32 @!p0 $0x100000, s0  }
0x1d8: {  	[sflag:s0] =	ssyncadd.tile.s32 @!p0 $0x1;
	_ =	shalt  }
.Lfunc_end2:
_tile_overlayer_lowered:
.L_overlay_start_2:
0x1d9: {  	(tag) =	ssettag $0x2  }
0x1da: {  	s0 =	rddreg [dreg:$0x0];
	s2 =	stileid.u32  }
0x1db: {  	s1 =	rddreg [dreg:$0x1];
	p0 =	sne.s32 s2, $0x0  }
0x1dc: {  	s3 =	rddreg [dreg:$0x2];
	[bflag:$0x3] =	sbarrier.arrive $0xFFFF;
	s2 =	simm.s32 @!p0 $0x1C03  }
0x1dd: {  	[timem:s3], [sflag:s2] =	dma.local @!p0 [hbm:s0], s1  }
0x1de: {  	s0 =	simm.s32 @!p0 $0x3  }
0x1df: {  	_ =	swait.ge @!p0 [sflag:s0], s1  }
0x1e0: {  	s1 =	ssub.s32 @!p0 $0x0, s1;
	[sflag:s0] =	ssyncset.done @!p0 $0x0  }
0x1e1: {  	[sflag:s0] =	ssyncadd.s32 @!p0 s1  }
0x1e2: {  	[bflag:$0x3] =	sbarrier.arrive $0xFFFF  }
0x1e3: {  	_ =	shalt  }

// kernel: kernel.15.cloned.1.call-start
scs
__scs_entry_jumppad:
0x0: {  	(pc) =	sbr.rel $0x88, $3  }
0x1: {  	(tag) =	ssettag $0x0;
	lr =	simm.s32 $0x1  }
0x2: {  	[smem:$0x3F99] =	sst lr;
	_ =	strace $0xD0000000  }
0x3: {  	_ = 	snop  }
0x4: {  	_ = 	snop  }
0x5: {  	_ = 	snop  }
0x6: {  	_ = 	snop  }
0x7: {  	_ = 	snop  }
__scs_overlays_trampoline_lowered:
0x8: {  	[smem:$0x3FA8] =	sst s0  }
0x9: {  	[smem:$0x3FA9] =	sst s1  }
0xa: {  	[smem:$0x3FAA] =	sst s2  }
0xb: {  	[smem:$0x3FAB] =	sst s3  }
0xc: {  	[smem:$0x3FAC] =	sst s4  }
0xd: {  	[smem:$0x3FAD] =	sst s5  }
0xe: {  	[smem:$0x3FAE] =	sst s6  }
0xf: {  	[smem:$0x3FAF] =	sst s7  }
0x10: {  	[smem:$0x3FB0] =	sst s8  }
0x11: {  	[smem:$0x3FB1] =	sst s9;
	s0 =	simm.s32 @!p0 $0x0  }
0x12: {  	s1 =	sld [smem:$0x3F97];
	s0 =	simm.s32 @p0 $0x1  }
0x13: {  	[smem:$0x3FB2] =	sst s0;
	s0 =	simm.s32 @!p1 $0x0  }
0x14: {  	s2 =	sld [smem:$0x3F96];
	s0 =	simm.s32 @p1 $0x1  }
0x15: {  	[smem:$0x3FB3] =	sst s0;
	s0 =	simm.s32 @!p2 $0x0  }
0x16: {  	s3 =	sld [smem:$0x3FDB];
	s0 =	simm.s32 @p2 $0x1  }
0x17: {  	s4 =	simm.s32 $0x1BF5;
	[smem:$0x3FB5] =	sst s0  }
0x18: {  	s0 =	sld [smem:$0x3F98];
	_ =	swait.ge [sflag:s4], $0x0  }
0x19: {  	s7 =	sld [smem:$0x3F99]  }
0x1a: {  	s8 =	sadd.s32 $0xFFFFE003, lr  }
0x1b: {  	s9 =	sadd.s32 $0xFFFFFEF7, lr;
	s5 =	simm.s32 $0xFFFFFFFF;
	p2 =	slt.u32 s8, $0xFFFFF086  }
0x1c: {  	p1 =	slt.u32 s9, $0xF7A;
	s5 =	simm.s32 @!p2 $0x0  }
0x1d: {  	s5 =	simm.s32 @p1 $0x1;
	p0 =	seq.s32 s7, s2  }
0x1e: {  	s7 =	smul.u32 @!p0 $0xF7A, s2;
	p2 =	seq.s32 @!p0 s5, $0x0  }
0x1f: {  	s9 =	smul.u32 $0xF7A, s1;
	s8 =	simm.s32 @!p0 $0x1BF5;
	p2 =	por !p2, p0  }
0x20: {  	[sflag:s8] =	ssyncset.s32 @!p0 $0xFFFFF086;
	s6 =	sadd.s32 @!p0 s3, s7;
	s7 =	simm.s32 @!p0 $0x108  }
0x21: {  	s3 =	sadd.s32 s3, s9;
	s6 =	sadd.s32 @!p0 $0x88, s6;
	s7 =	simm.s32 @p2 $0x1082  }
0x22: {  	[simem:s7], [sflag:s8] =	dma.local @!p0 [hbm:s6], $0xF7A  }
0x23: {  	s9 =	sor.u32 $0xD0000000, s2;
	s6 =	simm.s32 $0x108;
	_ =	swait.ge @!p0 [sflag:s8], $0x0  }
0x24: {  	s3 =	sadd.s32 $0x88, s3;
	s6 =	simm.s32 @!p1 $0x1082;
	[sflag:s4] =	ssyncset.s32 $0xFFFFF086  }
0x25: {  	[simem:s6], [sflag:s4] =	dma.local [hbm:s3], $0xF7A  }
0x26: {  	[smem:$0x3F99] =	sst s1;
	(tag) =	ssettag s2;
	_ =	strace s9  }
0x27: {  	s1 =	sld [smem:$0x3FA9]  }
0x28: {  	s2 =	sld [smem:$0x3FAA]  }
0x29: {  	s4 =	sld [smem:$0x3FAC]  }
0x2a: {  	p0 =	seq.s32 s5, $0x0;
	s5 =	sld [smem:$0x3FAD]  }
0x2b: {  	s6 =	sld [smem:$0x3FAE]  }
0x2c: {  	s7 =	sld [smem:$0x3FAF]  }
0x2d: {  	s3 =	simm.s32 $0x108;
	s8 =	sld [smem:$0x3FB0]  }
0x2e: {  	s3 =	simm.s32 @!p0 $0x1082;
	s9 =	sld [smem:$0x3FB1]  }
0x2f: {  	lr =	sadd.s32 s0, s3;
	s0 =	sld [smem:$0x3FA8]  }
0x30: {  	s3 =	sld [smem:$0x3FAB]  }
0x31: {  	[smem:$0x3FB4] =	sst s10  }
0x32: {  	s10 =	sld [smem:$0x3FB2];
	_ =	sdelay $0x3  }
0x33: {  	p0 =	seq.s32 s10, $0x1;
	s10 =	sld [smem:$0x3FB4];
	_ =	sdelay $0x3  }
0x34: {  	[smem:$0x3FB4] =	sst s10  }
0x35: {  	s10 =	sld [smem:$0x3FB3];
	_ =	sdelay $0x3  }
0x36: {  	p1 =	seq.s32 s10, $0x1;
	s10 =	sld [smem:$0x3FB4];
	_ =	sdelay $0x3  }
0x37: {  	[smem:$0x3FB4] =	sst s10  }
0x38: {  	s10 =	sld [smem:$0x3FB5]  }
0x39: {  	_ = 	snop;
	(pc) =	sbr.ind lr, $3  }
0x3a: {  	_ = 	snop  }
0x3b: {  	_ = 	snop  }
0x3c: {  	p2 =	seq.s32 s10, $0x1;
	s10 =	sld [smem:$0x3FB4]  }
0x3d: {  	_ =	shalt  }
0x3e: {  	_ =	shalt  }
0x3f: {  	_ =	shalt  }
0x40: {  	_ =	shalt  }
0x41: {  	_ =	shalt  }
0x42: {  	_ =	shalt  }
0x43: {  	_ =	shalt  }
0x44: {  	_ =	shalt  }
0x45: {  	_ =	shalt  }
0x46: {  	_ =	shalt  }
0x47: {  	_ =	shalt  }
0x48: {  	_ =	shalt  }
0x49: {  	_ =	shalt  }
0x4a: {  	_ =	shalt  }
0x4b: {  	_ =	shalt  }
0x4c: {  	_ =	shalt  }
0x4d: {  	_ =	shalt  }
0x4e: {  	_ =	shalt  }
0x4f: {  	_ =	shalt  }
0x50: {  	_ =	shalt  }
0x51: {  	_ =	shalt  }
0x52: {  	_ =	shalt  }
0x53: {  	_ =	shalt  }
0x54: {  	_ =	shalt  }
0x55: {  	_ =	shalt  }
0x56: {  	_ =	shalt  }
0x57: {  	_ =	shalt  }
0x58: {  	_ =	shalt  }
0x59: {  	_ =	shalt  }
0x5a: {  	_ =	shalt  }
0x5b: {  	_ =	shalt  }
0x5c: {  	_ =	shalt  }
0x5d: {  	_ =	shalt  }
0x5e: {  	_ =	shalt  }
0x5f: {  	_ =	shalt  }
0x60: {  	_ =	shalt  }
0x61: {  	_ =	shalt  }
0x62: {  	_ =	shalt  }
0x63: {  	_ =	shalt  }
0x64: {  	_ =	shalt  }
0x65: {  	_ =	shalt  }
0x66: {  	_ =	shalt  }
0x67: {  	_ =	shalt  }
0x68: {  	_ =	shalt  }
0x69: {  	_ =	shalt  }
0x6a: {  	_ =	shalt  }
0x6b: {  	_ =	shalt  }
0x6c: {  	_ =	shalt  }
0x6d: {  	_ =	shalt  }
0x6e: {  	_ =	shalt  }
0x6f: {  	_ =	shalt  }
0x70: {  	_ =	shalt  }
0x71: {  	_ =	shalt  }
0x72: {  	_ =	shalt  }
0x73: {  	_ =	shalt  }
0x74: {  	_ =	shalt  }
0x75: {  	_ =	shalt  }
0x76: {  	_ =	shalt  }
0x77: {  	_ =	shalt  }
0x78: {  	_ =	shalt  }
0x79: {  	_ =	shalt  }
0x7a: {  	_ =	shalt  }
0x7b: {  	_ =	shalt  }
0x7c: {  	_ =	shalt  }
0x7d: {  	_ =	shalt  }
0x7e: {  	_ =	shalt  }
0x7f: {  	_ =	shalt  }
0x80: {  	_ =	shalt  }
0x81: {  	_ =	shalt  }
0x82: {  	_ =	shalt  }
0x83: {  	_ =	shalt  }
0x84: {  	_ =	shalt  }
0x85: {  	_ =	shalt  }
0x86: {  	_ =	shalt  }
0x87: {  	_ =	shalt  }
.Lfunc_end0:
.L_simem_size_0:
called_computation.2_lowered:
.L_overlay_start_0:
0x88: {  	s2 =	sld [smem:$0x3FD9]  }
0x89: {  	s3 =	sld [smem:$0x3FFE];
	_ =	sdelay $0x1  }
0x8a: {  	s1 =	srdreg.scid  }
0x8b: {  	s0 =	sand.u32 $0x1, s1  }
0x8c: {  	s16 =	sshll.u32 s0, $0xA;
	s2 =	sadd.s32 s3, s2  }
0x8d: {  	s2 =	sadd.s32 s2, s16  }
0x8e: {  	[smem:$0x3FC0] =	sst s2  }
0x8f: {  	_ = 	snop  }
0x90: {  	(tm) =	ssettm $0x1  }
0x91: {  	s17 =	sld [smem:$0x3FFB];
	_ =	sdelay $0x3  }
0x92: {  	_ =	strace s17  }
0x93: {  	s2 =	sld [smem:$0x3FFC];
	_ =	sdelay $0x3  }
0x94: {  	_ =	strace s2  }
0x95: {  	s2 =	sld [smem:$0x3FFD];
	_ =	sdelay $0x3  }
0x96: {  	_ =	strace s2  }
0x97: {  	_ =	strace $0x8FFFFFFF  }
0x98: {  	s18 =	sld [smem:$0x3FDB];
	_ =	sdelay $0x1  }
0x99: {  	s19 =	simm.s32 $_scs_section_size  }
0x9a: {  	s4 =	simm.s32 $_size__tile_overlayer_lowered;
	s5 =	simm.s32 $_tile_overlayer_lowered  }
0x9b: {  	s22 =	simm.s32 $0x1BFF;
	s21 =	sshll.u32 s5, $0x1;
	s2 =	sadd.s32 s19, s18  }
0x9c: {  	s6 =	simm.s32 $0x0;
	s20 =	sshll.u32 s4, $0x1;
	s4 =	sadd.s32 s21, s2  }
0x9d: {  	[timem:s6], [sflag:s22] =	dma.local [hbm:s4], s20  }
0x9e: {  	_ =	swait.ge [sflag:s22], s20  }
0x9f: {  	s3 =	ssub.s32 $0x0, s20;
	[sflag:s22] =	ssyncset.done $0x0  }
0xa0: {  	[sflag:s22] =	ssyncadd.s32 s3;
	_ =	sdelay $0x1  }
0xa1: {  	s23 =	simm.s32 $0x1B8B  }
0xa2: {  	_ =	swait.ge [sflag:s23], $0x1  }
0xa3: {  	[sflag:s23] =	ssyncset.done $0x0  }
0xa4: {  	s25 =	simm.s32 $0x1B8E;
	s24 =	sld [smem:$0x3FFE];
	[sflag:s23] =	ssyncadd.s32 $0xFFFFFFFF  }
0xa5: {  	s26 =	simm.s32 $execute0_lowered;
	[smem:$0x3FD2] =	sst s25  }
0xa6: {  	s4 =	sshll.u32 s26, $0x1;
	_ =	strace $0x8000004C;
	[dreg:$0x1] =	wrdreg $0xFFFFFFFF  }
0xa7: {  	s28 =	simm.s32 $_size_execute0_lowered;
	s2 =	sadd.s32 s2, s4;
	[dreg:$0x0] =	wrdreg $0x0  }
0xa8: {  	s4 =	sshll.u32 s28, $0x1;
	[dreg:$0x2] =	wrdreg s2  }
0xa9: {  	[dreg:$0x3] =	wrdreg s4  }
0xaa: {  	[dreg:$0x4] =	wrdreg $0xC0  }
0xab: {  	_ =	task [dreg:s6], $0x5FFFF  }
0xac: {  	[dreg:$0x1] =	wrdreg $0xFFFFFFFF  }
0xad: {  	[dreg:$0x0] =	wrdreg $0x60  }
0xae: {  	[dreg:$0x2] =	wrdreg s24  }
0xaf: {  	[dreg:$0x3] =	wrdreg $0x90000  }
0xb0: {  	[dreg:$0x4] =	wrdreg $0x9  }
0xb1: {  	_ =	task.clear_ibuf [dreg:s6], $0x5FFFF;
	_ =	strace $0x9000004C  }
0xb2: {  	s29 =	simm.s32 $0x9;
	_ =	strace $0x8000004E  }
0xb3: {  	_ =	swait.ge [sflag:s29], $0x1  }
0xb4: {  	[sflag:s29] =	ssyncadd.s32 $0xFFFFFFFF  }
0xb5: {  	_ =	strace $0x9000004E  }
0xb6: {  	_ =	sfence  }
0xb7: {  	s30 =	sld [smem:$0x0];
	_ =	sdelay $0x2  }
0xb8: {  	s31 =	sshll.u32 s1, $0xD;
	s1 =	sshrl.u32 s1, $0x2  }
0xb9: {  	s3 =	sand.u32 $0x4000, s31;
	s1 =	sadd.s32 s1, s30  }
0xba: {  	s0 =	sor.u32 s3, s0;
	s1 =	sshll.u32 s1, $0x11  }
0xbb: {  	s0 =	sor.u32 s1, s0  }
0xbc: {  	s0 =	sadd.s32 $0x8F2B, s0  }
0xbd: {  	[sflag:s0] =	ssyncadd.remote.s32 $0x1  }
0xbe: {  	_ =	sfence.sel $0xFFFF  }
0xbf: {  	[dreg:$0x0] =	wrdreg $0xFFFFFFFF;
	(pc) =	sbr.abs _section_cstart, $3  }
0xc0: {  	[dreg:$0x1] =	wrdreg $0xFFFFFFFF  }
0xc1: {  	_ =	task.clear_ibuf [dreg:s6], $0x2FFFF;
	_ =	strace $0x9FFFFFFF  }
0xc2: {  	(tm) =	ssettm $0x7FFFFFFF  }
0xc3: {  	_ =	shalt  }
tec
execute0_lowered:
.L_overlay_start_1:
0x0: {  	(tag) =	ssettag $0x1  }
0x1: {  	s0 =	rddreg [dreg:$0x0]  }
0x2: {  	s1 =	srdreg.scid;
	s2 =	rddreg [dreg:$0x1]  }
0x3: {  	s11 =	stileid.u32;
	s3 =	simm.s32 $0x0;
	s13 =	simm.s32 $0x100  }
0x4: {  	s15 =	simm.s32 $0x880;
	s17 =	simm.s32 $0x180;
	s18 =	simm.s32 $0x900  }
0x5: {  	s19 =	simm.s32 $0x200;
	s20 =	simm.s32 $0x980;
	[smem:$0x7FF] =	sst s3  }
0x6: {  	s21 =	simm.s32 $0x280;
	_ =	strace $0x8000004D;
	[dreg:$0x5] =	wrdreg s13  }
0x7: {  	s22 =	simm.s32 $0xA00;
	s23 =	simm.s32 $0x300;
	[dreg:$0x6] =	wrdreg s15  }
0x8: {  	s24 =	simm.s32 $0xA80;
	s25 =	simm.s32 $0x380;
	[dreg:$0x7] =	wrdreg s17  }
0x9: {  	s28 =	simm.s32 $0x680;
	s29 =	simm.s32 $0xE00;
	[dreg:$0x8] =	wrdreg s18  }
0xa: {  	s30 =	simm.s32 $0x700;
	s5 =	smul.u32 $0x2800, s11;
	[dreg:$0x9] =	wrdreg s19  }
0xb: {  	s31 =	simm.s32 $0xE80;
	s6 =	smul.u32 $0x500, s11;
	[dreg:$0xa] =	wrdreg s20  }
0xc: {  	s1 =	sand.u32 $0x1, s1;
	s7 =	smul.u32 $0x13C00, s11;
	[dreg:$0xb] =	wrdreg s21  }
0xd: {  	s10 =	smul.u32 $0x4F000, s11;
	s16 =	sshll.u32 s11, $0x6;
	[dreg:$0xc] =	wrdreg s22  }
0xe: {  	s11 =	simm.s32 $0x800;
	s4 =	smul.u32 $0x28000, s1;
	[dreg:$0xd] =	wrdreg s23  }
0xf: {  	s8 =	smul.u32 $0x13C000, s1;
	s1 =	ssub.s32 $0x2, s1;
	[dreg:$0xe] =	wrdreg s24  }
0x10: {  	s13 =	simm.s32 $0x1000;
	[dreg:$0xf] =	wrdreg s25;
	s15 =	simm.s32 $0x1  }
0x11: {  	s17 =	simm.s32 $0x400;
	s18 =	simm.s32 $0xB80;
	s19 =	simm.s32 $0x480  }
0x12: {  	s20 =	simm.s32 $0xC00;
	s21 =	simm.s32 $0x500;
	s22 =	simm.s32 $0xC80  }
0x13: {  	s23 =	simm.s32 $0x580;
	s24 =	simm.s32 $0xD00;
	s25 =	simm.s32 $0x600  }
0x14: {  	s6 =	sadd.s32 s6, s0;
	s9 =	sshrl.u32 s7, $0x3;
	s26 =	sshrl.u32 s1, $0x1  }
0x15: {  	s5 =	sadd.s32 s4, s5;
	s4 =	sadd.s32 $0x88000, s0;
	s9 =	sadd.s32 s9, s0  }
0x16: {  	s7 =	sadd.s32 s7, s8;
	s1 =	ssub.s32 s1, s26;
	s8 =	sshrl.u32 s10, $0x2  }
0x17: {  	s10 =	sadd.s32 $0x2000, s6;
	s26 =	simm.s32 $0xB00;
	s5 =	sshrl.u32 s5, $0x3  }
0x18: {  	s7 =	sshrl.u32 s7, $0x3;
	s12 =	sadd.s32 s8, s2;
	[dreg:$0x4] =	wrdreg s10  }
0x19: {  	s14 =	sadd.s32 $0x7000, s9;
	s1 =	smax.u32 s1, $0x1;
	s10 =	simm.s32 $0x3  }
0x1a: {  	[dreg:$0x10] =	wrdreg s26;
	s26 =	simm.s32 $0xD80;
	s9 =	simm.s32 $0x0  }
0x1b: {  	s5 =	sadd.s32 s5, s0;
	s0 =	sadd.s32 s7, s0;
	[dreg:$0x11] =	wrdreg s14  }
0x1c: {  	s7 =	sor.u32 $0x1C03, s16;
	[dreg:$0x14] =	wrdreg s1;
	s8 =	sshrl.u32 s12, $0x3  }
0x1d: {  	s12 =	simm.s32 $0x80;
	s14 =	simm.s32 $0x5000;
	[dreg:$0x12] =	wrdreg s7  }
0x1e: {  	s16 =	simm.s32 $0x2;
	s5 =	sadd.s32 $0x7E000, s5;
	[dreg:$0x15] =	wrdreg s8  }
0x1f: {  	s1 =	simm.s32 $0xF00;
	s0 =	sadd.s32 $0xD6200, s0;
	[dreg:$0x3] =	wrdreg s5  }
0x20: {  	[dreg:$0x13] =	wrdreg s0;
	s0 =	simm.s32 $0x780;
	s5 =	simm.s32 $0xF80  }
.LBB2_1:
0x21: {  	[dreg:$0x16] =	wrdreg s9  }
0x22: {  	s6 =	rddreg [dreg:$0x11]  }
0x23: {  	[spmem:s8], [sflag:s7] =	dma.local [hbm:s6], $0x2780  }
0x24: {  	_ =	swait.ge [sflag:s10], $0x2780  }
0x25: {  	[sflag:s10] =	ssyncset.done $0x0  }
0x26: {  	[sflag:s10] =	ssyncadd.s32 $0xFFFFD880  }
0x27: {  	[bflag:$0x0] =	sbarrier.arrive $0xFFFF  }
0x28: {  	s8 =	rddreg [dreg:$0x3]  }
0x29: {  	s6 =	sadd.s32 $0x0, s8  }
0x2a: {  	[tilespmem:s3], [sflag:$0x3] =	stream.linear.gather [hbm4b:s6+s3], $0x800, $0x38;
	[tilespmem:$0x1CC00] =	vst v63  }
0x2b: {  	_ =	swait.ge [sflag:s10], $0x800  }
0x2c: {  	s9 =	rddreg [dreg:$0x4];
	[sflag:s10] =	ssyncset.done $0x0  }
0x2d: {  	[sflag:s10] =	ssyncadd.s32 $0xFFFFF800;
	s6 =	sadd.s32 $0x0, s9  }
0x2e: {  	[tilespmem:s11], [sflag:$0x3] =	stream.linear.gather [hbm4b:s6+s3], $0x800, $0x38;
	[tilespmem:$0x1CC00] =	vst v63  }
0x2f: {  	_ =	swait.ge [sflag:s10], $0x800  }
0x30: {  	[sflag:s10] =	ssyncset.done $0x0  }
0x31: {  	[sflag:s10] =	ssyncadd.s32 $0xFFFFF800  }
0x32: {  	[tilespmem:s13], [sflag:$0x1] =	stream.indirect.gather [hbm4b:s4+s12], $0x80, s3, s12, $0xb8;
	[tilespmem:$0x1CC00] =	vst v63  }
0x33: {  	_ = 	snop  }
0x34: {  	[tilespmem:s14], [sflag:$0x2] =	stream.indirect.gather [hbm4b:s4+s12], $0x80, s12, s12, $0xb8;
	[tilespmem:$0x1CC00] =	vst v63  }
0x35: {  	_ =	swait.ge [sflag:s15], $0x4000  }
0x36: {  	[sflag:s15] =	ssyncset.done $0x0  }
0x37: {  	[sflag:s15] =	ssyncadd.s32 $0xFFFFC000  }
0x38: {  	[spmem:s2] =	stream.indirect.scatter.add.f32 [tilespmem:s13], [sflag:$0x3], $0x80, s11, s12, $0xb8;
	[tilespmem:$0x1CC00] =	vst v63  }
0x39: {  	_ =	swait.ge [sflag:s10], $0x4000  }
0x3a: {  	[sflag:s10] =	ssyncset.done $0x0  }
0x3b: {  	s7 =	rddreg [dreg:$0x5];
	[sflag:s10] =	ssyncadd.s32 $0xFFFFC000  }
0x3c: {  	[tilespmem:s13], [sflag:$0x1] =	stream.indirect.gather [hbm4b:s4+s12], $0x80, s7, s12, $0xb8;
	[tilespmem:$0x1CC00] =	vst v63  }
0x3d: {  	_ =	swait.ge [sflag:s16], $0x4000  }
0x3e: {  	[sflag:s16] =	ssyncset.done $0x0  }
0x3f: {  	s8 =	rddreg [dreg:$0x6];
	[sflag:s16] =	ssyncadd.s32 $0xFFFFC000  }
0x40: {  	[spmem:s2] =	stream.indirect.scatter.add.f32 [tilespmem:s14], [sflag:$0x3], $0x80, s8, s12, $0xb8;
	[tilespmem:$0x1CC00] =	vst v63  }
0x41: {  	_ =	swait.ge [sflag:s10], $0x4000  }
0x42: {  	[sflag:s10] =	ssyncset.done $0x0  }
0x43: {  	s9 =	rddreg [dreg:$0x7];
	[sflag:s10] =	ssyncadd.s32 $0xFFFFC000  }
0x44: {  	[tilespmem:s14], [sflag:$0x2] =	stream.indirect.gather [hbm4b:s4+s12], $0x80, s9, s12, $0xb8;
	[tilespmem:$0x1CC00] =	vst v63  }
0x45: {  	_ =	swait.ge [sflag:s15], $0x4000  }
0x46: {  	[sflag:s15] =	ssyncset.done $0x0  }
0x47: {  	s7 =	rddreg [dreg:$0x8];
	[sflag:s15] =	ssyncadd.s32 $0xFFFFC000  }
0x48: {  	[spmem:s2] =	stream.indirect.scatter.add.f32 [tilespmem:s13], [sflag:$0x3], $0x80, s7, s12, $0xb8;
	[tilespmem:$0x1CC00] =	vst v63  }
0x49: {  	_ =	swait.ge [sflag:s10], $0x4000  }
0x4a: {  	[sflag:s10] =	ssyncset.done $0x0  }
0x4b: {  	s8 =	rddreg [dreg:$0x9];
	[sflag:s10] =	ssyncadd.s32 $0xFFFFC000  }
0x4c: {  	[tilespmem:s13], [sflag:$0x1] =	stream.indirect.gather [hbm4b:s4+s12], $0x80, s8, s12, $0xb8;
	[tilespmem:$0x1CC00] =	vst v63  }
0x4d: {  	_ =	swait.ge [sflag:s16], $0x4000  }
0x4e: {  	[sflag:s16] =	ssyncset.done $0x0  }
0x4f: {  	s9 =	rddreg [dreg:$0xa];
	[sflag:s16] =	ssyncadd.s32 $0xFFFFC000  }
0x50: {  	[spmem:s2] =	stream.indirect.scatter.add.f32 [tilespmem:s14], [sflag:$0x3], $0x80, s9, s12, $0xb8;
	[tilespmem:$0x1CC00] =	vst v63  }
0x51: {  	_ =	swait.ge [sflag:s10], $0x4000  }
0x52: {  	[sflag:s10] =	ssyncset.done $0x0  }
0x53: {  	s7 =	rddreg [dreg:$0xb];
	[sflag:s10] =	ssyncadd.s32 $0xFFFFC000  }
0x54: {  	[tilespmem:s14], [sflag:$0x2] =	stream.indirect.gather [hbm4b:s4+s12], $0x80, s7, s12, $0xb8;
	[tilespmem:$0x1CC00] =	vst v63  }
0x55: {  	_ =	swait.ge [sflag:s15], $0x4000  }
0x56: {  	[sflag:s15] =	ssyncset.done $0x0  }
0x57: {  	s8 =	rddreg [dreg:$0xc];
	[sflag:s15] =	ssyncadd.s32 $0xFFFFC000  }
0x58: {  	[spmem:s2] =	stream.indirect.scatter.add.f32 [tilespmem:s13], [sflag:$0x3], $0x80, s8, s12, $0xb8;
	[tilespmem:$0x1CC00] =	vst v63  }
0x59: {  	_ =	swait.ge [sflag:s10], $0x4000  }
0x5a: {  	[sflag:s10] =	ssyncset.done $0x0  }
0x5b: {  	s9 =	rddreg [dreg:$0xd];
	[sflag:s10] =	ssyncadd.s32 $0xFFFFC000  }
0x5c: {  	[tilespmem:s13], [sflag:$0x1] =	stream.indirect.gather [hbm4b:s4+s12], $0x80, s9, s12, $0xb8;
	[tilespmem:$0x1CC00] =	vst v63  }
0x5d: {  	_ =	swait.ge [sflag:s16], $0x4000  }
0x5e: {  	[sflag:s16] =	ssyncset.done $0x0  }
0x5f: {  	s7 =	rddreg [dreg:$0xe];
	[sflag:s16] =	ssyncadd.s32 $0xFFFFC000  }
0x60: {  	[spmem:s2] =	stream.indirect.scatter.add.f32 [tilespmem:s14], [sflag:$0x3], $0x80, s7, s12, $0xb8;
	[tilespmem:$0x1CC00] =	vst v63  }
0x61: {  	_ =	swait.ge [sflag:s10], $0x4000  }
0x62: {  	[sflag:s10] =	ssyncset.done $0x0  }
0x63: {  	s8 =	rddreg [dreg:$0xf];
	[sflag:s10] =	ssyncadd.s32 $0xFFFFC000  }
0x64: {  	[tilespmem:s14], [sflag:$0x2] =	stream.indirect.gather [hbm4b:s4+s12], $0x80, s8, s12, $0xb8;
	[tilespmem:$0x1CC00] =	vst v63  }
0x65: {  	_ =	swait.ge [sflag:s15], $0x4000  }
0x66: {  	[sflag:s15] =	ssyncset.done $0x0  }
0x67: {  	s9 =	rddreg [dreg:$0x10];
	[sflag:s15] =	ssyncadd.s32 $0xFFFFC000  }
0x68: {  	[spmem:s2] =	stream.indirect.scatter.add.f32 [tilespmem:s13], [sflag:$0x3], $0x80, s9, s12, $0xb8;
	[tilespmem:$0x1CC00] =	vst v63  }
0x69: {  	_ =	swait.ge [sflag:s10], $0x4000  }
0x6a: {  	[sflag:s10] =	ssyncset.done $0x0  }
0x6b: {  	[sflag:s10] =	ssyncadd.s32 $0xFFFFC000  }
0x6c: {  	[tilespmem:s13], [sflag:$0x1] =	stream.indirect.gather [hbm4b:s4+s12], $0x80, s17, s12, $0xb8;
	[tilespmem:$0x1CC00] =	vst v63  }
0x6d: {  	_ =	swait.ge [sflag:s16], $0x4000  }
0x6e: {  	[sflag:s16] =	ssyncset.done $0x0  }
0x6f: {  	[sflag:s16] =	ssyncadd.s32 $0xFFFFC000  }
0x70: {  	[spmem:s2] =	stream.indirect.scatter.add.f32 [tilespmem:s14], [sflag:$0x3], $0x80, s18, s12, $0xb8;
	[tilespmem:$0x1CC00] =	vst v63  }
0x71: {  	_ =	swait.ge [sflag:s10], $0x4000  }
0x72: {  	[sflag:s10] =	ssyncset.done $0x0  }
0x73: {  	[sflag:s10] =	ssyncadd.s32 $0xFFFFC000  }
0x74: {  	[tilespmem:s14], [sflag:$0x2] =	stream.indirect.gather [hbm4b:s4+s12], $0x80, s19, s12, $0xb8;
	[tilespmem:$0x1CC00] =	vst v63  }
0x75: {  	_ =	swait.ge [sflag:s15], $0x4000  }
0x76: {  	[sflag:s15] =	ssyncset.done $0x0  }
0x77: {  	[sflag:s15] =	ssyncadd.s32 $0xFFFFC000  }
0x78: {  	[spmem:s2] =	stream.indirect.scatter.add.f32 [tilespmem:s13], [sflag:$0x3], $0x80, s20, s12, $0xb8;
	[tilespmem:$0x1CC00] =	vst v63  }
0x79: {  	_ =	swait.ge [sflag:s10], $0x4000  }
0x7a: {  	[sflag:s10] =	ssyncset.done $0x0  }
0x7b: {  	[sflag:s10] =	ssyncadd.s32 $0xFFFFC000  }
0x7c: {  	[tilespmem:s13], [sflag:$0x1] =	stream.indirect.gather [hbm4b:s4+s12], $0x80, s21, s12, $0xb8;
	[tilespmem:$0x1CC00] =	vst v63  }
0x7d: {  	_ =	swait.ge [sflag:s16], $0x4000  }
0x7e: {  	[sflag:s16] =	ssyncset.done $0x0  }
0x7f: {  	[sflag:s16] =	ssyncadd.s32 $0xFFFFC000  }
0x80: {  	[spmem:s2] =	stream.indirect.scatter.add.f32 [tilespmem:s14], [sflag:$0x3], $0x80, s22, s12, $0xb8;
	[tilespmem:$0x1CC00] =	vst v63  }
0x81: {  	_ =	swait.ge [sflag:s10], $0x4000  }
0x82: {  	[sflag:s10] =	ssyncset.done $0x0  }
0x83: {  	[sflag:s10] =	ssyncadd.s32 $0xFFFFC000  }
0x84: {  	[tilespmem:s14], [sflag:$0x2] =	stream.indirect.gather [hbm4b:s4+s12], $0x80, s23, s12, $0xb8;
	[tilespmem:$0x1CC00] =	vst v63  }
0x85: {  	_ =	swait.ge [sflag:s15], $0x4000  }
0x86: {  	[sflag:s15] =	ssyncset.done $0x0  }
0x87: {  	[sflag:s15] =	ssyncadd.s32 $0xFFFFC000  }
0x88: {  	[spmem:s2] =	stream.indirect.scatter.add.f32 [tilespmem:s13], [sflag:$0x3], $0x80, s24, s12, $0xb8;
	[tilespmem:$0x1CC00] =	vst v63  }
0x89: {  	_ =	swait.ge [sflag:s10], $0x4000  }
0x8a: {  	[sflag:s10] =	ssyncset.done $0x0  }
0x8b: {  	[sflag:s10] =	ssyncadd.s32 $0xFFFFC000  }
0x8c: {  	[tilespmem:s13], [sflag:$0x1] =	stream.indirect.gather [hbm4b:s4+s12], $0x80, s25, s12, $0xb8;
	[tilespmem:$0x1CC00] =	vst v63  }
0x8d: {  	_ =	swait.ge [sflag:s16], $0x4000  }
0x8e: {  	[sflag:s16] =	ssyncset.done $0x0  }
0x8f: {  	[sflag:s16] =	ssyncadd.s32 $0xFFFFC000  }
0x90: {  	[spmem:s2] =	stream.indirect.scatter.add.f32 [tilespmem:s14], [sflag:$0x3], $0x80, s26, s12, $0xb8;
	[tilespmem:$0x1CC00] =	vst v63  }
0x91: {  	_ =	swait.ge [sflag:s10], $0x4000  }
0x92: {  	[sflag:s10] =	ssyncset.done $0x0  }
0x93: {  	[sflag:s10] =	ssyncadd.s32 $0xFFFFC000  }
0x94: {  	[tilespmem:s14], [sflag:$0x2] =	stream.indirect.gather [hbm4b:s4+s12], $0x80, s28, s12, $0xb8;
	[tilespmem:$0x1CC00] =	vst v63  }
0x95: {  	_ =	swait.ge [sflag:s15], $0x4000  }
0x96: {  	[sflag:s15] =	ssyncset.done $0x0  }
0x97: {  	[sflag:s15] =	ssyncadd.s32 $0xFFFFC000  }
0x98: {  	[spmem:s2] =	stream.indirect.scatter.add.f32 [tilespmem:s13], [sflag:$0x3], $0x80, s29, s12, $0xb8;
	[tilespmem:$0x1CC00] =	vst v63  }
0x99: {  	_ =	swait.ge [sflag:s10], $0x4000  }
0x9a: {  	[sflag:s10] =	ssyncset.done $0x0  }
0x9b: {  	[sflag:s10] =	ssyncadd.s32 $0xFFFFC000  }
0x9c: {  	[tilespmem:s13], [sflag:$0x1] =	stream.indirect.gather [hbm4b:s4+s12], $0x80, s30, s12, $0xb8;
	[tilespmem:$0x1CC00] =	vst v63  }
0x9d: {  	_ =	swait.ge [sflag:s16], $0x4000  }
0x9e: {  	[sflag:s16] =	ssyncset.done $0x0  }
0x9f: {  	[sflag:s16] =	ssyncadd.s32 $0xFFFFC000  }
0xa0: {  	[spmem:s2] =	stream.indirect.scatter.add.f32 [tilespmem:s14], [sflag:$0x3], $0x80, s31, s12, $0xb8;
	[tilespmem:$0x1CC00] =	vst v63  }
0xa1: {  	_ =	swait.ge [sflag:s10], $0x4000  }
0xa2: {  	[sflag:s10] =	ssyncset.done $0x0  }
0xa3: {  	[sflag:s10] =	ssyncadd.s32 $0xFFFFC000  }
0xa4: {  	[tilespmem:s14], [sflag:$0x2] =	stream.indirect.gather [hbm4b:s4+s12], $0x80, s0, s12, $0xb8;
	[tilespmem:$0x1CC00] =	vst v63  }
0xa5: {  	_ =	swait.ge [sflag:s15], $0x4000  }
0xa6: {  	[sflag:s15] =	ssyncset.done $0x0  }
0xa7: {  	[sflag:s15] =	ssyncadd.s32 $0xFFFFC000  }
0xa8: {  	[spmem:s2] =	stream.indirect.scatter.add.f32 [tilespmem:s13], [sflag:$0x3], $0x80, s1, s12, $0xb8;
	[tilespmem:$0x1CC00] =	vst v63  }
0xa9: {  	_ =	swait.ge [sflag:s10], $0x4000  }
0xaa: {  	[sflag:s10] =	ssyncset.done $0x0  }
0xab: {  	[sflag:s10] =	ssyncadd.s32 $0xFFFFC000  }
0xac: {  	_ =	swait.ge [sflag:s16], $0x4000  }
0xad: {  	[sflag:s16] =	ssyncset.done $0x0  }
0xae: {  	[sflag:s16] =	ssyncadd.s32 $0xFFFFC000  }
0xaf: {  	[spmem:s2] =	stream.indirect.scatter.add.f32 [tilespmem:s14], [sflag:$0x3], $0x80, s5, s12, $0xb8;
	[tilespmem:$0x1CC00] =	vst v63  }
0xb0: {  	s6 =	simm.s32 $0x200;
	_ =	swait.ge [sflag:s10], $0x4000  }
0xb1: {  	s8 =	simm.s32 $0x100;
	s9 =	rddreg [dreg:$0x3];
	[sflag:s10] =	ssyncset.done $0x0  }
.LBB2_2:
0xb2: {  	[sflag:s10] =	ssyncadd.s32 $0xFFFFC000;
	s9 =	sadd.s32 s8, s9  }
0xb3: {  	[tilespmem:s3], [sflag:$0x3] =	stream.linear.gather [hbm4b:s9+s3], $0x800, $0x38;
	[tilespmem:$0x1CC00] =	vst v63  }
0xb4: {  	_ =	swait.ge [sflag:s10], $0x800  }
0xb5: {  	s9 =	rddreg [dreg:$0x4];
	[sflag:s10] =	ssyncset.done $0x0  }
0xb6: {  	[sflag:s10] =	ssyncadd.s32 $0xFFFFF800;
	s9 =	sadd.s32 s8, s9  }
0xb7: {  	[tilespmem:s11], [sflag:$0x3] =	stream.linear.gather [hbm4b:s9+s3], $0x800, $0x38;
	[tilespmem:$0x1CC00] =	vst v63  }
0xb8: {  	_ =	swait.ge [sflag:s10], $0x800  }
0xb9: {  	[sflag:s10] =	ssyncset.done $0x0  }
0xba: {  	[sflag:s10] =	ssyncadd.s32 $0xFFFFF800  }
0xbb: {  	[tilespmem:s13], [sflag:$0x1] =	stream.indirect.gather [hbm4b:s4+s12], $0x80, s3, s12, $0xb8;
	[tilespmem:$0x1CC00] =	vst v63  }
0xbc: {  	_ = 	snop  }
0xbd: {  	[tilespmem:s14], [sflag:$0x2] =	stream.indirect.gather [hbm4b:s4+s12], $0x80, s12, s12, $0xb8;
	[tilespmem:$0x1CC00] =	vst v63  }
0xbe: {  	_ =	swait.ge [sflag:s15], $0x4000  }
0xbf: {  	[sflag:s15] =	ssyncset.done $0x0  }
0xc0: {  	[sflag:s15] =	ssyncadd.s32 $0xFFFFC000  }
0xc1: {  	[spmem:s2] =	stream.indirect.scatter.add.f32 [tilespmem:s13], [sflag:$0x3], $0x80, s11, s12, $0xb8;
	[tilespmem:$0x1CC00] =	vst v63  }
0xc2: {  	_ =	swait.ge [sflag:s10], $0x4000  }
0xc3: {  	[sflag:s10] =	ssyncset.done $0x0  }
0xc4: {  	s9 =	rddreg [dreg:$0x5];
	[sflag:s10] =	ssyncadd.s32 $0xFFFFC000  }
0xc5: {  	[tilespmem:s13], [sflag:$0x1] =	stream.indirect.gather [hbm4b:s4+s12], $0x80, s9, s12, $0xb8;
	[tilespmem:$0x1CC00] =	vst v63  }
0xc6: {  	_ =	swait.ge [sflag:s16], $0x4000  }
0xc7: {  	[sflag:s16] =	ssyncset.done $0x0  }
0xc8: {  	s9 =	rddreg [dreg:$0x6];
	[sflag:s16] =	ssyncadd.s32 $0xFFFFC000  }
0xc9: {  	[spmem:s2] =	stream.indirect.scatter.add.f32 [tilespmem:s14], [sflag:$0x3], $0x80, s9, s12, $0xb8;
	[tilespmem:$0x1CC00] =	vst v63  }
0xca: {  	_ =	swait.ge [sflag:s10], $0x4000  }
0xcb: {  	[sflag:s10] =	ssyncset.done $0x0  }
0xcc: {  	s9 =	rddreg [dreg:$0x7];
	[sflag:s10] =	ssyncadd.s32 $0xFFFFC000  }
0xcd: {  	[tilespmem:s14], [sflag:$0x2] =	stream.indirect.gather [hbm4b:s4+s12], $0x80, s9, s12, $0xb8;
	[tilespmem:$0x1CC00] =	vst v63  }
0xce: {  	_ =	swait.ge [sflag:s15], $0x4000  }
0xcf: {  	[sflag:s15] =	ssyncset.done $0x0  }
0xd0: {  	s9 =	rddreg [dreg:$0x8];
	[sflag:s15] =	ssyncadd.s32 $0xFFFFC000  }
0xd1: {  	[spmem:s2] =	stream.indirect.scatter.add.f32 [tilespmem:s13], [sflag:$0x3], $0x80, s9, s12, $0xb8;
	[tilespmem:$0x1CC00] =	vst v63  }
0xd2: {  	_ =	swait.ge [sflag:s10], $0x4000  }
0xd3: {  	[sflag:s10] =	ssyncset.done $0x0  }
0xd4: {  	s9 =	rddreg [dreg:$0x9];
	[sflag:s10] =	ssyncadd.s32 $0xFFFFC000  }
0xd5: {  	[tilespmem:s13], [sflag:$0x1] =	stream.indirect.gather [hbm4b:s4+s12], $0x80, s9, s12, $0xb8;
	[tilespmem:$0x1CC00] =	vst v63  }
0xd6: {  	_ =	swait.ge [sflag:s16], $0x4000  }
0xd7: {  	[sflag:s16] =	ssyncset.done $0x0  }
0xd8: {  	s9 =	rddreg [dreg:$0xa];
	[sflag:s16] =	ssyncadd.s32 $0xFFFFC000  }
0xd9: {  	[spmem:s2] =	stream.indirect.scatter.add.f32 [tilespmem:s14], [sflag:$0x3], $0x80, s9, s12, $0xb8;
	[tilespmem:$0x1CC00] =	vst v63  }
0xda: {  	_ =	swait.ge [sflag:s10], $0x4000  }
0xdb: {  	[sflag:s10] =	ssyncset.done $0x0  }
0xdc: {  	s9 =	rddreg [dreg:$0xb];
	[sflag:s10] =	ssyncadd.s32 $0xFFFFC000  }
0xdd: {  	[tilespmem:s14], [sflag:$0x2] =	stream.indirect.gather [hbm4b:s4+s12], $0x80, s9, s12, $0xb8;
	[tilespmem:$0x1CC00] =	vst v63  }
0xde: {  	_ =	swait.ge [sflag:s15], $0x4000  }
0xdf: {  	[sflag:s15] =	ssyncset.done $0x0  }
0xe0: {  	s9 =	rddreg [dreg:$0xc];
	[sflag:s15] =	ssyncadd.s32 $0xFFFFC000  }
0xe1: {  	[spmem:s2] =	stream.indirect.scatter.add.f32 [tilespmem:s13], [sflag:$0x3], $0x80, s9, s12, $0xb8;
	[tilespmem:$0x1CC00] =	vst v63  }
0xe2: {  	_ =	swait.ge [sflag:s10], $0x4000  }
0xe3: {  	[sflag:s10] =	ssyncset.done $0x0  }
0xe4: {  	s9 =	rddreg [dreg:$0xd];
	[sflag:s10] =	ssyncadd.s32 $0xFFFFC000  }
0xe5: {  	[tilespmem:s13], [sflag:$0x1] =	stream.indirect.gather [hbm4b:s4+s12], $0x80, s9, s12, $0xb8;
	[tilespmem:$0x1CC00] =	vst v63  }
0xe6: {  	_ =	swait.ge [sflag:s16], $0x4000  }
0xe7: {  	[sflag:s16] =	ssyncset.done $0x0  }
0xe8: {  	s9 =	rddreg [dreg:$0xe];
	[sflag:s16] =	ssyncadd.s32 $0xFFFFC000  }
0xe9: {  	[spmem:s2] =	stream.indirect.scatter.add.f32 [tilespmem:s14], [sflag:$0x3], $0x80, s9, s12, $0xb8;
	[tilespmem:$0x1CC00] =	vst v63  }
0xea: {  	_ =	swait.ge [sflag:s10], $0x4000  }
0xeb: {  	[sflag:s10] =	ssyncset.done $0x0  }
0xec: {  	s9 =	rddreg [dreg:$0xf];
	[sflag:s10] =	ssyncadd.s32 $0xFFFFC000  }
0xed: {  	[tilespmem:s14], [sflag:$0x2] =	stream.indirect.gather [hbm4b:s4+s12], $0x80, s9, s12, $0xb8;
	[tilespmem:$0x1CC00] =	vst v63  }
0xee: {  	_ =	swait.ge [sflag:s15], $0x4000  }
0xef: {  	[sflag:s15] =	ssyncset.done $0x0  }
0xf0: {  	s9 =	rddreg [dreg:$0x10];
	[sflag:s15] =	ssyncadd.s32 $0xFFFFC000  }
0xf1: {  	[spmem:s2] =	stream.indirect.scatter.add.f32 [tilespmem:s13], [sflag:$0x3], $0x80, s9, s12, $0xb8;
	[tilespmem:$0x1CC00] =	vst v63  }
0xf2: {  	_ =	swait.ge [sflag:s10], $0x4000  }
0xf3: {  	[sflag:s10] =	ssyncset.done $0x0  }
0xf4: {  	[sflag:s10] =	ssyncadd.s32 $0xFFFFC000  }
0xf5: {  	[tilespmem:s13], [sflag:$0x1] =	stream.indirect.gather [hbm4b:s4+s12], $0x80, s17, s12, $0xb8;
	[tilespmem:$0x1CC00] =	vst v63  }
0xf6: {  	_ =	swait.ge [sflag:s16], $0x4000  }
0xf7: {  	[sflag:s16] =	ssyncset.done $0x0  }
0xf8: {  	[sflag:s16] =	ssyncadd.s32 $0xFFFFC000  }
0xf9: {  	[spmem:s2] =	stream.indirect.scatter.add.f32 [tilespmem:s14], [sflag:$0x3], $0x80, s18, s12, $0xb8;
	[tilespmem:$0x1CC00] =	vst v63  }
0xfa: {  	_ =	swait.ge [sflag:s10], $0x4000  }
0xfb: {  	[sflag:s10] =	ssyncset.done $0x0  }
0xfc: {  	[sflag:s10] =	ssyncadd.s32 $0xFFFFC000  }
0xfd: {  	[tilespmem:s14], [sflag:$0x2] =	stream.indirect.gather [hbm4b:s4+s12], $0x80, s19, s12, $0xb8;
	[tilespmem:$0x1CC00] =	vst v63  }
0xfe: {  	_ =	swait.ge [sflag:s15], $0x4000  }
0xff: {  	[sflag:s15] =	ssyncset.done $0x0  }
0x100: {  	[sflag:s15] =	ssyncadd.s32 $0xFFFFC000  }
0x101: {  	[spmem:s2] =	stream.indirect.scatter.add.f32 [tilespmem:s13], [sflag:$0x3], $0x80, s20, s12, $0xb8;
	[tilespmem:$0x1CC00] =	vst v63  }
0x102: {  	_ =	swait.ge [sflag:s10], $0x4000  }
0x103: {  	[sflag:s10] =	ssyncset.done $0x0  }
0x104: {  	[sflag:s10] =	ssyncadd.s32 $0xFFFFC000  }
0x105: {  	[tilespmem:s13], [sflag:$0x1] =	stream.indirect.gather [hbm4b:s4+s12], $0x80, s21, s12, $0xb8;
	[tilespmem:$0x1CC00] =	vst v63  }
0x106: {  	_ =	swait.ge [sflag:s16], $0x4000  }
0x107: {  	[sflag:s16] =	ssyncset.done $0x0  }
0x108: {  	[sflag:s16] =	ssyncadd.s32 $0xFFFFC000  }
0x109: {  	[spmem:s2] =	stream.indirect.scatter.add.f32 [tilespmem:s14], [sflag:$0x3], $0x80, s22, s12, $0xb8;
	[tilespmem:$0x1CC00] =	vst v63  }
0x10a: {  	_ =	swait.ge [sflag:s10], $0x4000  }
0x10b: {  	[sflag:s10] =	ssyncset.done $0x0  }
0x10c: {  	[sflag:s10] =	ssyncadd.s32 $0xFFFFC000  }
0x10d: {  	[tilespmem:s14], [sflag:$0x2] =	stream.indirect.gather [hbm4b:s4+s12], $0x80, s23, s12, $0xb8;
	[tilespmem:$0x1CC00] =	vst v63  }
0x10e: {  	_ =	swait.ge [sflag:s15], $0x4000  }
0x10f: {  	[sflag:s15] =	ssyncset.done $0x0  }
0x110: {  	[sflag:s15] =	ssyncadd.s32 $0xFFFFC000  }
0x111: {  	[spmem:s2] =	stream.indirect.scatter.add.f32 [tilespmem:s13], [sflag:$0x3], $0x80, s24, s12, $0xb8;
	[tilespmem:$0x1CC00] =	vst v63  }
0x112: {  	_ =	swait.ge [sflag:s10], $0x4000  }
0x113: {  	[sflag:s10] =	ssyncset.done $0x0  }
0x114: {  	[sflag:s10] =	ssyncadd.s32 $0xFFFFC000  }
0x115: {  	[tilespmem:s13], [sflag:$0x1] =	stream.indirect.gather [hbm4b:s4+s12], $0x80, s25, s12, $0xb8;
	[tilespmem:$0x1CC00] =	vst v63  }
0x116: {  	_ =	swait.ge [sflag:s16], $0x4000  }
0x117: {  	[sflag:s16] =	ssyncset.done $0x0  }
0x118: {  	[sflag:s16] =	ssyncadd.s32 $0xFFFFC000  }
0x119: {  	[spmem:s2] =	stream.indirect.scatter.add.f32 [tilespmem:s14], [sflag:$0x3], $0x80, s26, s12, $0xb8;
	[tilespmem:$0x1CC00] =	vst v63  }
0x11a: {  	_ =	swait.ge [sflag:s10], $0x4000  }
0x11b: {  	[sflag:s10] =	ssyncset.done $0x0  }
0x11c: {  	[sflag:s10] =	ssyncadd.s32 $0xFFFFC000  }
0x11d: {  	[tilespmem:s14], [sflag:$0x2] =	stream.indirect.gather [hbm4b:s4+s12], $0x80, s28, s12, $0xb8;
	[tilespmem:$0x1CC00] =	vst v63  }
0x11e: {  	_ =	swait.ge [sflag:s15], $0x4000  }
0x11f: {  	[sflag:s15] =	ssyncset.done $0x0  }
0x120: {  	[sflag:s15] =	ssyncadd.s32 $0xFFFFC000  }
0x121: {  	[spmem:s2] =	stream.indirect.scatter.add.f32 [tilespmem:s13], [sflag:$0x3], $0x80, s29, s12, $0xb8;
	[tilespmem:$0x1CC00] =	vst v63  }
0x122: {  	_ =	swait.ge [sflag:s10], $0x4000  }
0x123: {  	[sflag:s10] =	ssyncset.done $0x0  }
0x124: {  	[sflag:s10] =	ssyncadd.s32 $0xFFFFC000  }
0x125: {  	[tilespmem:s13], [sflag:$0x1] =	stream.indirect.gather [hbm4b:s4+s12], $0x80, s30, s12, $0xb8;
	[tilespmem:$0x1CC00] =	vst v63  }
0x126: {  	_ =	swait.ge [sflag:s16], $0x4000  }
0x127: {  	[sflag:s16] =	ssyncset.done $0x0  }
0x128: {  	[sflag:s16] =	ssyncadd.s32 $0xFFFFC000  }
0x129: {  	[spmem:s2] =	stream.indirect.scatter.add.f32 [tilespmem:s14], [sflag:$0x3], $0x80, s31, s12, $0xb8;
	[tilespmem:$0x1CC00] =	vst v63  }
0x12a: {  	_ =	swait.ge [sflag:s10], $0x4000  }
0x12b: {  	[sflag:s10] =	ssyncset.done $0x0  }
0x12c: {  	[sflag:s10] =	ssyncadd.s32 $0xFFFFC000  }
0x12d: {  	[tilespmem:s14], [sflag:$0x2] =	stream.indirect.gather [hbm4b:s4+s12], $0x80, s0, s12, $0xb8;
	[tilespmem:$0x1CC00] =	vst v63  }
0x12e: {  	_ =	swait.ge [sflag:s15], $0x4000  }
0x12f: {  	[sflag:s15] =	ssyncset.done $0x0  }
0x130: {  	[sflag:s15] =	ssyncadd.s32 $0xFFFFC000  }
0x131: {  	[spmem:s2] =	stream.indirect.scatter.add.f32 [tilespmem:s13], [sflag:$0x3], $0x80, s1, s12, $0xb8;
	[tilespmem:$0x1CC00] =	vst v63  }
0x132: {  	_ =	swait.ge [sflag:s10], $0x4000  }
0x133: {  	[sflag:s10] =	ssyncset.done $0x0  }
0x134: {  	[sflag:s10] =	ssyncadd.s32 $0xFFFFC000  }
0x135: {  	p0 =	sne.s32 s6, $0x400;
	_ =	swait.ge [sflag:s16], $0x4000  }
.Ltmp0:
0x136: {  	[sflag:s16] =	ssyncset.done $0x0;
	(pc) =	sbr.rel @p0 .LBB2_2-.Ltmp0, $4  }
0x137: {  	[sflag:s16] =	ssyncadd.s32 $0xFFFFC000  }
0x138: {  	[spmem:s2] =	stream.indirect.scatter.add.f32 [tilespmem:s14], [sflag:$0x3], $0x80, s5, s12, $0xb8;
	[tilespmem:$0x1CC00] =	vst v63  }
0x139: {  	s7 =	smov.u32 s6;
	s6 =	sadd.s32 $0x100, s6;
	_ =	swait.ge [sflag:s10], $0x4000  }
0x13a: {  	s8 =	smov.u32 s7;
	s9 =	rddreg [dreg:$0x3];
	[sflag:s10] =	ssyncset.done $0x0  }
0x13b: {  	[sflag:s10] =	ssyncadd.s32 $0xFFFFC000;
	s6 =	sadd.s32 s8, s9  }
0x13c: {  	[tilespmem:s3], [sflag:$0x3] =	stream.linear.gather [hbm4b:s6+s3], $0x800, $0x38;
	[tilespmem:$0x1CC00] =	vst v63  }
0x13d: {  	_ =	swait.ge [sflag:s10], $0x800  }
0x13e: {  	s7 =	rddreg [dreg:$0x4];
	[sflag:s10] =	ssyncset.done $0x0  }
0x13f: {  	s6 =	sadd.s32 s8, s7;
	[sflag:s10] =	ssyncadd.s32 $0xFFFFF800  }
0x140: {  	[tilespmem:s11], [sflag:$0x3] =	stream.linear.gather [hbm4b:s6+s3], $0x800, $0x38;
	[tilespmem:$0x1CC00] =	vst v63  }
0x141: {  	_ =	swait.ge [sflag:s10], $0x800  }
0x142: {  	[sflag:s10] =	ssyncset.done $0x0  }
0x143: {  	[sflag:s10] =	ssyncadd.s32 $0xFFFFF800  }
0x144: {  	[tilespmem:s13], [sflag:$0x1] =	stream.indirect.gather [hbm4b:s4+s12], $0x80, s3, s12, $0xb8;
	[tilespmem:$0x1CC00] =	vst v63  }
0x145: {  	_ = 	snop  }
0x146: {  	[tilespmem:s14], [sflag:$0x2] =	stream.indirect.gather [hbm4b:s4+s12], $0x80, s12, s12, $0xb8;
	[tilespmem:$0x1CC00] =	vst v63  }
0x147: {  	_ =	swait.ge [sflag:s15], $0x4000  }
0x148: {  	[sflag:s15] =	ssyncset.done $0x0  }
0x149: {  	[sflag:s15] =	ssyncadd.s32 $0xFFFFC000  }
0x14a: {  	[spmem:s2] =	stream.indirect.scatter.add.f32 [tilespmem:s13], [sflag:$0x3], $0x80, s11, s12, $0xb8;
	[tilespmem:$0x1CC00] =	vst v63  }
0x14b: {  	_ =	swait.ge [sflag:s10], $0x4000  }
0x14c: {  	[sflag:s10] =	ssyncset.done $0x0  }
0x14d: {  	s9 =	rddreg [dreg:$0x5];
	[sflag:s10] =	ssyncadd.s32 $0xFFFFC000  }
0x14e: {  	[tilespmem:s13], [sflag:$0x1] =	stream.indirect.gather [hbm4b:s4+s12], $0x80, s9, s12, $0xb8;
	[tilespmem:$0x1CC00] =	vst v63  }
0x14f: {  	_ =	swait.ge [sflag:s16], $0x4000  }
0x150: {  	[sflag:s16] =	ssyncset.done $0x0  }
0x151: {  	s7 =	rddreg [dreg:$0x6];
	[sflag:s16] =	ssyncadd.s32 $0xFFFFC000  }
0x152: {  	[spmem:s2] =	stream.indirect.scatter.add.f32 [tilespmem:s14], [sflag:$0x3], $0x80, s7, s12, $0xb8;
	[tilespmem:$0x1CC00] =	vst v63  }
0x153: {  	_ =	swait.ge [sflag:s10], $0x4000  }
0x154: {  	[sflag:s10] =	ssyncset.done $0x0  }
0x155: {  	s8 =	rddreg [dreg:$0x7];
	[sflag:s10] =	ssyncadd.s32 $0xFFFFC000  }
0x156: {  	[tilespmem:s14], [sflag:$0x2] =	stream.indirect.gather [hbm4b:s4+s12], $0x80, s8, s12, $0xb8;
	[tilespmem:$0x1CC00] =	vst v63  }
0x157: {  	_ =	swait.ge [sflag:s15], $0x4000  }
0x158: {  	[sflag:s15] =	ssyncset.done $0x0  }
0x159: {  	s9 =	rddreg [dreg:$0x8];
	[sflag:s15] =	ssyncadd.s32 $0xFFFFC000  }
0x15a: {  	[spmem:s2] =	stream.indirect.scatter.add.f32 [tilespmem:s13], [sflag:$0x3], $0x80, s9, s12, $0xb8;
	[tilespmem:$0x1CC00] =	vst v63  }
0x15b: {  	_ =	swait.ge [sflag:s10], $0x4000  }
0x15c: {  	[sflag:s10] =	ssyncset.done $0x0  }
0x15d: {  	s7 =	rddreg [dreg:$0x9];
	[sflag:s10] =	ssyncadd.s32 $0xFFFFC000  }
0x15e: {  	[tilespmem:s13], [sflag:$0x1] =	stream.indirect.gather [hbm4b:s4+s12], $0x80, s7, s12, $0xb8;
	[tilespmem:$0x1CC00] =	vst v63  }
0x15f: {  	_ =	swait.ge [sflag:s16], $0x4000  }
0x160: {  	[sflag:s16] =	ssyncset.done $0x0  }
0x161: {  	s8 =	rddreg [dreg:$0xa];
	[sflag:s16] =	ssyncadd.s32 $0xFFFFC000  }
0x162: {  	[spmem:s2] =	stream.indirect.scatter.add.f32 [tilespmem:s14], [sflag:$0x3], $0x80, s8, s12, $0xb8;
	[tilespmem:$0x1CC00] =	vst v63  }
0x163: {  	_ =	swait.ge [sflag:s10], $0x4000  }
0x164: {  	[sflag:s10] =	ssyncset.done $0x0  }
0x165: {  	s9 =	rddreg [dreg:$0xb];
	[sflag:s10] =	ssyncadd.s32 $0xFFFFC000  }
0x166: {  	[tilespmem:s14], [sflag:$0x2] =	stream.indirect.gather [hbm4b:s4+s12], $0x80, s9, s12, $0xb8;
	[tilespmem:$0x1CC00] =	vst v63  }
0x167: {  	_ =	swait.ge [sflag:s15], $0x4000  }
0x168: {  	[sflag:s15] =	ssyncset.done $0x0  }
0x169: {  	s7 =	rddreg [dreg:$0xc];
	[sflag:s15] =	ssyncadd.s32 $0xFFFFC000  }
0x16a: {  	[spmem:s2] =	stream.indirect.scatter.add.f32 [tilespmem:s13], [sflag:$0x3], $0x80, s7, s12, $0xb8;
	[tilespmem:$0x1CC00] =	vst v63  }
0x16b: {  	_ =	swait.ge [sflag:s10], $0x4000  }
0x16c: {  	[sflag:s10] =	ssyncset.done $0x0  }
0x16d: {  	s8 =	rddreg [dreg:$0xd];
	[sflag:s10] =	ssyncadd.s32 $0xFFFFC000  }
0x16e: {  	[tilespmem:s13], [sflag:$0x1] =	stream.indirect.gather [hbm4b:s4+s12], $0x80, s8, s12, $0xb8;
	[tilespmem:$0x1CC00] =	vst v63  }
0x16f: {  	_ =	swait.ge [sflag:s16], $0x4000  }
0x170: {  	[sflag:s16] =	ssyncset.done $0x0  }
0x171: {  	s9 =	rddreg [dreg:$0xe];
	[sflag:s16] =	ssyncadd.s32 $0xFFFFC000  }
0x172: {  	[spmem:s2] =	stream.indirect.scatter.add.f32 [tilespmem:s14], [sflag:$0x3], $0x80, s9, s12, $0xb8;
	[tilespmem:$0x1CC00] =	vst v63  }
0x173: {  	_ =	swait.ge [sflag:s10], $0x4000  }
0x174: {  	[sflag:s10] =	ssyncset.done $0x0  }
0x175: {  	s7 =	rddreg [dreg:$0xf];
	[sflag:s10] =	ssyncadd.s32 $0xFFFFC000  }
0x176: {  	[tilespmem:s14], [sflag:$0x2] =	stream.indirect.gather [hbm4b:s4+s12], $0x80, s7, s12, $0xb8;
	[tilespmem:$0x1CC00] =	vst v63  }
0x177: {  	_ =	swait.ge [sflag:s15], $0x4000  }
0x178: {  	[sflag:s15] =	ssyncset.done $0x0  }
0x179: {  	s8 =	rddreg [dreg:$0x10];
	[sflag:s15] =	ssyncadd.s32 $0xFFFFC000  }
0x17a: {  	[spmem:s2] =	stream.indirect.scatter.add.f32 [tilespmem:s13], [sflag:$0x3], $0x80, s8, s12, $0xb8;
	[tilespmem:$0x1CC00] =	vst v63  }
0x17b: {  	_ =	swait.ge [sflag:s10], $0x4000  }
0x17c: {  	[sflag:s10] =	ssyncset.done $0x0  }
0x17d: {  	[sflag:s10] =	ssyncadd.s32 $0xFFFFC000  }
0x17e: {  	[tilespmem:s13], [sflag:$0x1] =	stream.indirect.gather [hbm4b:s4+s12], $0x80, s17, s12, $0xb8;
	[tilespmem:$0x1CC00] =	vst v63  }
0x17f: {  	_ =	swait.ge [sflag:s16], $0x4000  }
0x180: {  	[sflag:s16] =	ssyncset.done $0x0  }
0x181: {  	[sflag:s16] =	ssyncadd.s32 $0xFFFFC000  }
0x182: {  	[spmem:s2] =	stream.indirect.scatter.add.f32 [tilespmem:s14], [sflag:$0x3], $0x80, s18, s12, $0xb8;
	[tilespmem:$0x1CC00] =	vst v63  }
0x183: {  	_ =	swait.ge [sflag:s10], $0x4000  }
0x184: {  	[sflag:s10] =	ssyncset.done $0x0  }
0x185: {  	[sflag:s10] =	ssyncadd.s32 $0xFFFFC000  }
0x186: {  	[tilespmem:s14], [sflag:$0x2] =	stream.indirect.gather [hbm4b:s4+s12], $0x80, s19, s12, $0xb8;
	[tilespmem:$0x1CC00] =	vst v63  }
0x187: {  	_ =	swait.ge [sflag:s15], $0x4000  }
0x188: {  	[sflag:s15] =	ssyncset.done $0x0  }
0x189: {  	[sflag:s15] =	ssyncadd.s32 $0xFFFFC000  }
0x18a: {  	[spmem:s2] =	stream.indirect.scatter.add.f32 [tilespmem:s13], [sflag:$0x3], $0x80, s20, s12, $0xb8;
	[tilespmem:$0x1CC00] =	vst v63  }
0x18b: {  	_ =	swait.ge [sflag:s10], $0x4000  }
0x18c: {  	[sflag:s10] =	ssyncset.done $0x0  }
0x18d: {  	[sflag:s10] =	ssyncadd.s32 $0xFFFFC000  }
0x18e: {  	[tilespmem:s13], [sflag:$0x1] =	stream.indirect.gather [hbm4b:s4+s12], $0x80, s21, s12, $0xb8;
	[tilespmem:$0x1CC00] =	vst v63  }
0x18f: {  	_ =	swait.ge [sflag:s16], $0x4000  }
0x190: {  	[sflag:s16] =	ssyncset.done $0x0  }
0x191: {  	[sflag:s16] =	ssyncadd.s32 $0xFFFFC000  }
0x192: {  	[spmem:s2] =	stream.indirect.scatter.add.f32 [tilespmem:s14], [sflag:$0x3], $0x80, s22, s12, $0xb8;
	[tilespmem:$0x1CC00] =	vst v63  }
0x193: {  	_ =	swait.ge [sflag:s10], $0x4000  }
0x194: {  	[sflag:s10] =	ssyncset.done $0x0  }
0x195: {  	[sflag:s10] =	ssyncadd.s32 $0xFFFFC000  }
0x196: {  	[tilespmem:s14], [sflag:$0x2] =	stream.indirect.gather [hbm4b:s4+s12], $0x80, s23, s12, $0xb8;
	[tilespmem:$0x1CC00] =	vst v63  }
0x197: {  	_ =	swait.ge [sflag:s15], $0x4000  }
0x198: {  	[sflag:s15] =	ssyncset.done $0x0  }
0x199: {  	[sflag:s15] =	ssyncadd.s32 $0xFFFFC000  }
0x19a: {  	[spmem:s2] =	stream.indirect.scatter.add.f32 [tilespmem:s13], [sflag:$0x3], $0x80, s24, s12, $0xb8;
	[tilespmem:$0x1CC00] =	vst v63  }
0x19b: {  	_ =	swait.ge [sflag:s10], $0x4000  }
0x19c: {  	[sflag:s10] =	ssyncset.done $0x0  }
0x19d: {  	[sflag:s10] =	ssyncadd.s32 $0xFFFFC000  }
0x19e: {  	[tilespmem:s13], [sflag:$0x1] =	stream.indirect.gather [hbm4b:s4+s12], $0x80, s25, s12, $0xb8;
	[tilespmem:$0x1CC00] =	vst v63  }
0x19f: {  	_ =	swait.ge [sflag:s16], $0x4000  }
0x1a0: {  	[sflag:s16] =	ssyncset.done $0x0  }
0x1a1: {  	[sflag:s16] =	ssyncadd.s32 $0xFFFFC000  }
0x1a2: {  	[spmem:s2] =	stream.indirect.scatter.add.f32 [tilespmem:s14], [sflag:$0x3], $0x80, s26, s12, $0xb8;
	[tilespmem:$0x1CC00] =	vst v63  }
0x1a3: {  	_ =	swait.ge [sflag:s10], $0x4000  }
0x1a4: {  	[sflag:s10] =	ssyncset.done $0x0  }
0x1a5: {  	[sflag:s10] =	ssyncadd.s32 $0xFFFFC000  }
0x1a6: {  	[tilespmem:s14], [sflag:$0x2] =	stream.indirect.gather [hbm4b:s4+s12], $0x80, s28, s12, $0xb8;
	[tilespmem:$0x1CC00] =	vst v63  }
0x1a7: {  	_ =	swait.ge [sflag:s15], $0x4000  }
0x1a8: {  	[sflag:s15] =	ssyncset.done $0x0  }
0x1a9: {  	[sflag:s15] =	ssyncadd.s32 $0xFFFFC000  }
0x1aa: {  	[spmem:s2] =	stream.indirect.scatter.add.f32 [tilespmem:s13], [sflag:$0x3], $0x80, s29, s12, $0xb8;
	[tilespmem:$0x1CC00] =	vst v63  }
0x1ab: {  	_ =	swait.ge [sflag:s10], $0x4000  }
0x1ac: {  	[sflag:s10] =	ssyncset.done $0x0  }
0x1ad: {  	[sflag:s10] =	ssyncadd.s32 $0xFFFFC000  }
0x1ae: {  	[tilespmem:s13], [sflag:$0x1] =	stream.indirect.gather [hbm4b:s4+s12], $0x80, s30, s12, $0xb8;
	[tilespmem:$0x1CC00] =	vst v63  }
0x1af: {  	_ =	swait.ge [sflag:s16], $0x4000  }
0x1b0: {  	[sflag:s16] =	ssyncset.done $0x0  }
0x1b1: {  	[sflag:s16] =	ssyncadd.s32 $0xFFFFC000  }
0x1b2: {  	[spmem:s2] =	stream.indirect.scatter.add.f32 [tilespmem:s14], [sflag:$0x3], $0x80, s31, s12, $0xb8;
	[tilespmem:$0x1CC00] =	vst v63  }
0x1b3: {  	_ =	swait.ge [sflag:s10], $0x4000  }
0x1b4: {  	[sflag:s10] =	ssyncset.done $0x0  }
0x1b5: {  	[sflag:s10] =	ssyncadd.s32 $0xFFFFC000  }
0x1b6: {  	[tilespmem:s14], [sflag:$0x2] =	stream.indirect.gather [hbm4b:s4+s12], $0x80, s0, s12, $0xb8;
	[tilespmem:$0x1CC00] =	vst v63  }
0x1b7: {  	_ =	swait.ge [sflag:s15], $0x4000  }
0x1b8: {  	[sflag:s15] =	ssyncset.done $0x0  }
0x1b9: {  	[sflag:s15] =	ssyncadd.s32 $0xFFFFC000  }
0x1ba: {  	[spmem:s2] =	stream.indirect.scatter.add.f32 [tilespmem:s13], [sflag:$0x3], $0x80, s1, s12, $0xb8;
	[tilespmem:$0x1CC00] =	vst v63  }
0x1bb: {  	_ =	swait.ge [sflag:s10], $0x4000  }
0x1bc: {  	[sflag:s10] =	ssyncset.done $0x0  }
0x1bd: {  	[sflag:s10] =	ssyncadd.s32 $0xFFFFC000  }
0x1be: {  	_ =	swait.ge [sflag:s16], $0x4000  }
0x1bf: {  	[sflag:s16] =	ssyncset.done $0x0  }
0x1c0: {  	[sflag:s16] =	ssyncadd.s32 $0xFFFFC000  }
0x1c1: {  	[spmem:s2] =	stream.indirect.scatter.add.f32 [tilespmem:s14], [sflag:$0x3], $0x80, s5, s12, $0xb8;
	[tilespmem:$0x1CC00] =	vst v63  }
0x1c2: {  	_ =	swait.ge [sflag:s10], $0x4000  }
0x1c3: {  	[sflag:s10] =	ssyncset.done $0x0  }
0x1c4: {  	[sflag:s10] =	ssyncadd.s32 $0xFFFFC000  }
0x1c5: {  	[bflag:$0x0] =	sbarrier.arrive $0xFFFF  }
0x1c6: {  	s7 =	rddreg [dreg:$0x12]  }
0x1c7: {  	s9 =	rddreg [dreg:$0x13]  }
0x1c8: {  	s8 =	rddreg [dreg:$0x15]  }
0x1c9: {  	[hbm:s9], [sflag:s7] =	dma.local [spmem:s8], $0x2780  }
0x1ca: {  	_ =	swait.ge [sflag:s10], $0x2780  }
0x1cb: {  	s6 =	rddreg [dreg:$0x16]  }
0x1cc: {  	s9 =	sadd.s32 $0x1, s6;
	s6 =	rddreg [dreg:$0x14]  }
0x1cd: {  	p0 =	sne.s32 s9, s6  }
.Ltmp1:
0x1ce: {  	_ = 	snop;
	(pc) =	sbr.rel @p0 .LBB2_1-.Ltmp1, $3  }
0x1cf: {  	_ =	sdelay $0x1  }
0x1d0: {  	[sflag:s10] =	ssyncset.done $0x0  }
0x1d1: {  	[sflag:s10] =	ssyncadd.s32 $0xFFFFD880  }
0x1d2: {  	_ =	sfence.sel $0x180000  }
0x1d3: {  	[bflag:$0x0] =	sbarrier.arrive $0xFFFF  }
0x1d4: {  	_ =	strace $0x9000004D  }
0x1d5: {  	s0 =	stileid.u32;
	[bflag:$0x2] =	sbarrier.arrive $0xFFFF  }
0x1d6: {  	p0 =	sne.s32 s0, $0x0;
	s0 =	rddreg [dreg:$0x2]  }
0x1d7: {  	s0 =	sadd.s32 @!p0 $0x100000, s0  }
0x1d8: {  	[sflag:s0] =	ssyncadd.tile.s32 @!p0 $0x1;
	_ =	shalt  }
.Lfunc_end2:
_tile_overlayer_lowered:
.L_overlay_start_2:
0x1d9: {  	(tag) =	ssettag $0x2  }
0x1da: {  	s0 =	rddreg [dreg:$0x0];
	s2 =	stileid.u32  }
0x1db: {  	s1 =	rddreg [dreg:$0x1];
	p0 =	sne.s32 s2, $0x0  }
0x1dc: {  	s3 =	rddreg [dreg:$0x2];
	[bflag:$0x3] =	sbarrier.arrive $0xFFFF;
	s2 =	simm.s32 @!p0 $0x1C03  }
0x1dd: {  	[timem:s3], [sflag:s2] =	dma.local @!p0 [hbm:s0], s1  }
0x1de: {  	s0 =	simm.s32 @!p0 $0x3  }
0x1df: {  	_ =	swait.ge @!p0 [sflag:s0], s1  }
0x1e0: {  	s1 =	ssub.s32 @!p0 $0x0, s1;
	[sflag:s0] =	ssyncset.done @!p0 $0x0  }
0x1e1: {  	[sflag:s0] =	ssyncadd.s32 @!p0 s1  }
0x1e2: {  	[bflag:$0x3] =	sbarrier.arrive $0xFFFF  }
0x1e3: {  	_ =	shalt  }

// kernel: kernel.9.cloned.1.call-start
scs
__scs_entry_jumppad:
0x0: {  	(pc) =	sbr.rel $0x88, $3  }
0x1: {  	(tag) =	ssettag $0x0;
	lr =	simm.s32 $0x1  }
0x2: {  	[smem:$0x3F99] =	sst lr;
	_ =	strace $0xD0000000  }
0x3: {  	_ = 	snop  }
0x4: {  	_ = 	snop  }
0x5: {  	_ = 	snop  }
0x6: {  	_ = 	snop  }
0x7: {  	_ = 	snop  }
__scs_overlays_trampoline_lowered:
0x8: {  	[smem:$0x3FA8] =	sst s0  }
0x9: {  	[smem:$0x3FA9] =	sst s1  }
0xa: {  	[smem:$0x3FAA] =	sst s2  }
0xb: {  	[smem:$0x3FAB] =	sst s3  }
0xc: {  	[smem:$0x3FAC] =	sst s4  }
0xd: {  	[smem:$0x3FAD] =	sst s5  }
0xe: {  	[smem:$0x3FAE] =	sst s6  }
0xf: {  	[smem:$0x3FAF] =	sst s7  }
0x10: {  	[smem:$0x3FB0] =	sst s8  }
0x11: {  	[smem:$0x3FB1] =	sst s9;
	s0 =	simm.s32 @!p0 $0x0  }
0x12: {  	s1 =	sld [smem:$0x3F97];
	s0 =	simm.s32 @p0 $0x1  }
0x13: {  	[smem:$0x3FB2] =	sst s0;
	s0 =	simm.s32 @!p1 $0x0  }
0x14: {  	s2 =	sld [smem:$0x3F96];
	s0 =	simm.s32 @p1 $0x1  }
0x15: {  	[smem:$0x3FB3] =	sst s0;
	s0 =	simm.s32 @!p2 $0x0  }
0x16: {  	s3 =	sld [smem:$0x3FDB];
	s0 =	simm.s32 @p2 $0x1  }
0x17: {  	s4 =	simm.s32 $0x1BF5;
	[smem:$0x3FB5] =	sst s0  }
0x18: {  	s0 =	sld [smem:$0x3F98];
	_ =	swait.ge [sflag:s4], $0x0  }
0x19: {  	s7 =	sld [smem:$0x3F99]  }
0x1a: {  	s8 =	sadd.s32 $0xFFFFE003, lr  }
0x1b: {  	s9 =	sadd.s32 $0xFFFFFEF7, lr;
	s5 =	simm.s32 $0xFFFFFFFF;
	p2 =	slt.u32 s8, $0xFFFFF086  }
0x1c: {  	p1 =	slt.u32 s9, $0xF7A;
	s5 =	simm.s32 @!p2 $0x0  }
0x1d: {  	s5 =	simm.s32 @p1 $0x1;
	p0 =	seq.s32 s7, s2  }
0x1e: {  	s7 =	smul.u32 @!p0 $0xF7A, s2;
	p2 =	seq.s32 @!p0 s5, $0x0  }
0x1f: {  	s9 =	smul.u32 $0xF7A, s1;
	s8 =	simm.s32 @!p0 $0x1BF5;
	p2 =	por !p2, p0  }
0x20: {  	[sflag:s8] =	ssyncset.s32 @!p0 $0xFFFFF086;
	s6 =	sadd.s32 @!p0 s3, s7;
	s7 =	simm.s32 @!p0 $0x108  }
0x21: {  	s3 =	sadd.s32 s3, s9;
	s6 =	sadd.s32 @!p0 $0x88, s6;
	s7 =	simm.s32 @p2 $0x1082  }
0x22: {  	[simem:s7], [sflag:s8] =	dma.local @!p0 [hbm:s6], $0xF7A  }
0x23: {  	s9 =	sor.u32 $0xD0000000, s2;
	s6 =	simm.s32 $0x108;
	_ =	swait.ge @!p0 [sflag:s8], $0x0  }
0x24: {  	s3 =	sadd.s32 $0x88, s3;
	s6 =	simm.s32 @!p1 $0x1082;
	[sflag:s4] =	ssyncset.s32 $0xFFFFF086  }
0x25: {  	[simem:s6], [sflag:s4] =	dma.local [hbm:s3], $0xF7A  }
0x26: {  	[smem:$0x3F99] =	sst s1;
	(tag) =	ssettag s2;
	_ =	strace s9  }
0x27: {  	s1 =	sld [smem:$0x3FA9]  }
0x28: {  	s2 =	sld [smem:$0x3FAA]  }
0x29: {  	s4 =	sld [smem:$0x3FAC]  }
0x2a: {  	p0 =	seq.s32 s5, $0x0;
	s5 =	sld [smem:$0x3FAD]  }
0x2b: {  	s6 =	sld [smem:$0x3FAE]  }
0x2c: {  	s7 =	sld [smem:$0x3FAF]  }
0x2d: {  	s3 =	simm.s32 $0x108;
	s8 =	sld [smem:$0x3FB0]  }
0x2e: {  	s3 =	simm.s32 @!p0 $0x1082;
	s9 =	sld [smem:$0x3FB1]  }
0x2f: {  	lr =	sadd.s32 s0, s3;
	s0 =	sld [smem:$0x3FA8]  }
0x30: {  	s3 =	sld [smem:$0x3FAB]  }
0x31: {  	[smem:$0x3FB4] =	sst s10  }
0x32: {  	s10 =	sld [smem:$0x3FB2];
	_ =	sdelay $0x3  }
0x33: {  	p0 =	seq.s32 s10, $0x1;
	s10 =	sld [smem:$0x3FB4];
	_ =	sdelay $0x3  }
0x34: {  	[smem:$0x3FB4] =	sst s10  }
0x35: {  	s10 =	sld [smem:$0x3FB3];
	_ =	sdelay $0x3  }
0x36: {  	p1 =	seq.s32 s10, $0x1;
	s10 =	sld [smem:$0x3FB4];
	_ =	sdelay $0x3  }
0x37: {  	[smem:$0x3FB4] =	sst s10  }
0x38: {  	s10 =	sld [smem:$0x3FB5]  }
0x39: {  	_ = 	snop;
	(pc) =	sbr.ind lr, $3  }
0x3a: {  	_ = 	snop  }
0x3b: {  	_ = 	snop  }
0x3c: {  	p2 =	seq.s32 s10, $0x1;
	s10 =	sld [smem:$0x3FB4]  }
0x3d: {  	_ =	shalt  }
0x3e: {  	_ =	shalt  }
0x3f: {  	_ =	shalt  }
0x40: {  	_ =	shalt  }
0x41: {  	_ =	shalt  }
0x42: {  	_ =	shalt  }
0x43: {  	_ =	shalt  }
0x44: {  	_ =	shalt  }
0x45: {  	_ =	shalt  }
0x46: {  	_ =	shalt  }
0x47: {  	_ =	shalt  }
0x48: {  	_ =	shalt  }
0x49: {  	_ =	shalt  }
0x4a: {  	_ =	shalt  }
0x4b: {  	_ =	shalt  }
0x4c: {  	_ =	shalt  }
0x4d: {  	_ =	shalt  }
0x4e: {  	_ =	shalt  }
0x4f: {  	_ =	shalt  }
0x50: {  	_ =	shalt  }
0x51: {  	_ =	shalt  }
0x52: {  	_ =	shalt  }
0x53: {  	_ =	shalt  }
0x54: {  	_ =	shalt  }
0x55: {  	_ =	shalt  }
0x56: {  	_ =	shalt  }
0x57: {  	_ =	shalt  }
0x58: {  	_ =	shalt  }
0x59: {  	_ =	shalt  }
0x5a: {  	_ =	shalt  }
0x5b: {  	_ =	shalt  }
0x5c: {  	_ =	shalt  }
0x5d: {  	_ =	shalt  }
0x5e: {  	_ =	shalt  }
0x5f: {  	_ =	shalt  }
0x60: {  	_ =	shalt  }
0x61: {  	_ =	shalt  }
0x62: {  	_ =	shalt  }
0x63: {  	_ =	shalt  }
0x64: {  	_ =	shalt  }
0x65: {  	_ =	shalt  }
0x66: {  	_ =	shalt  }
0x67: {  	_ =	shalt  }
0x68: {  	_ =	shalt  }
0x69: {  	_ =	shalt  }
0x6a: {  	_ =	shalt  }
0x6b: {  	_ =	shalt  }
0x6c: {  	_ =	shalt  }
0x6d: {  	_ =	shalt  }
0x6e: {  	_ =	shalt  }
0x6f: {  	_ =	shalt  }
0x70: {  	_ =	shalt  }
0x71: {  	_ =	shalt  }
0x72: {  	_ =	shalt  }
0x73: {  	_ =	shalt  }
0x74: {  	_ =	shalt  }
0x75: {  	_ =	shalt  }
0x76: {  	_ =	shalt  }
0x77: {  	_ =	shalt  }
0x78: {  	_ =	shalt  }
0x79: {  	_ =	shalt  }
0x7a: {  	_ =	shalt  }
0x7b: {  	_ =	shalt  }
0x7c: {  	_ =	shalt  }
0x7d: {  	_ =	shalt  }
0x7e: {  	_ =	shalt  }
0x7f: {  	_ =	shalt  }
0x80: {  	_ =	shalt  }
0x81: {  	_ =	shalt  }
0x82: {  	_ =	shalt  }
0x83: {  	_ =	shalt  }
0x84: {  	_ =	shalt  }
0x85: {  	_ =	shalt  }
0x86: {  	_ =	shalt  }
0x87: {  	_ =	shalt  }
.Lfunc_end0:
.L_simem_size_0:
called_computation_lowered:
.L_overlay_start_0:
0x88: {  	s2 =	sld [smem:$0x3FD9]  }
0x89: {  	s3 =	sld [smem:$0x3FFE];
	_ =	sdelay $0x1  }
0x8a: {  	s1 =	srdreg.scid  }
0x8b: {  	s0 =	sand.u32 $0x1, s1  }
0x8c: {  	s16 =	sshll.u32 s0, $0xA;
	s2 =	sadd.s32 s3, s2  }
0x8d: {  	s2 =	sadd.s32 s2, s16  }
0x8e: {  	[smem:$0x3FC0] =	sst s2  }
0x8f: {  	_ = 	snop  }
0x90: {  	(tm) =	ssettm $0x1  }
0x91: {  	s17 =	sld [smem:$0x3FFB];
	_ =	sdelay $0x3  }
0x92: {  	_ =	strace s17  }
0x93: {  	s2 =	sld [smem:$0x3FFC];
	_ =	sdelay $0x3  }
0x94: {  	_ =	strace s2  }
0x95: {  	s2 =	sld [smem:$0x3FFD];
	_ =	sdelay $0x3  }
0x96: {  	_ =	strace s2  }
0x97: {  	_ =	strace $0x8FFFFFFF  }
0x98: {  	s18 =	sld [smem:$0x3FDB];
	_ =	sdelay $0x1  }
0x99: {  	s19 =	simm.s32 $_scs_section_size  }
0x9a: {  	s4 =	simm.s32 $_size__tile_overlayer_lowered;
	s5 =	simm.s32 $_tile_overlayer_lowered  }
0x9b: {  	s22 =	simm.s32 $0x1BFF;
	s21 =	sshll.u32 s5, $0x1;
	s2 =	sadd.s32 s19, s18  }
0x9c: {  	s6 =	simm.s32 $0x0;
	s20 =	sshll.u32 s4, $0x1;
	s4 =	sadd.s32 s21, s2  }
0x9d: {  	[timem:s6], [sflag:s22] =	dma.local [hbm:s4], s20  }
0x9e: {  	_ =	swait.ge [sflag:s22], s20  }
0x9f: {  	s3 =	ssub.s32 $0x0, s20;
	[sflag:s22] =	ssyncset.done $0x0  }
0xa0: {  	[sflag:s22] =	ssyncadd.s32 s3;
	_ =	sdelay $0x1  }
0xa1: {  	s23 =	simm.s32 $0x1B8B  }
0xa2: {  	_ =	swait.ge [sflag:s23], $0x1  }
0xa3: {  	[sflag:s23] =	ssyncset.done $0x0  }
0xa4: {  	s25 =	simm.s32 $0x1B8E;
	s24 =	sld [smem:$0x3FFE];
	[sflag:s23] =	ssyncadd.s32 $0xFFFFFFFF  }
0xa5: {  	s26 =	simm.s32 $execute0_lowered;
	[smem:$0x3FD2] =	sst s25  }
0xa6: {  	s4 =	sshll.u32 s26, $0x1;
	_ =	strace $0x80000046;
	[dreg:$0x1] =	wrdreg $0xFFFFFFFF  }
0xa7: {  	s28 =	simm.s32 $_size_execute0_lowered;
	s2 =	sadd.s32 s2, s4;
	[dreg:$0x0] =	wrdreg $0x0  }
0xa8: {  	s4 =	sshll.u32 s28, $0x1;
	[dreg:$0x2] =	wrdreg s2  }
0xa9: {  	[dreg:$0x3] =	wrdreg s4  }
0xaa: {  	[dreg:$0x4] =	wrdreg $0xC0  }
0xab: {  	_ =	task [dreg:s6], $0x5FFFF  }
0xac: {  	[dreg:$0x1] =	wrdreg $0xFFFFFFFF  }
0xad: {  	[dreg:$0x0] =	wrdreg $0x60  }
0xae: {  	[dreg:$0x2] =	wrdreg s24  }
0xaf: {  	[dreg:$0x3] =	wrdreg $0x54000  }
0xb0: {  	[dreg:$0x4] =	wrdreg $0x9  }
0xb1: {  	_ =	task.clear_ibuf [dreg:s6], $0x5FFFF;
	_ =	strace $0x90000046  }
0xb2: {  	s29 =	simm.s32 $0x9;
	_ =	strace $0x80000048  }
0xb3: {  	_ =	swait.ge [sflag:s29], $0x1  }
0xb4: {  	[sflag:s29] =	ssyncadd.s32 $0xFFFFFFFF  }
0xb5: {  	_ =	strace $0x90000048  }
0xb6: {  	_ =	sfence  }
0xb7: {  	s30 =	sld [smem:$0x0];
	_ =	sdelay $0x2  }
0xb8: {  	s31 =	sshll.u32 s1, $0xD;
	s1 =	sshrl.u32 s1, $0x2  }
0xb9: {  	s3 =	sand.u32 $0x4000, s31;
	s1 =	sadd.s32 s1, s30  }
0xba: {  	s0 =	sor.u32 s3, s0;
	s1 =	sshll.u32 s1, $0x11  }
0xbb: {  	s0 =	sor.u32 s1, s0  }
0xbc: {  	s0 =	sadd.s32 $0x8F2B, s0  }
0xbd: {  	[sflag:s0] =	ssyncadd.remote.s32 $0x1  }
0xbe: {  	_ =	sfence.sel $0xFFFF  }
0xbf: {  	[dreg:$0x0] =	wrdreg $0xFFFFFFFF;
	(pc) =	sbr.abs _section_cstart, $3  }
0xc0: {  	[dreg:$0x1] =	wrdreg $0xFFFFFFFF  }
0xc1: {  	_ =	task.clear_ibuf [dreg:s6], $0x2FFFF;
	_ =	strace $0x9FFFFFFF  }
0xc2: {  	(tm) =	ssettm $0x7FFFFFFF  }
0xc3: {  	_ =	shalt  }
tec
execute0_lowered:
.L_overlay_start_1:
0x0: {  	(tag) =	ssettag $0x1  }
0x1: {  	s1 =	srdreg.scid  }
0x2: {  	s0 =	stileid.u32;
	s5 =	rddreg [dreg:$0x0]  }
0x3: {  	s2 =	rddreg [dreg:$0x1];
	s3 =	simm.s32 $0x0;
	s4 =	smul.u32 $0x2800, s0  }
0x4: {  	s13 =	simm.s32 $0x80;
	s14 =	simm.s32 $0x0;
	s28 =	smul.u32 $0x13C00, s0  }
0x5: {  	s6 =	sand.u32 $0x1, s1;
	s1 =	rddreg [dreg:$0x2];
	s29 =	smul.u32 $0x4F000, s0  }
0x6: {  	[smem:$0x7FF] =	sst s3;
	s31 =	sshll.u32 s0, $0x6;
	s7 =	smul.u32 $0x1400, s6  }
0x7: {  	_ =	strace $0x80000047;
	s8 =	smul.u32 $0x13C000, s6;
	s6 =	ssub.s32 $0x2, s6  }
0x8: {  	s10 =	sshrl.u32 s28, $0x3;
	s11 =	sshrl.u32 s6, $0x1;
	s30 =	sshrl.u32 s29, $0x2  }
0x9: {  	s4 =	sadd.s32 s7, s4;
	s7 =	sadd.s32 s28, s8;
	s10 =	sadd.s32 s10, s5  }
0xa: {  	s11 =	ssub.s32 s6, s11;
	s12 =	sadd.s32 s30, s2;
	s4 =	sshrl.u32 s4, $0x3  }
0xb: {  	s7 =	sshrl.u32 s7, $0x3;
	s6 =	sadd.s32 $0x7000, s10;
	s8 =	smax.u32 s11, $0x1  }
0xc: {  	s10 =	simm.s32 $0x1400;
	s11 =	sor.u32 $0x1C01, s31;
	s12 =	sshrl.u32 s12, $0x3  }
0xd: {  	s9 =	sadd.s32 s4, s5;
	s4 =	sadd.s32 $0x2E800, s5;
	s7 =	sadd.s32 s7, s5  }
0xe: {  	s5 =	sadd.s32 $0x2000, s9;
	s7 =	sadd.s32 $0x2F000, s7;
	s9 =	simm.s32 $0x1  }
.LBB2_1:
0xf: {  	[tilespmem:s3], [sflag:$0x1] =	stream.linear.gather [hbm4b:s5+s3], $0x1400, $0x38;
	[tilespmem:$0x19000] =	vst v63  }
0x10: {  	_ =	swait.ge [sflag:s9], $0x1400  }
0x11: {  	[sflag:s9] =	ssyncset.done $0x0  }
0x12: {  	[sflag:s9] =	ssyncadd.s32 $0xFFFFEC00  }
0x13: {  	[tilespmem:s10], [sflag:$0x1] =	stream.linear.gather [hbm4b:s4+s3], $0x4000, $0x38;
	[tilespmem:$0x19000] =	vst v63  }
0x14: {  	_ =	swait.ge [sflag:s9], $0x4000  }
0x15: {  	[sflag:s9] =	ssyncset.done $0x0  }
0x16: {  	[sflag:s9] =	ssyncadd.s32 $0xFFFFC000  }
0x17: {  	[spmem:s12], [sflag:s11] =	dma.local [hbm:s6], $0x2780  }
0x18: {  	_ =	swait.ge [sflag:s9], $0x2780  }
0x19: {  	[sflag:s9] =	ssyncset.done $0x0  }
0x1a: {  	[sflag:s9] =	ssyncadd.s32 $0xFFFFD880  }
0x1b: {  	s15 =	simm.s32 $0x0;
	[bflag:$0x0] =	sbarrier.arrive $0xFFFF  }
0x1c: {  	[spmem:s2] =	stream.indirect.scatter.add.f32 [tilespmem:s10], [sflag:$0x1], $0x80, s15, s13, $0xb8;
	[tilespmem:$0x19000] =	vst v63  }
0x1d: {  	_ =	swait.ge [sflag:s9], $0x4000  }
0x1e: {  	s15 =	simm.s32 $0x200;
	[sflag:s9] =	ssyncset.done $0x0  }
.LBB2_2:
0x1f: {  	s16 =	sshra.s32 s15, $0x2;
	[sflag:s9] =	ssyncadd.s32 $0xFFFFC000;
	p0 =	sne.s32 s15, $0x4E00  }
0x20: {  	[spmem:s2] =	stream.indirect.scatter.add.f32 [tilespmem:s10], [sflag:$0x1], $0x80, s16, s13, $0xb8;
	[tilespmem:$0x19000] =	vst v63  }
.Ltmp0:
0x21: {  	_ = 	snop;
	(pc) =	sbr.rel @p0 .LBB2_2-.Ltmp0, $4  }
0x22: {  	_ = 	snop  }
0x23: {  	s15 =	sadd.s32 $0x200, s15  }
0x24: {  	_ =	swait.ge [sflag:s9], $0x4000  }
0x25: {  	[sflag:s9] =	ssyncset.done $0x0  }
0x26: {  	s14 =	sadd.s32 $0x1, s14  }
0x27: {  	[sflag:s9] =	ssyncadd.s32 $0xFFFFC000;
	p0 =	sne.s32 s14, s8  }
.Ltmp1:
0x28: {  	[bflag:$0x0] =	sbarrier.arrive $0xFFFF;
	(pc) =	sbr.rel @p0 .LBB2_1-.Ltmp1, $4  }
0x29: {  	[hbm:s7], [sflag:s11] =	dma.local [spmem:s12], $0x2780  }
0x2a: {  	_ =	swait.ge [sflag:s9], $0x2780  }
0x2b: {  	[sflag:s9] =	ssyncset.done $0x0  }
0x2c: {  	[sflag:s9] =	ssyncadd.s32 $0xFFFFD880  }
0x2d: {  	_ =	sfence.sel $0x180000  }
0x2e: {  	[bflag:$0x0] =	sbarrier.arrive $0xFFFF  }
0x2f: {  	p0 =	sne.s32 s0, $0x0;
	_ =	strace $0x90000047  }
0x30: {  	s0 =	sadd.s32 @!p0 $0x100000, s1;
	[bflag:$0x2] =	sbarrier.arrive $0xFFFF  }
0x31: {  	[sflag:s0] =	ssyncadd.tile.s32 @!p0 $0x1;
	_ =	shalt  }
.Lfunc_end2:
_tile_overlayer_lowered:
.L_overlay_start_2:
0x32: {  	(tag) =	ssettag $0x2  }
0x33: {  	s0 =	rddreg [dreg:$0x0];
	s2 =	stileid.u32  }
0x34: {  	s1 =	rddreg [dreg:$0x1];
	p0 =	sne.s32 s2, $0x0  }
0x35: {  	s3 =	rddreg [dreg:$0x2];
	[bflag:$0x3] =	sbarrier.arrive $0xFFFF;
	s2 =	simm.s32 @!p0 $0x1C01  }
0x36: {  	[timem:s3], [sflag:s2] =	dma.local @!p0 [hbm:s0], s1  }
0x37: {  	s0 =	simm.s32 @!p0 $0x1  }
0x38: {  	_ =	swait.ge @!p0 [sflag:s0], s1  }
0x39: {  	s1 =	ssub.s32 @!p0 $0x0, s1;
	[sflag:s0] =	ssyncset.done @!p0 $0x0  }
0x3a: {  	[sflag:s0] =	ssyncadd.s32 @!p0 s1  }
0x3b: {  	[bflag:$0x3] =	sbarrier.arrive $0xFFFF  }
0x3c: {  	_ =	shalt  }

</sc_bundles>
